<compile_context>
chip_gen: v7x
topology: tpu7x:2x2x1
jax: 0.10.2.dev20260603
libtpu: 0.0.44.dev20260713+nightly
codegen_flags: <defaults>
</compile_context>

<pallas_src>
import jax
import jax.numpy as jnp
from jax import lax
from jax.experimental import pallas as pl
from jax.experimental.pallas import tpu as pltpu
from jax.experimental.pallas import tpu_sc as plsc

VOCAB = 1000000
DIM = 64
EPS = 1e-05
L = 16
NC = 2
NS = 16
NW = NC * NS
B_TOTAL = 16384 * 50
W_ROWS = B_TOTAL // NW
CH = 256
NCH = W_ROWS // CH
SUB = CH // 128
NB = CH // L
IB = W_ROWS // 128


def _ntz(n):
    b = 0
    while not (n >> b) & 1:
        b += 1
    return b


def _rsqrt(x):
    i = plsc.bitcast(x, jnp.int32)
    i = jnp.full((L,), 0x5F3759DF, jnp.int32) - lax.shift_right_logical(
        i, jnp.full((L,), 1, jnp.int32))
    y = plsc.bitcast(i, jnp.float32)
    half = jnp.full((L,), 0.5, jnp.float32)
    three_half = jnp.full((L,), 1.5, jnp.float32)
    for _ in range(3):
        y = y * (three_half - half * x * y * y)
    return y


def _sc_body(table_hbm, idx_hbm, gam_hbm, bet_hbm, out_hbm,
             idx_v, rows_v, out_v, gam_v, bet_v, sem_g, sem_w):
    wid = lax.axis_index("s") * NC + lax.axis_index("c")
    pltpu.sync_copy(gam_hbm, gam_v)
    pltpu.sync_copy(bet_hbm, bet_v)
    g_regs = [gam_v[pl.ds(L * k, L)] for k in range(4)]
    b_regs = [bet_v[pl.ds(L * k, L)] for k in range(4)]
    iota = lax.iota(jnp.int32, L)
    const65 = iota * jnp.full((L,), DIM + 1, jnp.int32)
    zeros16 = jnp.zeros((L,), jnp.int32)
    inv_d = jnp.full((L,), 1.0 / DIM, jnp.float32)
    zero = jnp.zeros((L,), jnp.float32)
    eps = jnp.full((L,), EPS, jnp.float32)

    def stage_idx(g):
        pltpu.sync_copy(
            idx_hbm.at[pl.ds(wid * IB + g * SUB, SUB)],
            idx_v.at[g % 2])

    def start_gather(g):
        for j in range(SUB):
            pltpu.async_copy(table_hbm.at[idx_v.at[g % 2, j]],
                             rows_v.at[g % 2, pl.ds(128 * j, 128)], sem_g)

    def wait_gather(g):
        for j in range(SUB):
            pltpu.make_async_copy(table_hbm.at[idx_v.at[g % 2, j]],
                                  rows_v.at[g % 2, pl.ds(128 * j, 128)],
                                  sem_g).wait()

    def start_wb(g):
        pltpu.async_copy(out_v.at[g % 2],
                         out_hbm.at[pl.ds(wid * W_ROWS + g * CH, CH)], sem_w)

    def wait_wb(g):
        pltpu.make_async_copy(out_v.at[g % 2],
                              out_hbm.at[pl.ds(wid * W_ROWS + g * CH, CH)],
                              sem_w).wait()

    stage_idx(0)
    start_gather(0)

    @pl.loop(0, NCH)
    def _chunk(g):
        @pl.when(g < NCH - 1)
        def _prefetch():
            stage_idx(g + 1)

        wait_gather(g)

        @pl.when(g < NCH - 1)
        def _launch():
            start_gather(g + 1)

        @pl.when(g >= 1)
        def _drain():
            wait_wb(g - 1)

        rbuf = rows_v.at[g % 2]
        obuf = out_v.at[g % 2]

        @pl.loop(0, NB)
        def _block(b):
            for r0 in range(0, L, 8):
                rows_g = [b * L + (r0 + rr) for rr in range(8)]
                vs = [[rbuf[q, pl.ds(L * k, L)] for k in range(4)]
                      for q in rows_g]
                stats = []
                for v in vs:
                    s = (v[0] + v[1]) + (v[2] + v[3])
                    t = (v[0] * v[0] + v[1] * v[1]) + (v[2] * v[2] + v[3] * v[3])
                    stats.append((plsc.cumsum(s), plsc.cumsum(t)))
                for q, v, (cs, ct) in zip(rows_g, vs, stats):
                    mean_r = cs[15] * (1.0 / DIM)
                    var_r = ct[15] * (1.0 / DIM) - mean_r * mean_r
                    x = jnp.maximum(var_r, 0.0) + EPS
                    i = lax.bitcast_convert_type(x, jnp.int32)
                    i = 0x5F3759DF - lax.shift_right_logical(i, 1)
                    y = lax.bitcast_convert_type(i, jnp.float32)
                    for _ in range(3):
                        y = y * (1.5 - 0.5 * x * y * y)
                    m = zero + mean_r
                    rs = zero + y
                    for k in range(4):
                        obuf[q, pl.ds(L * k, L)] = (
                            (v[k] - m) * rs * g_regs[k] + b_regs[k])

        start_wb(g)

    wait_wb(NCH - 1)


@jax.jit
def _run(table, idx2d, gamma, beta):
    mesh = plsc.VectorSubcoreMesh(core_axis_name="c", subcore_axis_name="s",
                                  num_cores=NC, num_subcores=NS)
    f = pl.kernel(
        _sc_body,
        out_type=jax.ShapeDtypeStruct((B_TOTAL, DIM), jnp.float32),
        mesh=mesh,
        scratch_types=[
            pltpu.VMEM((2, SUB, 128), jnp.int32),
            pltpu.VMEM((2, CH, DIM), jnp.float32),
            pltpu.VMEM((2, CH, DIM), jnp.float32),
            pltpu.VMEM((DIM,), jnp.float32),
            pltpu.VMEM((DIM,), jnp.float32),
            pltpu.SemaphoreType.DMA,
            pltpu.SemaphoreType.DMA,
        ],
        compiler_params=pltpu.CompilerParams(needs_layout_passes=False,
                                             use_tc_tiling_on_sc=False),
    )
    return f(table, idx2d, gamma, beta)


def kernel(input_ids, table, gamma, beta):
    bsz, seq = input_ids.shape
    idx2d = input_ids.astype(jnp.int32).reshape(-1, 128)
    out = _run(table, idx2d, gamma, beta)
    return out.reshape(bsz, seq, DIM)

# --- scband reference (transcript-rebuilt; emitter-appended) ---
"""Pipeline reference for scband-trans-tab-word-embedding-77506979823918 (READ-ONLY COPY).

The authoritative reference and input builder live on the scoring server;
editing this copy changes nothing except your own understanding.
"""

import jax, jax.numpy as jnp
import numpy as np

VOCAB = 1000000
DIM = 64
EPS = 1e-05

def setup_inputs(seed: int = 0) -> dict:
    key = jax.random.key(seed)
    k1, k2 = jax.random.split(key)
    # kaiming_normal_ on [vocab, dim] weight: fan_in = dim, gain = sqrt(2)
    std = float(np.sqrt(2.0 / DIM))
    table = jax.random.normal(k1, (VOCAB, DIM), dtype=jnp.float32) * std
    input_ids = jax.random.randint(k2, (16384, 50), 0, VOCAB, dtype=jnp.int64)
    gamma = jnp.ones((DIM,), dtype=jnp.float32)
    beta = jnp.zeros((DIM,), dtype=jnp.float32)
    return {"input_ids": input_ids, "table": table, "gamma": gamma, "beta": beta}

def reference(input_ids, table, gamma, beta):
    # embedding lookup (gather)
    emb = jnp.take(table, input_ids, axis=0)  # [B, L, D]
    # LayerNorm over last dim
    mean = jnp.mean(emb, axis=-1, keepdims=True)
    var = jnp.mean(jnp.square(emb - mean), axis=-1, keepdims=True)
    normed = (emb - mean) / jnp.sqrt(var + EPS)
    out = normed * gamma + beta
    # dropout with p=0 is identity
    return out

if __name__ == "__main__":
    import jax
    _d = setup_inputs()
    print(jax.jit(kernel)(*tuple(_d.values())))

</pallas_src>

<mosaic_0001>
#map = affine_map<(d0, d1) -> (0, 0)>
#map1 = affine_map<(d0, d1) -> (0)>
module attributes {stable_mosaic.version = 14 : i64} {
  func.func @_sc_body(%arg0: i32, %arg1: i32, %arg2: memref<1000000x64xf32, #tpu.memory_space<hbm>>, %arg3: memref<6400x128xi32, #tpu.memory_space<hbm>>, %arg4: memref<64xf32, #tpu.memory_space<hbm>>, %arg5: memref<64xf32, #tpu.memory_space<hbm>>, %arg6: memref<819200x64xf32, #tpu.memory_space<hbm>>, %arg7: memref<2x2x128xi32, #tpu.memory_space<vmem>>, %arg8: memref<2x256x64xf32, #tpu.memory_space<vmem>>, %arg9: memref<2x256x64xf32, #tpu.memory_space<vmem>>, %arg10: memref<64xf32, #tpu.memory_space<vmem>>, %arg11: memref<64xf32, #tpu.memory_space<vmem>>, %arg12: memref<!tpu.dma_semaphore, #tpu.memory_space<semaphore_mem>>, %arg13: memref<!tpu.dma_semaphore, #tpu.memory_space<semaphore_mem>>) attributes {dimension_semantics = [#tpu.dimension_semantics<core_parallel>, #tpu.dimension_semantics<subcore_parallel>], iteration_bounds = array<i64: 2, 16>, scalar_prefetch = 0 : i64, scratch_operands = 7 : i64, tpu.core_type = #tpu.core_type<sc_vector_subcore>, window_params = [{transform_indices = #map}, {transform_indices = #map}, {transform_indices = #map1}, {transform_indices = #map1}, {transform_indices = #map}]} {
    %mul3A = arith.constant 2 : i32
    %mul3A_0 = arith.muli %arg1, %mul3A : i32
    %add3A = arith.addi %mul3A_0, %arg0 : i32
    "tpu.region"() ({
      %run_scoped3A_75 = tpu.sem_alloc : memref<!tpu.dma_semaphore, #tpu.memory_space<semaphore_mem>>
      tpu.enqueue_dma source(%arg4 : memref<64xf32, #tpu.memory_space<hbm>>) target(%arg10 : memref<64xf32, #tpu.memory_space<vmem>>) target_semaphore(%run_scoped3A_75 : memref<!tpu.dma_semaphore, #tpu.memory_space<semaphore_mem>>)
      tpu.wait_dma2 semaphore(%run_scoped3A_75 : memref<!tpu.dma_semaphore, #tpu.memory_space<semaphore_mem>>) src(%arg4 : memref<64xf32, #tpu.memory_space<hbm>>) dst(%arg10 : memref<64xf32, #tpu.memory_space<vmem>>)
      tpu.yield
    }) : () -> ()
    "tpu.region"() ({
      %run_scoped3A_75 = tpu.sem_alloc : memref<!tpu.dma_semaphore, #tpu.memory_space<semaphore_mem>>
      tpu.enqueue_dma source(%arg5 : memref<64xf32, #tpu.memory_space<hbm>>) target(%arg11 : memref<64xf32, #tpu.memory_space<vmem>>) target_semaphore(%run_scoped3A_75 : memref<!tpu.dma_semaphore, #tpu.memory_space<semaphore_mem>>)
      tpu.wait_dma2 semaphore(%run_scoped3A_75 : memref<!tpu.dma_semaphore, #tpu.memory_space<semaphore_mem>>) src(%arg5 : memref<64xf32, #tpu.memory_space<hbm>>) dst(%arg11 : memref<64xf32, #tpu.memory_space<vmem>>)
      tpu.yield
    }) : () -> ()
    %get3A = arith.constant 0 : index
    %get3A_1 = tpu.vector_load %arg10[%get3A] {strides = array<i32>} : memref<64xf32, #tpu.memory_space<vmem>>, vector<16xf32>,
    %get3A_2 = arith.constant 16 : index
    %get3A_3 = tpu.vector_load %arg10[%get3A_2] {strides = array<i32>} : memref<64xf32, #tpu.memory_space<vmem>>, vector<16xf32>,
    %get3A_4 = arith.constant 32 : index
    %get3A_5 = tpu.vector_load %arg10[%get3A_4] {strides = array<i32>} : memref<64xf32, #tpu.memory_space<vmem>>, vector<16xf32>,
    %get3A_6 = arith.constant 48 : index
    %get3A_7 = tpu.vector_load %arg10[%get3A_6] {strides = array<i32>} : memref<64xf32, #tpu.memory_space<vmem>>, vector<16xf32>,
    %get3A_8 = arith.constant 0 : index
    %get3A_9 = tpu.vector_load %arg11[%get3A_8] {strides = array<i32>} : memref<64xf32, #tpu.memory_space<vmem>>, vector<16xf32>,
    %get3A_10 = arith.constant 16 : index
    %get3A_11 = tpu.vector_load %arg11[%get3A_10] {strides = array<i32>} : memref<64xf32, #tpu.memory_space<vmem>>, vector<16xf32>,
    %get3A_12 = arith.constant 32 : index
    %get3A_13 = tpu.vector_load %arg11[%get3A_12] {strides = array<i32>} : memref<64xf32, #tpu.memory_space<vmem>>, vector<16xf32>,
    %get3A_14 = arith.constant 48 : index
    %get3A_15 = tpu.vector_load %arg11[%get3A_14] {strides = array<i32>} : memref<64xf32, #tpu.memory_space<vmem>>, vector<16xf32>,
    %iota3A = tpu.iota {dimensions = array<i32: 0>} : vector<16xi32>
    %broadcast_in_dim3A = arith.constant 65 : i32
    %broadcast_in_dim3A_16 = vector.broadcast %broadcast_in_dim3A : i32 to vector<16xi32>
    %mul3A_17 = arith.muli %iota3A, %broadcast_in_dim3A_16 : vector<16xi32>
    %broadcast_in_dim3A_18 = arith.constant 0 : i32
    %broadcast_in_dim3A_19 = vector.broadcast %broadcast_in_dim3A_18 : i32 to vector<16xi32>
    %broadcast_in_dim3A_20 = arith.constant 1.562500e-02 : f32
    %broadcast_in_dim3A_21 = vector.broadcast %broadcast_in_dim3A_20 : f32 to vector<16xf32>
    %broadcast_in_dim3A_22 = arith.constant 0.000000e+00 : f32
    %broadcast_in_dim3A_23 = vector.broadcast %broadcast_in_dim3A_22 : f32 to vector<16xf32>
    %broadcast_in_dim3A_24 = arith.constant 9.99999974E-6 : f32
    %broadcast_in_dim3A_25 = vector.broadcast %broadcast_in_dim3A_24 : f32 to vector<16xf32>
    %mul3A_26 = arith.constant 200 : i32
    %mul3A_27 = arith.muli %add3A, %mul3A_26 : i32
    %add3A_28 = arith.constant 0 : i32
    %add3A_29 = arith.addi %mul3A_27, %add3A_28 : i32
    %run_scoped3A = arith.constant 0 : i32
    "tpu.region"() ({
      %run_scoped3A_75 = tpu.sem_alloc : memref<!tpu.dma_semaphore, #tpu.memory_space<semaphore_mem>>
      %dma_start3A_76 = arith.constant 0 : i32
      %dma_start3A_77 = arith.constant 0 : i32
      %dma_start3A_78 = tpu.memref_slice %arg7[%run_scoped3A, %dma_start3A_76, %dma_start3A_77] : memref<2x2x128xi32, #tpu.memory_space<vmem>> -> memref<1x2x128xi32, #tpu.memory_space<vmem>>
      %dma_start3A_79 = tpu.memref_squeeze %dma_start3A_78 : memref<1x2x128xi32, #tpu.memory_space<vmem>> -> memref<2x128xi32, #tpu.memory_space<vmem>>
      %dma_start3A_80 = arith.constant 0 : i32
      %dma_start3A_81 = tpu.memref_slice %arg3[%add3A_29, %dma_start3A_80] : memref<6400x128xi32, #tpu.memory_space<hbm>> -> memref<2x128xi32, #tpu.memory_space<hbm>>
      %dma_start3A_82 = arith.constant 0 : i32
      %dma_start3A_83 = arith.constant 0 : i32
      %dma_start3A_84 = tpu.memref_slice %arg7[%run_scoped3A, %dma_start3A_82, %dma_start3A_83] : memref<2x2x128xi32, #tpu.memory_space<vmem>> -> memref<1x2x128xi32, #tpu.memory_space<vmem>>
      %dma_start3A_85 = tpu.memref_squeeze %dma_start3A_84 : memref<1x2x128xi32, #tpu.memory_space<vmem>> -> memref<2x128xi32, #tpu.memory_space<vmem>>
      %dma_start3A_86 = arith.constant 0 : i32
      %dma_start3A_87 = tpu.memref_slice %arg3[%add3A_29, %dma_start3A_86] : memref<6400x128xi32, #tpu.memory_space<hbm>> -> memref<2x128xi32, #tpu.memory_space<hbm>>
      tpu.enqueue_dma source(%dma_start3A_87 : memref<2x128xi32, #tpu.memory_space<hbm>>) target(%dma_start3A_85 : memref<2x128xi32, #tpu.memory_space<vmem>>) target_semaphore(%run_scoped3A_75 : memref<!tpu.dma_semaphore, #tpu.memory_space<semaphore_mem>>)
      %dma_wait3A_88 = arith.constant 0 : i32
      %dma_wait3A_89 = arith.constant 0 : i32
      %dma_wait3A_90 = tpu.memref_slice %arg7[%run_scoped3A, %dma_wait3A_88, %dma_wait3A_89] : memref<2x2x128xi32, #tpu.memory_space<vmem>> -> memref<1x2x128xi32, #tpu.memory_space<vmem>>
      %dma_wait3A_91 = tpu.memref_squeeze %dma_wait3A_90 : memref<1x2x128xi32, #tpu.memory_space<vmem>> -> memref<2x128xi32, #tpu.memory_space<vmem>>
      %dma_wait3A_92 = arith.constant 0 : i32
      %dma_wait3A_93 = tpu.memref_slice %arg3[%add3A_29, %dma_wait3A_92] : memref<6400x128xi32, #tpu.memory_space<hbm>> -> memref<2x128xi32, #tpu.memory_space<hbm>>
      %dma_wait3A_94 = arith.constant 0 : i32
      %dma_wait3A_95 = arith.constant 0 : i32
      %dma_wait3A_96 = tpu.memref_slice %arg7[%run_scoped3A, %dma_wait3A_94, %dma_wait3A_95] : memref<2x2x128xi32, #tpu.memory_space<vmem>> -> memref<1x2x128xi32, #tpu.memory_space<vmem>>
      %dma_wait3A_97 = tpu.memref_squeeze %dma_wait3A_96 : memref<1x2x128xi32, #tpu.memory_space<vmem>> -> memref<2x128xi32, #tpu.memory_space<vmem>>
      %dma_wait3A_98 = arith.constant 0 : i32
      %dma_wait3A_99 = tpu.memref_slice %arg3[%add3A_29, %dma_wait3A_98] : memref<6400x128xi32, #tpu.memory_space<hbm>> -> memref<2x128xi32, #tpu.memory_space<hbm>>
      tpu.wait_dma2 semaphore(%run_scoped3A_75 : memref<!tpu.dma_semaphore, #tpu.memory_space<semaphore_mem>>) src(%dma_wait3A_99 : memref<2x128xi32, #tpu.memory_space<hbm>>) dst(%dma_wait3A_97 : memref<2x128xi32, #tpu.memory_space<vmem>>)
      tpu.yield
    }) : () -> ()
    %dma_start3A = arith.constant 0 : i32
    %dma_start3A_30 = arith.constant 0 : i32
    %dma_start3A_31 = arith.constant 0 : i32
    %dma_start3A_32 = arith.constant 0 : i32
    %dma_start3A_33 = arith.constant 0 : i32
    %dma_start3A_34 = tpu.memref_slice %arg8[%dma_start3A_31, %dma_start3A_32, %dma_start3A_33] : memref<2x256x64xf32, #tpu.memory_space<vmem>> -> memref<1x128x64xf32, #tpu.memory_space<vmem>>
    %dma_start3A_35 = tpu.memref_squeeze %dma_start3A_34 : memref<1x128x64xf32, #tpu.memory_space<vmem>> -> memref<128x64xf32, #tpu.memory_space<vmem>>
    %dma_start3A_36 = arith.constant 0 : i32
    %dma_start3A_37 = tpu.memref_slice %arg7[%dma_start3A, %dma_start3A_30, %dma_start3A_36] : memref<2x2x128xi32, #tpu.memory_space<vmem>> -> memref<1x1x128xi32, #tpu.memory_space<vmem>>
    %dma_start3A_38 = tpu.memref_squeeze %dma_start3A_37 : memref<1x1x128xi32, #tpu.memory_space<vmem>> -> memref<128xi32, #tpu.memory_space<vmem>>
    %dma_start3A_39 = arith.constant 0 : i32
    %dma_start3A_40 = arith.constant 0 : i32
    %dma_start3A_41 = tpu.memref_slice %arg2[%dma_start3A_39, %dma_start3A_40] : memref<1000000x64xf32, #tpu.memory_space<hbm>> -> memref<1000000x64xf32, #tpu.memory_space<hbm>>
    tpu.enqueue_indirect_dma source(%dma_start3A_41 : memref<1000000x64xf32, #tpu.memory_space<hbm>>) target(%dma_start3A_35 : memref<128x64xf32, #tpu.memory_space<vmem>>) offsets(%dma_start3A_38 : memref<128xi32, #tpu.memory_space<vmem>>) semaphore(%arg12 : memref<!tpu.dma_semaphore, #tpu.memory_space<semaphore_mem>>)
    %dma_start3A_42 = arith.constant 0 : i32
    %dma_start3A_43 = arith.constant 1 : i32
    %dma_start3A_44 = arith.constant 0 : i32
    %dma_start3A_45 = arith.constant 128 : i32
    %dma_start3A_46 = arith.constant 0 : i32
    %dma_start3A_47 = tpu.memref_slice %arg8[%dma_start3A_44, %dma_start3A_45, %dma_start3A_46] : memref<2x256x64xf32, #tpu.memory_space<vmem>> -> memref<1x128x64xf32, #tpu.memory_space<vmem>>
    %dma_start3A_48 = tpu.memref_squeeze %dma_start3A_47 : memref<1x128x64xf32, #tpu.memory_space<vmem>> -> memref<128x64xf32, #tpu.memory_space<vmem>>
    %dma_start3A_49 = arith.constant 0 : i32
    %dma_start3A_50 = tpu.memref_slice %arg7[%dma_start3A_42, %dma_start3A_43, %dma_start3A_49] : memref<2x2x128xi32, #tpu.memory_space<vmem>> -> memref<1x1x128xi32, #tpu.memory_space<vmem>>
    %dma_start3A_51 = tpu.memref_squeeze %dma_start3A_50 : memref<1x1x128xi32, #tpu.memory_space<vmem>> -> memref<128xi32, #tpu.memory_space<vmem>>
    %dma_start3A_52 = arith.constant 0 : i32
    %dma_start3A_53 = arith.constant 0 : i32
    %dma_start3A_54 = tpu.memref_slice %arg2[%dma_start3A_52, %dma_start3A_53] : memref<1000000x64xf32, #tpu.memory_space<hbm>> -> memref<1000000x64xf32, #tpu.memory_space<hbm>>
    tpu.enqueue_indirect_dma source(%dma_start3A_54 : memref<1000000x64xf32, #tpu.memory_space<hbm>>) target(%dma_start3A_48 : memref<128x64xf32, #tpu.memory_space<vmem>>) offsets(%dma_start3A_51 : memref<128xi32, #tpu.memory_space<vmem>>) semaphore(%arg12 : memref<!tpu.dma_semaphore, #tpu.memory_space<semaphore_mem>>)
    %scan3A = arith.constant 0 : i32
    %scan3A_55 = arith.constant 100 : i32
    %scan3A_56 = arith.addi %scan3A, %scan3A_55 : i32
    %scan3A_57 = arith.constant 1 : i32
    scf.for %scan3A_75 = %scan3A to %scan3A_56 step %scan3A_57  : i32 {
      %mul3A_76 = arith.constant 1 : i32
      %mul3A_77 = arith.muli %scan3A_75, %mul3A_76 : i32
      %add3A_78 = arith.constant 0 : i32
      %add3A_79 = arith.addi %add3A_78, %mul3A_77 : i32
      %lt3A = arith.constant 99 : i32
      %lt3A_80 = arith.cmpi slt, %add3A_79, %lt3A : i32
      %convert_element_type3A = arith.extui %lt3A_80 : i1 to i32
      %cond3A = arith.constant 0 : i32
      %cond3A_81 = arith.cmpi ne, %convert_element_type3A, %cond3A : i32
      scf.if %cond3A_81 {
        %add3A_241 = arith.constant 1 : i32
        %add3A_242 = arith.addi %add3A_79, %add3A_241 : i32
        %mul3A_243 = arith.constant 200 : i32
        %mul3A_244 = arith.muli %add3A, %mul3A_243 : i32
        %mul3A_245 = arith.constant 2 : i32
        %mul3A_246 = arith.muli %add3A_242, %mul3A_245 : i32
        %add3A_247 = arith.addi %mul3A_244, %mul3A_246 : i32
        %jit3A_248 = arith.constant 2 : i32
        %eq3A_249 = arith.constant 0 : i32
        %eq3A_250 = arith.cmpi eq, %jit3A_248, %eq3A_249 : i32
        %jit3A_251 = arith.constant 1 : i32
        %select_n3A_252 = arith.select %eq3A_250, %jit3A_251, %jit3A_248 : i32
        %rem3A_253 = arith.remsi %add3A_242, %select_n3A_252 : i32
        %ne3A_254 = arith.constant 0 : i32
        %ne3A_255 = arith.cmpi ne, %rem3A_253, %ne3A_254 : i32
        %lt3A_256 = arith.constant 0 : i32
        %lt3A_257 = arith.cmpi slt, %rem3A_253, %lt3A_256 : i32
        %lt3A_258 = arith.constant 0 : i32
        %lt3A_259 = arith.cmpi slt, %select_n3A_252, %lt3A_258 : i32
        %ne3A_260 = arith.xori %lt3A_257, %lt3A_259 : i1
        %and3A_261 = arith.andi %ne3A_260, %ne3A_255 : i1
        %add3A_262 = arith.addi %rem3A_253, %select_n3A_252 : i32
        %select_n3A_263 = arith.select %and3A_261, %add3A_262, %rem3A_253 : i32
        "tpu.region"() ({
          %run_scoped3A_264 = tpu.sem_alloc : memref<!tpu.dma_semaphore, #tpu.memory_space<semaphore_mem>>
          %dma_start3A_265 = arith.constant 0 : i32
          %dma_start3A_266 = arith.constant 0 : i32
          %dma_start3A_267 = tpu.memref_slice %arg7[%select_n3A_263, %dma_start3A_265, %dma_start3A_266] : memref<2x2x128xi32, #tpu.memory_space<vmem>> -> memref<1x2x128xi32, #tpu.memory_space<vmem>>
          %dma_start3A_268 = tpu.memref_squeeze %dma_start3A_267 : memref<1x2x128xi32, #tpu.memory_space<vmem>> -> memref<2x128xi32, #tpu.memory_space<vmem>>
          %dma_start3A_269 = arith.constant 0 : i32
          %dma_start3A_270 = tpu.memref_slice %arg3[%add3A_247, %dma_start3A_269] : memref<6400x128xi32, #tpu.memory_space<hbm>> -> memref<2x128xi32, #tpu.memory_space<hbm>>
          %dma_start3A_271 = arith.constant 0 : i32
          %dma_start3A_272 = arith.constant 0 : i32
          %dma_start3A_273 = tpu.memref_slice %arg7[%select_n3A_263, %dma_start3A_271, %dma_start3A_272] : memref<2x2x128xi32, #tpu.memory_space<vmem>> -> memref<1x2x128xi32, #tpu.memory_space<vmem>>
          %dma_start3A_274 = tpu.memref_squeeze %dma_start3A_273 : memref<1x2x128xi32, #tpu.memory_space<vmem>> -> memref<2x128xi32, #tpu.memory_space<vmem>>
          %dma_start3A_275 = arith.constant 0 : i32
          %dma_start3A_276 = tpu.memref_slice %arg3[%add3A_247, %dma_start3A_275] : memref<6400x128xi32, #tpu.memory_space<hbm>> -> memref<2x128xi32, #tpu.memory_space<hbm>>
          tpu.enqueue_dma source(%dma_start3A_276 : memref<2x128xi32, #tpu.memory_space<hbm>>) target(%dma_start3A_274 : memref<2x128xi32, #tpu.memory_space<vmem>>) target_semaphore(%run_scoped3A_264 : memref<!tpu.dma_semaphore, #tpu.memory_space<semaphore_mem>>)
          %dma_wait3A_277 = arith.constant 0 : i32
          %dma_wait3A_278 = arith.constant 0 : i32
          %dma_wait3A_279 = tpu.memref_slice %arg7[%select_n3A_263, %dma_wait3A_277, %dma_wait3A_278] : memref<2x2x128xi32, #tpu.memory_space<vmem>> -> memref<1x2x128xi32, #tpu.memory_space<vmem>>
          %dma_wait3A_280 = tpu.memref_squeeze %dma_wait3A_279 : memref<1x2x128xi32, #tpu.memory_space<vmem>> -> memref<2x128xi32, #tpu.memory_space<vmem>>
          %dma_wait3A_281 = arith.constant 0 : i32
          %dma_wait3A_282 = tpu.memref_slice %arg3[%add3A_247, %dma_wait3A_281] : memref<6400x128xi32, #tpu.memory_space<hbm>> -> memref<2x128xi32, #tpu.memory_space<hbm>>
          %dma_wait3A_283 = arith.constant 0 : i32
          %dma_wait3A_284 = arith.constant 0 : i32
          %dma_wait3A_285 = tpu.memref_slice %arg7[%select_n3A_263, %dma_wait3A_283, %dma_wait3A_284] : memref<2x2x128xi32, #tpu.memory_space<vmem>> -> memref<1x2x128xi32, #tpu.memory_space<vmem>>
          %dma_wait3A_286 = tpu.memref_squeeze %dma_wait3A_285 : memref<1x2x128xi32, #tpu.memory_space<vmem>> -> memref<2x128xi32, #tpu.memory_space<vmem>>
          %dma_wait3A_287 = arith.constant 0 : i32
          %dma_wait3A_288 = tpu.memref_slice %arg3[%add3A_247, %dma_wait3A_287] : memref<6400x128xi32, #tpu.memory_space<hbm>> -> memref<2x128xi32, #tpu.memory_space<hbm>>
          tpu.wait_dma2 semaphore(%run_scoped3A_264 : memref<!tpu.dma_semaphore, #tpu.memory_space<semaphore_mem>>) src(%dma_wait3A_288 : memref<2x128xi32, #tpu.memory_space<hbm>>) dst(%dma_wait3A_286 : memref<2x128xi32, #tpu.memory_space<vmem>>)
          tpu.yield
        }) : () -> ()
      } else {
      }
      %jit3A = arith.constant 2 : i32
      %eq3A = arith.constant 0 : i32
      %eq3A_82 = arith.cmpi eq, %jit3A, %eq3A : i32
      %jit3A_83 = arith.constant 1 : i32
      %select_n3A = arith.select %eq3A_82, %jit3A_83, %jit3A : i32
      %rem3A = arith.remsi %add3A_79, %select_n3A : i32
      %ne3A = arith.constant 0 : i32
      %ne3A_84 = arith.cmpi ne, %rem3A, %ne3A : i32
      %lt3A_85 = arith.constant 0 : i32
      %lt3A_86 = arith.cmpi slt, %rem3A, %lt3A_85 : i32
      %lt3A_87 = arith.constant 0 : i32
      %lt3A_88 = arith.cmpi slt, %select_n3A, %lt3A_87 : i32
      %ne3A_89 = arith.xori %lt3A_86, %lt3A_88 : i1
      %and3A = arith.andi %ne3A_89, %ne3A_84 : i1
      %add3A_90 = arith.addi %rem3A, %select_n3A : i32
      %select_n3A_91 = arith.select %and3A, %add3A_90, %rem3A : i32
      %jit3A_92 = arith.constant 2 : i32
      %eq3A_93 = arith.constant 0 : i32
      %eq3A_94 = arith.cmpi eq, %jit3A_92, %eq3A_93 : i32
      %jit3A_95 = arith.constant 1 : i32
      %select_n3A_96 = arith.select %eq3A_94, %jit3A_95, %jit3A_92 : i32
      %rem3A_97 = arith.remsi %add3A_79, %select_n3A_96 : i32
      %ne3A_98 = arith.constant 0 : i32
      %ne3A_99 = arith.cmpi ne, %rem3A_97, %ne3A_98 : i32
      %lt3A_100 = arith.constant 0 : i32
      %lt3A_101 = arith.cmpi slt, %rem3A_97, %lt3A_100 : i32
      %lt3A_102 = arith.constant 0 : i32
      %lt3A_103 = arith.cmpi slt, %select_n3A_96, %lt3A_102 : i32
      %ne3A_104 = arith.xori %lt3A_101, %lt3A_103 : i1
      %and3A_105 = arith.andi %ne3A_104, %ne3A_99 : i1
      %add3A_106 = arith.addi %rem3A_97, %select_n3A_96 : i32
      %select_n3A_107 = arith.select %and3A_105, %add3A_106, %rem3A_97 : i32
      %dma_wait3A_108 = arith.constant 0 : i32
      %dma_wait3A_109 = arith.constant 0 : i32
      %dma_wait3A_110 = arith.constant 0 : i32
      %dma_wait3A_111 = tpu.memref_slice %arg8[%select_n3A_107, %dma_wait3A_109, %dma_wait3A_110] : memref<2x256x64xf32, #tpu.memory_space<vmem>> -> memref<1x128x64xf32, #tpu.memory_space<vmem>>
      %dma_wait3A_112 = tpu.memref_squeeze %dma_wait3A_111 : memref<1x128x64xf32, #tpu.memory_space<vmem>> -> memref<128x64xf32, #tpu.memory_space<vmem>>
      %dma_wait3A_113 = arith.constant 0 : i32
      %dma_wait3A_114 = tpu.memref_slice %arg7[%select_n3A_91, %dma_wait3A_108, %dma_wait3A_113] : memref<2x2x128xi32, #tpu.memory_space<vmem>> -> memref<1x1x128xi32, #tpu.memory_space<vmem>>
      %dma_wait3A_115 = tpu.memref_squeeze %dma_wait3A_114 : memref<1x1x128xi32, #tpu.memory_space<vmem>> -> memref<128xi32, #tpu.memory_space<vmem>>
      %dma_wait3A_116 = arith.constant 0 : i32
      %dma_wait3A_117 = arith.constant 0 : i32
      %dma_wait3A_118 = tpu.memref_slice %arg2[%dma_wait3A_116, %dma_wait3A_117] : memref<1000000x64xf32, #tpu.memory_space<hbm>> -> memref<1000000x64xf32, #tpu.memory_space<hbm>>
      tpu.wait_indirect_dma semaphore(%arg12 : memref<!tpu.dma_semaphore, #tpu.memory_space<semaphore_mem>>) src(%dma_wait3A_118 : memref<1000000x64xf32, #tpu.memory_space<hbm>>) dst(%dma_wait3A_112 : memref<128x64xf32, #tpu.memory_space<vmem>>)
      %jit3A_119 = arith.constant 2 : i32
      %eq3A_120 = arith.constant 0 : i32
      %eq3A_121 = arith.cmpi eq, %jit3A_119, %eq3A_120 : i32
      %jit3A_122 = arith.constant 1 : i32
      %select_n3A_123 = arith.select %eq3A_121, %jit3A_122, %jit3A_119 : i32
      %rem3A_124 = arith.remsi %add3A_79, %select_n3A_123 : i32
      %ne3A_125 = arith.constant 0 : i32
      %ne3A_126 = arith.cmpi ne, %rem3A_124, %ne3A_125 : i32
      %lt3A_127 = arith.constant 0 : i32
      %lt3A_128 = arith.cmpi slt, %rem3A_124, %lt3A_127 : i32
      %lt3A_129 = arith.constant 0 : i32
      %lt3A_130 = arith.cmpi slt, %select_n3A_123, %lt3A_129 : i32
      %ne3A_131 = arith.xori %lt3A_128, %lt3A_130 : i1
      %and3A_132 = arith.andi %ne3A_131, %ne3A_126 : i1
      %add3A_133 = arith.addi %rem3A_124, %select_n3A_123 : i32
      %select_n3A_134 = arith.select %and3A_132, %add3A_133, %rem3A_124 : i32
      %jit3A_135 = arith.constant 2 : i32
      %eq3A_136 = arith.constant 0 : i32
      %eq3A_137 = arith.cmpi eq, %jit3A_135, %eq3A_136 : i32
      %jit3A_138 = arith.constant 1 : i32
      %select_n3A_139 = arith.select %eq3A_137, %jit3A_138, %jit3A_135 : i32
      %rem3A_140 = arith.remsi %add3A_79, %select_n3A_139 : i32
      %ne3A_141 = arith.constant 0 : i32
      %ne3A_142 = arith.cmpi ne, %rem3A_140, %ne3A_141 : i32
      %lt3A_143 = arith.constant 0 : i32
      %lt3A_144 = arith.cmpi slt, %rem3A_140, %lt3A_143 : i32
      %lt3A_145 = arith.constant 0 : i32
      %lt3A_146 = arith.cmpi slt, %select_n3A_139, %lt3A_145 : i32
      %ne3A_147 = arith.xori %lt3A_144, %lt3A_146 : i1
      %and3A_148 = arith.andi %ne3A_147, %ne3A_142 : i1
      %add3A_149 = arith.addi %rem3A_140, %select_n3A_139 : i32
      %select_n3A_150 = arith.select %and3A_148, %add3A_149, %rem3A_140 : i32
      %dma_wait3A_151 = arith.constant 1 : i32
      %dma_wait3A_152 = arith.constant 128 : i32
      %dma_wait3A_153 = arith.constant 0 : i32
      %dma_wait3A_154 = tpu.memref_slice %arg8[%select_n3A_150, %dma_wait3A_152, %dma_wait3A_153] : memref<2x256x64xf32, #tpu.memory_space<vmem>> -> memref<1x128x64xf32, #tpu.memory_space<vmem>>
      %dma_wait3A_155 = tpu.memref_squeeze %dma_wait3A_154 : memref<1x128x64xf32, #tpu.memory_space<vmem>> -> memref<128x64xf32, #tpu.memory_space<vmem>>
      %dma_wait3A_156 = arith.constant 0 : i32
      %dma_wait3A_157 = tpu.memref_slice %arg7[%select_n3A_134, %dma_wait3A_151, %dma_wait3A_156] : memref<2x2x128xi32, #tpu.memory_space<vmem>> -> memref<1x1x128xi32, #tpu.memory_space<vmem>>
      %dma_wait3A_158 = tpu.memref_squeeze %dma_wait3A_157 : memref<1x1x128xi32, #tpu.memory_space<vmem>> -> memref<128xi32, #tpu.memory_space<vmem>>
      %dma_wait3A_159 = arith.constant 0 : i32
      %dma_wait3A_160 = arith.constant 0 : i32
      %dma_wait3A_161 = tpu.memref_slice %arg2[%dma_wait3A_159, %dma_wait3A_160] : memref<1000000x64xf32, #tpu.memory_space<hbm>> -> memref<1000000x64xf32, #tpu.memory_space<hbm>>
      tpu.wait_indirect_dma semaphore(%arg12 : memref<!tpu.dma_semaphore, #tpu.memory_space<semaphore_mem>>) src(%dma_wait3A_161 : memref<1000000x64xf32, #tpu.memory_space<hbm>>) dst(%dma_wait3A_155 : memref<128x64xf32, #tpu.memory_space<vmem>>)
      %lt3A_162 = arith.constant 99 : i32
      %lt3A_163 = arith.cmpi slt, %add3A_79, %lt3A_162 : i32
      %convert_element_type3A_164 = arith.extui %lt3A_163 : i1 to i32
      %cond3A_165 = arith.constant 0 : i32
      %cond3A_166 = arith.cmpi ne, %convert_element_type3A_164, %cond3A_165 : i32
      scf.if %cond3A_166 {
        %add3A_241 = arith.constant 1 : i32
        %add3A_242 = arith.addi %add3A_79, %add3A_241 : i32
        %jit3A_243 = arith.constant 2 : i32
        %eq3A_244 = arith.constant 0 : i32
        %eq3A_245 = arith.cmpi eq, %jit3A_243, %eq3A_244 : i32
        %jit3A_246 = arith.constant 1 : i32
        %select_n3A_247 = arith.select %eq3A_245, %jit3A_246, %jit3A_243 : i32
        %rem3A_248 = arith.remsi %add3A_242, %select_n3A_247 : i32
        %ne3A_249 = arith.constant 0 : i32
        %ne3A_250 = arith.cmpi ne, %rem3A_248, %ne3A_249 : i32
        %lt3A_251 = arith.constant 0 : i32
        %lt3A_252 = arith.cmpi slt, %rem3A_248, %lt3A_251 : i32
        %lt3A_253 = arith.constant 0 : i32
        %lt3A_254 = arith.cmpi slt, %select_n3A_247, %lt3A_253 : i32
        %ne3A_255 = arith.xori %lt3A_252, %lt3A_254 : i1
        %and3A_256 = arith.andi %ne3A_255, %ne3A_250 : i1
        %add3A_257 = arith.addi %rem3A_248, %select_n3A_247 : i32
        %select_n3A_258 = arith.select %and3A_256, %add3A_257, %rem3A_248 : i32
        %jit3A_259 = arith.constant 2 : i32
        %eq3A_260 = arith.constant 0 : i32
        %eq3A_261 = arith.cmpi eq, %jit3A_259, %eq3A_260 : i32
        %jit3A_262 = arith.constant 1 : i32
        %select_n3A_263 = arith.select %eq3A_261, %jit3A_262, %jit3A_259 : i32
        %rem3A_264 = arith.remsi %add3A_242, %select_n3A_263 : i32
        %ne3A_265 = arith.constant 0 : i32
        %ne3A_266 = arith.cmpi ne, %rem3A_264, %ne3A_265 : i32
        %lt3A_267 = arith.constant 0 : i32
        %lt3A_268 = arith.cmpi slt, %rem3A_264, %lt3A_267 : i32
        %lt3A_269 = arith.constant 0 : i32
        %lt3A_270 = arith.cmpi slt, %select_n3A_263, %lt3A_269 : i32
        %ne3A_271 = arith.xori %lt3A_268, %lt3A_270 : i1
        %and3A_272 = arith.andi %ne3A_271, %ne3A_266 : i1
        %add3A_273 = arith.addi %rem3A_264, %select_n3A_263 : i32
        %select_n3A_274 = arith.select %and3A_272, %add3A_273, %rem3A_264 : i32
        %dma_start3A_275 = arith.constant 0 : i32
        %dma_start3A_276 = arith.constant 0 : i32
        %dma_start3A_277 = arith.constant 0 : i32
        %dma_start3A_278 = tpu.memref_slice %arg8[%select_n3A_274, %dma_start3A_276, %dma_start3A_277] : memref<2x256x64xf32, #tpu.memory_space<vmem>> -> memref<1x128x64xf32, #tpu.memory_space<vmem>>
        %dma_start3A_279 = tpu.memref_squeeze %dma_start3A_278 : memref<1x128x64xf32, #tpu.memory_space<vmem>> -> memref<128x64xf32, #tpu.memory_space<vmem>>
        %dma_start3A_280 = arith.constant 0 : i32
        %dma_start3A_281 = tpu.memref_slice %arg7[%select_n3A_258, %dma_start3A_275, %dma_start3A_280] : memref<2x2x128xi32, #tpu.memory_space<vmem>> -> memref<1x1x128xi32, #tpu.memory_space<vmem>>
        %dma_start3A_282 = tpu.memref_squeeze %dma_start3A_281 : memref<1x1x128xi32, #tpu.memory_space<vmem>> -> memref<128xi32, #tpu.memory_space<vmem>>
        %dma_start3A_283 = arith.constant 0 : i32
        %dma_start3A_284 = arith.constant 0 : i32
        %dma_start3A_285 = tpu.memref_slice %arg2[%dma_start3A_283, %dma_start3A_284] : memref<1000000x64xf32, #tpu.memory_space<hbm>> -> memref<1000000x64xf32, #tpu.memory_space<hbm>>
        tpu.enqueue_indirect_dma source(%dma_start3A_285 : memref<1000000x64xf32, #tpu.memory_space<hbm>>) target(%dma_start3A_279 : memref<128x64xf32, #tpu.memory_space<vmem>>) offsets(%dma_start3A_282 : memref<128xi32, #tpu.memory_space<vmem>>) semaphore(%arg12 : memref<!tpu.dma_semaphore, #tpu.memory_space<semaphore_mem>>)
        %jit3A_286 = arith.constant 2 : i32
        %eq3A_287 = arith.constant 0 : i32
        %eq3A_288 = arith.cmpi eq, %jit3A_286, %eq3A_287 : i32
        %jit3A_289 = arith.constant 1 : i32
        %select_n3A_290 = arith.select %eq3A_288, %jit3A_289, %jit3A_286 : i32
        %rem3A_291 = arith.remsi %add3A_242, %select_n3A_290 : i32
        %ne3A_292 = arith.constant 0 : i32
        %ne3A_293 = arith.cmpi ne, %rem3A_291, %ne3A_292 : i32
        %lt3A_294 = arith.constant 0 : i32
        %lt3A_295 = arith.cmpi slt, %rem3A_291, %lt3A_294 : i32
        %lt3A_296 = arith.constant 0 : i32
        %lt3A_297 = arith.cmpi slt, %select_n3A_290, %lt3A_296 : i32
        %ne3A_298 = arith.xori %lt3A_295, %lt3A_297 : i1
        %and3A_299 = arith.andi %ne3A_298, %ne3A_293 : i1
        %add3A_300 = arith.addi %rem3A_291, %select_n3A_290 : i32
        %select_n3A_301 = arith.select %and3A_299, %add3A_300, %rem3A_291 : i32
        %jit3A_302 = arith.constant 2 : i32
        %eq3A_303 = arith.constant 0 : i32
        %eq3A_304 = arith.cmpi eq, %jit3A_302, %eq3A_303 : i32
        %jit3A_305 = arith.constant 1 : i32
        %select_n3A_306 = arith.select %eq3A_304, %jit3A_305, %jit3A_302 : i32
        %rem3A_307 = arith.remsi %add3A_242, %select_n3A_306 : i32
        %ne3A_308 = arith.constant 0 : i32
        %ne3A_309 = arith.cmpi ne, %rem3A_307, %ne3A_308 : i32
        %lt3A_310 = arith.constant 0 : i32
        %lt3A_311 = arith.cmpi slt, %rem3A_307, %lt3A_310 : i32
        %lt3A_312 = arith.constant 0 : i32
        %lt3A_313 = arith.cmpi slt, %select_n3A_306, %lt3A_312 : i32
        %ne3A_314 = arith.xori %lt3A_311, %lt3A_313 : i1
        %and3A_315 = arith.andi %ne3A_314, %ne3A_309 : i1
        %add3A_316 = arith.addi %rem3A_307, %select_n3A_306 : i32
        %select_n3A_317 = arith.select %and3A_315, %add3A_316, %rem3A_307 : i32
        %dma_start3A_318 = arith.constant 1 : i32
        %dma_start3A_319 = arith.constant 128 : i32
        %dma_start3A_320 = arith.constant 0 : i32
        %dma_start3A_321 = tpu.memref_slice %arg8[%select_n3A_317, %dma_start3A_319, %dma_start3A_320] : memref<2x256x64xf32, #tpu.memory_space<vmem>> -> memref<1x128x64xf32, #tpu.memory_space<vmem>>
        %dma_start3A_322 = tpu.memref_squeeze %dma_start3A_321 : memref<1x128x64xf32, #tpu.memory_space<vmem>> -> memref<128x64xf32, #tpu.memory_space<vmem>>
        %dma_start3A_323 = arith.constant 0 : i32
        %dma_start3A_324 = tpu.memref_slice %arg7[%select_n3A_301, %dma_start3A_318, %dma_start3A_323] : memref<2x2x128xi32, #tpu.memory_space<vmem>> -> memref<1x1x128xi32, #tpu.memory_space<vmem>>
        %dma_start3A_325 = tpu.memref_squeeze %dma_start3A_324 : memref<1x1x128xi32, #tpu.memory_space<vmem>> -> memref<128xi32, #tpu.memory_space<vmem>>
        %dma_start3A_326 = arith.constant 0 : i32
        %dma_start3A_327 = arith.constant 0 : i32
        %dma_start3A_328 = tpu.memref_slice %arg2[%dma_start3A_326, %dma_start3A_327] : memref<1000000x64xf32, #tpu.memory_space<hbm>> -> memref<1000000x64xf32, #tpu.memory_space<hbm>>
        tpu.enqueue_indirect_dma source(%dma_start3A_328 : memref<1000000x64xf32, #tpu.memory_space<hbm>>) target(%dma_start3A_322 : memref<128x64xf32, #tpu.memory_space<vmem>>) offsets(%dma_start3A_325 : memref<128xi32, #tpu.memory_space<vmem>>) semaphore(%arg12 : memref<!tpu.dma_semaphore, #tpu.memory_space<semaphore_mem>>)
      } else {
      }
      %ge3A = arith.constant 1 : i32
      %ge3A_167 = arith.cmpi sge, %add3A_79, %ge3A : i32
      %convert_element_type3A_168 = arith.extui %ge3A_167 : i1 to i32
      %cond3A_169 = arith.constant 0 : i32
      %cond3A_170 = arith.cmpi ne, %convert_element_type3A_168, %cond3A_169 : i32
      scf.if %cond3A_170 {
        %sub3A = arith.constant 1 : i32
        %sub3A_241 = arith.subi %add3A_79, %sub3A : i32
        %jit3A_242 = arith.constant 2 : i32
        %eq3A_243 = arith.constant 0 : i32
        %eq3A_244 = arith.cmpi eq, %jit3A_242, %eq3A_243 : i32
        %jit3A_245 = arith.constant 1 : i32
        %select_n3A_246 = arith.select %eq3A_244, %jit3A_245, %jit3A_242 : i32
        %rem3A_247 = arith.remsi %sub3A_241, %select_n3A_246 : i32
        %ne3A_248 = arith.constant 0 : i32
        %ne3A_249 = arith.cmpi ne, %rem3A_247, %ne3A_248 : i32
        %lt3A_250 = arith.constant 0 : i32
        %lt3A_251 = arith.cmpi slt, %rem3A_247, %lt3A_250 : i32
        %lt3A_252 = arith.constant 0 : i32
        %lt3A_253 = arith.cmpi slt, %select_n3A_246, %lt3A_252 : i32
        %ne3A_254 = arith.xori %lt3A_251, %lt3A_253 : i1
        %and3A_255 = arith.andi %ne3A_254, %ne3A_249 : i1
        %add3A_256 = arith.addi %rem3A_247, %select_n3A_246 : i32
        %select_n3A_257 = arith.select %and3A_255, %add3A_256, %rem3A_247 : i32
        %mul3A_258 = arith.constant 25600 : i32
        %mul3A_259 = arith.muli %add3A, %mul3A_258 : i32
        %mul3A_260 = arith.constant 256 : i32
        %mul3A_261 = arith.muli %sub3A_241, %mul3A_260 : i32
        %add3A_262 = arith.addi %mul3A_259, %mul3A_261 : i32
        %dma_wait3A_263 = arith.constant 0 : i32
        %dma_wait3A_264 = arith.constant 0 : i32
        %dma_wait3A_265 = tpu.memref_slice %arg9[%select_n3A_257, %dma_wait3A_263, %dma_wait3A_264] : memref<2x256x64xf32, #tpu.memory_space<vmem>> -> memref<1x256x64xf32, #tpu.memory_space<vmem>>
        %dma_wait3A_266 = tpu.memref_squeeze %dma_wait3A_265 : memref<1x256x64xf32, #tpu.memory_space<vmem>> -> memref<256x64xf32, #tpu.memory_space<vmem>>
        %dma_wait3A_267 = arith.constant 0 : i32
        %dma_wait3A_268 = tpu.memref_slice %arg6[%add3A_262, %dma_wait3A_267] : memref<819200x64xf32, #tpu.memory_space<hbm>> -> memref<256x64xf32, #tpu.memory_space<hbm>>
        %dma_wait3A_269 = arith.constant 0 : i32
        %dma_wait3A_270 = tpu.memref_slice %arg6[%add3A_262, %dma_wait3A_269] : memref<819200x64xf32, #tpu.memory_space<hbm>> -> memref<256x64xf32, #tpu.memory_space<hbm>>
        %dma_wait3A_271 = arith.constant 0 : i32
        %dma_wait3A_272 = arith.constant 0 : i32
        %dma_wait3A_273 = tpu.memref_slice %arg9[%select_n3A_257, %dma_wait3A_271, %dma_wait3A_272] : memref<2x256x64xf32, #tpu.memory_space<vmem>> -> memref<1x256x64xf32, #tpu.memory_space<vmem>>
        %dma_wait3A_274 = tpu.memref_squeeze %dma_wait3A_273 : memref<1x256x64xf32, #tpu.memory_space<vmem>> -> memref<256x64xf32, #tpu.memory_space<vmem>>
        tpu.wait_dma2 semaphore(%arg13 : memref<!tpu.dma_semaphore, #tpu.memory_space<semaphore_mem>>) src(%dma_wait3A_274 : memref<256x64xf32, #tpu.memory_space<vmem>>) dst(%dma_wait3A_270 : memref<256x64xf32, #tpu.memory_space<hbm>>)
      } else {
      }
      %jit3A_171 = arith.constant 2 : i32
      %eq3A_172 = arith.constant 0 : i32
      %eq3A_173 = arith.cmpi eq, %jit3A_171, %eq3A_172 : i32
      %jit3A_174 = arith.constant 1 : i32
      %select_n3A_175 = arith.select %eq3A_173, %jit3A_174, %jit3A_171 : i32
      %rem3A_176 = arith.remsi %add3A_79, %select_n3A_175 : i32
      %ne3A_177 = arith.constant 0 : i32
      %ne3A_178 = arith.cmpi ne, %rem3A_176, %ne3A_177 : i32
      %lt3A_179 = arith.constant 0 : i32
      %lt3A_180 = arith.cmpi slt, %rem3A_176, %lt3A_179 : i32
      %lt3A_181 = arith.constant 0 : i32
      %lt3A_182 = arith.cmpi slt, %select_n3A_175, %lt3A_181 : i32
      %ne3A_183 = arith.xori %lt3A_180, %lt3A_182 : i1
      %and3A_184 = arith.andi %ne3A_183, %ne3A_178 : i1
      %add3A_185 = arith.addi %rem3A_176, %select_n3A_175 : i32
      %select_n3A_186 = arith.select %and3A_184, %add3A_185, %rem3A_176 : i32
      %jit3A_187 = arith.constant 2 : i32
      %eq3A_188 = arith.constant 0 : i32
      %eq3A_189 = arith.cmpi eq, %jit3A_187, %eq3A_188 : i32
      %jit3A_190 = arith.constant 1 : i32
      %select_n3A_191 = arith.select %eq3A_189, %jit3A_190, %jit3A_187 : i32
      %rem3A_192 = arith.remsi %add3A_79, %select_n3A_191 : i32
      %ne3A_193 = arith.constant 0 : i32
      %ne3A_194 = arith.cmpi ne, %rem3A_192, %ne3A_193 : i32
      %lt3A_195 = arith.constant 0 : i32
      %lt3A_196 = arith.cmpi slt, %rem3A_192, %lt3A_195 : i32
      %lt3A_197 = arith.constant 0 : i32
      %lt3A_198 = arith.cmpi slt, %select_n3A_191, %lt3A_197 : i32
      %ne3A_199 = arith.xori %lt3A_196, %lt3A_198 : i1
      %and3A_200 = arith.andi %ne3A_199, %ne3A_194 : i1
      %add3A_201 = arith.addi %rem3A_192, %select_n3A_191 : i32
      %select_n3A_202 = arith.select %and3A_200, %add3A_201, %rem3A_192 : i32
      %scan3A_203 = arith.constant 0 : i32
      %scan3A_204 = arith.constant 16 : i32
      %scan3A_205 = arith.addi %scan3A_203, %scan3A_204 : i32
      %scan3A_206 = arith.constant 1 : i32
      scf.for %scan3A_241 = %scan3A_203 to %scan3A_205 step %scan3A_206  : i32 {
        %mul3A_242 = arith.constant 1 : i32
        %mul3A_243 = arith.muli %scan3A_241, %mul3A_242 : i32
        %add3A_244 = arith.constant 0 : i32
        %add3A_245 = arith.addi %add3A_244, %mul3A_243 : i32
        %mul3A_246 = arith.constant 16 : i32
        %mul3A_247 = arith.muli %add3A_245, %mul3A_246 : i32
        %add3A_248 = arith.constant 0 : i32
        %add3A_249 = arith.addi %mul3A_247, %add3A_248 : i32
        %mul3A_250 = arith.constant 16 : i32
        %mul3A_251 = arith.muli %add3A_245, %mul3A_250 : i32
        %add3A_252 = arith.constant 1 : i32
        %add3A_253 = arith.addi %mul3A_251, %add3A_252 : i32
        %mul3A_254 = arith.constant 16 : i32
        %mul3A_255 = arith.muli %add3A_245, %mul3A_254 : i32
        %add3A_256 = arith.constant 2 : i32
        %add3A_257 = arith.addi %mul3A_255, %add3A_256 : i32
        %mul3A_258 = arith.constant 16 : i32
        %mul3A_259 = arith.muli %add3A_245, %mul3A_258 : i32
        %add3A_260 = arith.constant 3 : i32
        %add3A_261 = arith.addi %mul3A_259, %add3A_260 : i32
        %mul3A_262 = arith.constant 16 : i32
        %mul3A_263 = arith.muli %add3A_245, %mul3A_262 : i32
        %add3A_264 = arith.constant 4 : i32
        %add3A_265 = arith.addi %mul3A_263, %add3A_264 : i32
        %mul3A_266 = arith.constant 16 : i32
        %mul3A_267 = arith.muli %add3A_245, %mul3A_266 : i32
        %add3A_268 = arith.constant 5 : i32
        %add3A_269 = arith.addi %mul3A_267, %add3A_268 : i32
        %mul3A_270 = arith.constant 16 : i32
        %mul3A_271 = arith.muli %add3A_245, %mul3A_270 : i32
        %add3A_272 = arith.constant 6 : i32
        %add3A_273 = arith.addi %mul3A_271, %add3A_272 : i32
        %mul3A_274 = arith.constant 16 : i32
        %mul3A_275 = arith.muli %add3A_245, %mul3A_274 : i32
        %add3A_276 = arith.constant 7 : i32
        %add3A_277 = arith.addi %mul3A_275, %add3A_276 : i32
        %get3A_278 = arith.constant 0 : i32
        %get3A_279 = arith.constant 0 : i32
        %get3A_280 = tpu.memref_slice %arg8[%select_n3A_186, %get3A_278, %get3A_279] : memref<2x256x64xf32, #tpu.memory_space<vmem>> -> memref<1x256x64xf32, #tpu.memory_space<vmem>>
        %get3A_281 = tpu.memref_squeeze %get3A_280 : memref<1x256x64xf32, #tpu.memory_space<vmem>> -> memref<256x64xf32, #tpu.memory_space<vmem>>
        %get3A_282 = arith.index_cast %add3A_249 : i32 to index
        %get3A_283 = arith.constant 0 : index
        %get3A_284 = tpu.vector_load %get3A_281[%get3A_282, %get3A_283] {strides = array<i32>} : memref<256x64xf32, #tpu.memory_space<vmem>>, vector<16xf32>,
        %get3A_285 = arith.constant 0 : i32
        %get3A_286 = arith.constant 0 : i32
        %get3A_287 = tpu.memref_slice %arg8[%select_n3A_186, %get3A_285, %get3A_286] : memref<2x256x64xf32, #tpu.memory_space<vmem>> -> memref<1x256x64xf32, #tpu.memory_space<vmem>>
        %get3A_288 = tpu.memref_squeeze %get3A_287 : memref<1x256x64xf32, #tpu.memory_space<vmem>> -> memref<256x64xf32, #tpu.memory_space<vmem>>
        %get3A_289 = arith.index_cast %add3A_249 : i32 to index
        %get3A_290 = arith.constant 16 : index
        %get3A_291 = tpu.vector_load %get3A_288[%get3A_289, %get3A_290] {strides = array<i32>} : memref<256x64xf32, #tpu.memory_space<vmem>>, vector<16xf32>,
        %get3A_292 = arith.constant 0 : i32
        %get3A_293 = arith.constant 0 : i32
        %get3A_294 = tpu.memref_slice %arg8[%select_n3A_186, %get3A_292, %get3A_293] : memref<2x256x64xf32, #tpu.memory_space<vmem>> -> memref<1x256x64xf32, #tpu.memory_space<vmem>>
        %get3A_295 = tpu.memref_squeeze %get3A_294 : memref<1x256x64xf32, #tpu.memory_space<vmem>> -> memref<256x64xf32, #tpu.memory_space<vmem>>
        %get3A_296 = arith.index_cast %add3A_249 : i32 to index
        %get3A_297 = arith.constant 32 : index
        %get3A_298 = tpu.vector_load %get3A_295[%get3A_296, %get3A_297] {strides = array<i32>} : memref<256x64xf32, #tpu.memory_space<vmem>>, vector<16xf32>,
        %get3A_299 = arith.constant 0 : i32
        %get3A_300 = arith.constant 0 : i32
        %get3A_301 = tpu.memref_slice %arg8[%select_n3A_186, %get3A_299, %get3A_300] : memref<2x256x64xf32, #tpu.memory_space<vmem>> -> memref<1x256x64xf32, #tpu.memory_space<vmem>>
        %get3A_302 = tpu.memref_squeeze %get3A_301 : memref<1x256x64xf32, #tpu.memory_space<vmem>> -> memref<256x64xf32, #tpu.memory_space<vmem>>
        %get3A_303 = arith.index_cast %add3A_249 : i32 to index
        %get3A_304 = arith.constant 48 : index
        %get3A_305 = tpu.vector_load %get3A_302[%get3A_303, %get3A_304] {strides = array<i32>} : memref<256x64xf32, #tpu.memory_space<vmem>>, vector<16xf32>,
        %get3A_306 = arith.constant 0 : i32
        %get3A_307 = arith.constant 0 : i32
        %get3A_308 = tpu.memref_slice %arg8[%select_n3A_186, %get3A_306, %get3A_307] : memref<2x256x64xf32, #tpu.memory_space<vmem>> -> memref<1x256x64xf32, #tpu.memory_space<vmem>>
        %get3A_309 = tpu.memref_squeeze %get3A_308 : memref<1x256x64xf32, #tpu.memory_space<vmem>> -> memref<256x64xf32, #tpu.memory_space<vmem>>
        %get3A_310 = arith.index_cast %add3A_253 : i32 to index
        %get3A_311 = arith.constant 0 : index
        %get3A_312 = tpu.vector_load %get3A_309[%get3A_310, %get3A_311] {strides = array<i32>} : memref<256x64xf32, #tpu.memory_space<vmem>>, vector<16xf32>,
        %get3A_313 = arith.constant 0 : i32
        %get3A_314 = arith.constant 0 : i32
        %get3A_315 = tpu.memref_slice %arg8[%select_n3A_186, %get3A_313, %get3A_314] : memref<2x256x64xf32, #tpu.memory_space<vmem>> -> memref<1x256x64xf32, #tpu.memory_space<vmem>>
        %get3A_316 = tpu.memref_squeeze %get3A_315 : memref<1x256x64xf32, #tpu.memory_space<vmem>> -> memref<256x64xf32, #tpu.memory_space<vmem>>
        %get3A_317 = arith.index_cast %add3A_253 : i32 to index
        %get3A_318 = arith.constant 16 : index
        %get3A_319 = tpu.vector_load %get3A_316[%get3A_317, %get3A_318] {strides = array<i32>} : memref<256x64xf32, #tpu.memory_space<vmem>>, vector<16xf32>,
        %get3A_320 = arith.constant 0 : i32
        %get3A_321 = arith.constant 0 : i32
        %get3A_322 = tpu.memref_slice %arg8[%select_n3A_186, %get3A_320, %get3A_321] : memref<2x256x64xf32, #tpu.memory_space<vmem>> -> memref<1x256x64xf32, #tpu.memory_space<vmem>>
        %get3A_323 = tpu.memref_squeeze %get3A_322 : memref<1x256x64xf32, #tpu.memory_space<vmem>> -> memref<256x64xf32, #tpu.memory_space<vmem>>
        %get3A_324 = arith.index_cast %add3A_253 : i32 to index
        %get3A_325 = arith.constant 32 : index
        %get3A_326 = tpu.vector_load %get3A_323[%get3A_324, %get3A_325] {strides = array<i32>} : memref<256x64xf32, #tpu.memory_space<vmem>>, vector<16xf32>,
        %get3A_327 = arith.constant 0 : i32
        %get3A_328 = arith.constant 0 : i32
        %get3A_329 = tpu.memref_slice %arg8[%select_n3A_186, %get3A_327, %get3A_328] : memref<2x256x64xf32, #tpu.memory_space<vmem>> -> memref<1x256x64xf32, #tpu.memory_space<vmem>>
        %get3A_330 = tpu.memref_squeeze %get3A_329 : memref<1x256x64xf32, #tpu.memory_space<vmem>> -> memref<256x64xf32, #tpu.memory_space<vmem>>
        %get3A_331 = arith.index_cast %add3A_253 : i32 to index
        %get3A_332 = arith.constant 48 : index
        %get3A_333 = tpu.vector_load %get3A_330[%get3A_331, %get3A_332] {strides = array<i32>} : memref<256x64xf32, #tpu.memory_space<vmem>>, vector<16xf32>,
        %get3A_334 = arith.constant 0 : i32
        %get3A_335 = arith.constant 0 : i32
        %get3A_336 = tpu.memref_slice %arg8[%select_n3A_186, %get3A_334, %get3A_335] : memref<2x256x64xf32, #tpu.memory_space<vmem>> -> memref<1x256x64xf32, #tpu.memory_space<vmem>>
        %get3A_337 = tpu.memref_squeeze %get3A_336 : memref<1x256x64xf32, #tpu.memory_space<vmem>> -> memref<256x64xf32, #tpu.memory_space<vmem>>
        %get3A_338 = arith.index_cast %add3A_257 : i32 to index
        %get3A_339 = arith.constant 0 : index
        %get3A_340 = tpu.vector_load %get3A_337[%get3A_338, %get3A_339] {strides = array<i32>} : memref<256x64xf32, #tpu.memory_space<vmem>>, vector<16xf32>,
        %get3A_341 = arith.constant 0 : i32
        %get3A_342 = arith.constant 0 : i32
        %get3A_343 = tpu.memref_slice %arg8[%select_n3A_186, %get3A_341, %get3A_342] : memref<2x256x64xf32, #tpu.memory_space<vmem>> -> memref<1x256x64xf32, #tpu.memory_space<vmem>>
        %get3A_344 = tpu.memref_squeeze %get3A_343 : memref<1x256x64xf32, #tpu.memory_space<vmem>> -> memref<256x64xf32, #tpu.memory_space<vmem>>
        %get3A_345 = arith.index_cast %add3A_257 : i32 to index
        %get3A_346 = arith.constant 16 : index
        %get3A_347 = tpu.vector_load %get3A_344[%get3A_345, %get3A_346] {strides = array<i32>} : memref<256x64xf32, #tpu.memory_space<vmem>>, vector<16xf32>,
        %get3A_348 = arith.constant 0 : i32
        %get3A_349 = arith.constant 0 : i32
        %get3A_350 = tpu.memref_slice %arg8[%select_n3A_186, %get3A_348, %get3A_349] : memref<2x256x64xf32, #tpu.memory_space<vmem>> -> memref<1x256x64xf32, #tpu.memory_space<vmem>>
        %get3A_351 = tpu.memref_squeeze %get3A_350 : memref<1x256x64xf32, #tpu.memory_space<vmem>> -> memref<256x64xf32, #tpu.memory_space<vmem>>
        %get3A_352 = arith.index_cast %add3A_257 : i32 to index
        %get3A_353 = arith.constant 32 : index
        %get3A_354 = tpu.vector_load %get3A_351[%get3A_352, %get3A_353] {strides = array<i32>} : memref<256x64xf32, #tpu.memory_space<vmem>>, vector<16xf32>,
        %get3A_355 = arith.constant 0 : i32
        %get3A_356 = arith.constant 0 : i32
        %get3A_357 = tpu.memref_slice %arg8[%select_n3A_186, %get3A_355, %get3A_356] : memref<2x256x64xf32, #tpu.memory_space<vmem>> -> memref<1x256x64xf32, #tpu.memory_space<vmem>>
        %get3A_358 = tpu.memref_squeeze %get3A_357 : memref<1x256x64xf32, #tpu.memory_space<vmem>> -> memref<256x64xf32, #tpu.memory_space<vmem>>
        %get3A_359 = arith.index_cast %add3A_257 : i32 to index
        %get3A_360 = arith.constant 48 : index
        %get3A_361 = tpu.vector_load %get3A_358[%get3A_359, %get3A_360] {strides = array<i32>} : memref<256x64xf32, #tpu.memory_space<vmem>>, vector<16xf32>,
        %get3A_362 = arith.constant 0 : i32
        %get3A_363 = arith.constant 0 : i32
        %get3A_364 = tpu.memref_slice %arg8[%select_n3A_186, %get3A_362, %get3A_363] : memref<2x256x64xf32, #tpu.memory_space<vmem>> -> memref<1x256x64xf32, #tpu.memory_space<vmem>>
        %get3A_365 = tpu.memref_squeeze %get3A_364 : memref<1x256x64xf32, #tpu.memory_space<vmem>> -> memref<256x64xf32, #tpu.memory_space<vmem>>
        %get3A_366 = arith.index_cast %add3A_261 : i32 to index
        %get3A_367 = arith.constant 0 : index
        %get3A_368 = tpu.vector_load %get3A_365[%get3A_366, %get3A_367] {strides = array<i32>} : memref<256x64xf32, #tpu.memory_space<vmem>>, vector<16xf32>,
        %get3A_369 = arith.constant 0 : i32
        %get3A_370 = arith.constant 0 : i32
        %get3A_371 = tpu.memref_slice %arg8[%select_n3A_186, %get3A_369, %get3A_370] : memref<2x256x64xf32, #tpu.memory_space<vmem>> -> memref<1x256x64xf32, #tpu.memory_space<vmem>>
        %get3A_372 = tpu.memref_squeeze %get3A_371 : memref<1x256x64xf32, #tpu.memory_space<vmem>> -> memref<256x64xf32, #tpu.memory_space<vmem>>
        %get3A_373 = arith.index_cast %add3A_261 : i32 to index
        %get3A_374 = arith.constant 16 : index
        %get3A_375 = tpu.vector_load %get3A_372[%get3A_373, %get3A_374] {strides = array<i32>} : memref<256x64xf32, #tpu.memory_space<vmem>>, vector<16xf32>,
        %get3A_376 = arith.constant 0 : i32
        %get3A_377 = arith.constant 0 : i32
        %get3A_378 = tpu.memref_slice %arg8[%select_n3A_186, %get3A_376, %get3A_377] : memref<2x256x64xf32, #tpu.memory_space<vmem>> -> memref<1x256x64xf32, #tpu.memory_space<vmem>>
        %get3A_379 = tpu.memref_squeeze %get3A_378 : memref<1x256x64xf32, #tpu.memory_space<vmem>> -> memref<256x64xf32, #tpu.memory_space<vmem>>
        %get3A_380 = arith.index_cast %add3A_261 : i32 to index
        %get3A_381 = arith.constant 32 : index
        %get3A_382 = tpu.vector_load %get3A_379[%get3A_380, %get3A_381] {strides = array<i32>} : memref<256x64xf32, #tpu.memory_space<vmem>>, vector<16xf32>,
        %get3A_383 = arith.constant 0 : i32
        %get3A_384 = arith.constant 0 : i32
        %get3A_385 = tpu.memref_slice %arg8[%select_n3A_186, %get3A_383, %get3A_384] : memref<2x256x64xf32, #tpu.memory_space<vmem>> -> memref<1x256x64xf32, #tpu.memory_space<vmem>>
        %get3A_386 = tpu.memref_squeeze %get3A_385 : memref<1x256x64xf32, #tpu.memory_space<vmem>> -> memref<256x64xf32, #tpu.memory_space<vmem>>
        %get3A_387 = arith.index_cast %add3A_261 : i32 to index
        %get3A_388 = arith.constant 48 : index
        %get3A_389 = tpu.vector_load %get3A_386[%get3A_387, %get3A_388] {strides = array<i32>} : memref<256x64xf32, #tpu.memory_space<vmem>>, vector<16xf32>,
        %get3A_390 = arith.constant 0 : i32
        %get3A_391 = arith.constant 0 : i32
        %get3A_392 = tpu.memref_slice %arg8[%select_n3A_186, %get3A_390, %get3A_391] : memref<2x256x64xf32, #tpu.memory_space<vmem>> -> memref<1x256x64xf32, #tpu.memory_space<vmem>>
        %get3A_393 = tpu.memref_squeeze %get3A_392 : memref<1x256x64xf32, #tpu.memory_space<vmem>> -> memref<256x64xf32, #tpu.memory_space<vmem>>
        %get3A_394 = arith.index_cast %add3A_265 : i32 to index
        %get3A_395 = arith.constant 0 : index
        %get3A_396 = tpu.vector_load %get3A_393[%get3A_394, %get3A_395] {strides = array<i32>} : memref<256x64xf32, #tpu.memory_space<vmem>>, vector<16xf32>,
        %get3A_397 = arith.constant 0 : i32
        %get3A_398 = arith.constant 0 : i32
        %get3A_399 = tpu.memref_slice %arg8[%select_n3A_186, %get3A_397, %get3A_398] : memref<2x256x64xf32, #tpu.memory_space<vmem>> -> memref<1x256x64xf32, #tpu.memory_space<vmem>>
        %get3A_400 = tpu.memref_squeeze %get3A_399 : memref<1x256x64xf32, #tpu.memory_space<vmem>> -> memref<256x64xf32, #tpu.memory_space<vmem>>
        %get3A_401 = arith.index_cast %add3A_265 : i32 to index
        %get3A_402 = arith.constant 16 : index
        %get3A_403 = tpu.vector_load %get3A_400[%get3A_401, %get3A_402] {strides = array<i32>} : memref<256x64xf32, #tpu.memory_space<vmem>>, vector<16xf32>,
        %get3A_404 = arith.constant 0 : i32
        %get3A_405 = arith.constant 0 : i32
        %get3A_406 = tpu.memref_slice %arg8[%select_n3A_186, %get3A_404, %get3A_405] : memref<2x256x64xf32, #tpu.memory_space<vmem>> -> memref<1x256x64xf32, #tpu.memory_space<vmem>>
        %get3A_407 = tpu.memref_squeeze %get3A_406 : memref<1x256x64xf32, #tpu.memory_space<vmem>> -> memref<256x64xf32, #tpu.memory_space<vmem>>
        %get3A_408 = arith.index_cast %add3A_265 : i32 to index
        %get3A_409 = arith.constant 32 : index
        %get3A_410 = tpu.vector_load %get3A_407[%get3A_408, %get3A_409] {strides = array<i32>} : memref<256x64xf32, #tpu.memory_space<vmem>>, vector<16xf32>,
        %get3A_411 = arith.constant 0 : i32
        %get3A_412 = arith.constant 0 : i32
        %get3A_413 = tpu.memref_slice %arg8[%select_n3A_186, %get3A_411, %get3A_412] : memref<2x256x64xf32, #tpu.memory_space<vmem>> -> memref<1x256x64xf32, #tpu.memory_space<vmem>>
        %get3A_414 = tpu.memref_squeeze %get3A_413 : memref<1x256x64xf32, #tpu.memory_space<vmem>> -> memref<256x64xf32, #tpu.memory_space<vmem>>
        %get3A_415 = arith.index_cast %add3A_265 : i32 to index
        %get3A_416 = arith.constant 48 : index
        %get3A_417 = tpu.vector_load %get3A_414[%get3A_415, %get3A_416] {strides = array<i32>} : memref<256x64xf32, #tpu.memory_space<vmem>>, vector<16xf32>,
        %get3A_418 = arith.constant 0 : i32
        %get3A_419 = arith.constant 0 : i32
        %get3A_420 = tpu.memref_slice %arg8[%select_n3A_186, %get3A_418, %get3A_419] : memref<2x256x64xf32, #tpu.memory_space<vmem>> -> memref<1x256x64xf32, #tpu.memory_space<vmem>>
        %get3A_421 = tpu.memref_squeeze %get3A_420 : memref<1x256x64xf32, #tpu.memory_space<vmem>> -> memref<256x64xf32, #tpu.memory_space<vmem>>
        %get3A_422 = arith.index_cast %add3A_269 : i32 to index
        %get3A_423 = arith.constant 0 : index
        %get3A_424 = tpu.vector_load %get3A_421[%get3A_422, %get3A_423] {strides = array<i32>} : memref<256x64xf32, #tpu.memory_space<vmem>>, vector<16xf32>,
        %get3A_425 = arith.constant 0 : i32
        %get3A_426 = arith.constant 0 : i32
        %get3A_427 = tpu.memref_slice %arg8[%select_n3A_186, %get3A_425, %get3A_426] : memref<2x256x64xf32, #tpu.memory_space<vmem>> -> memref<1x256x64xf32, #tpu.memory_space<vmem>>
        %get3A_428 = tpu.memref_squeeze %get3A_427 : memref<1x256x64xf32, #tpu.memory_space<vmem>> -> memref<256x64xf32, #tpu.memory_space<vmem>>
        %get3A_429 = arith.index_cast %add3A_269 : i32 to index
        %get3A_430 = arith.constant 16 : index
        %get3A_431 = tpu.vector_load %get3A_428[%get3A_429, %get3A_430] {strides = array<i32>} : memref<256x64xf32, #tpu.memory_space<vmem>>, vector<16xf32>,
        %get3A_432 = arith.constant 0 : i32
        %get3A_433 = arith.constant 0 : i32
        %get3A_434 = tpu.memref_slice %arg8[%select_n3A_186, %get3A_432, %get3A_433] : memref<2x256x64xf32, #tpu.memory_space<vmem>> -> memref<1x256x64xf32, #tpu.memory_space<vmem>>
        %get3A_435 = tpu.memref_squeeze %get3A_434 : memref<1x256x64xf32, #tpu.memory_space<vmem>> -> memref<256x64xf32, #tpu.memory_space<vmem>>
        %get3A_436 = arith.index_cast %add3A_269 : i32 to index
        %get3A_437 = arith.constant 32 : index
        %get3A_438 = tpu.vector_load %get3A_435[%get3A_436, %get3A_437] {strides = array<i32>} : memref<256x64xf32, #tpu.memory_space<vmem>>, vector<16xf32>,
        %get3A_439 = arith.constant 0 : i32
        %get3A_440 = arith.constant 0 : i32
        %get3A_441 = tpu.memref_slice %arg8[%select_n3A_186, %get3A_439, %get3A_440] : memref<2x256x64xf32, #tpu.memory_space<vmem>> -> memref<1x256x64xf32, #tpu.memory_space<vmem>>
        %get3A_442 = tpu.memref_squeeze %get3A_441 : memref<1x256x64xf32, #tpu.memory_space<vmem>> -> memref<256x64xf32, #tpu.memory_space<vmem>>
        %get3A_443 = arith.index_cast %add3A_269 : i32 to index
        %get3A_444 = arith.constant 48 : index
        %get3A_445 = tpu.vector_load %get3A_442[%get3A_443, %get3A_444] {strides = array<i32>} : memref<256x64xf32, #tpu.memory_space<vmem>>, vector<16xf32>,
        %get3A_446 = arith.constant 0 : i32
        %get3A_447 = arith.constant 0 : i32
        %get3A_448 = tpu.memref_slice %arg8[%select_n3A_186, %get3A_446, %get3A_447] : memref<2x256x64xf32, #tpu.memory_space<vmem>> -> memref<1x256x64xf32, #tpu.memory_space<vmem>>
        %get3A_449 = tpu.memref_squeeze %get3A_448 : memref<1x256x64xf32, #tpu.memory_space<vmem>> -> memref<256x64xf32, #tpu.memory_space<vmem>>
        %get3A_450 = arith.index_cast %add3A_273 : i32 to index
        %get3A_451 = arith.constant 0 : index
        %get3A_452 = tpu.vector_load %get3A_449[%get3A_450, %get3A_451] {strides = array<i32>} : memref<256x64xf32, #tpu.memory_space<vmem>>, vector<16xf32>,
        %get3A_453 = arith.constant 0 : i32
        %get3A_454 = arith.constant 0 : i32
        %get3A_455 = tpu.memref_slice %arg8[%select_n3A_186, %get3A_453, %get3A_454] : memref<2x256x64xf32, #tpu.memory_space<vmem>> -> memref<1x256x64xf32, #tpu.memory_space<vmem>>
        %get3A_456 = tpu.memref_squeeze %get3A_455 : memref<1x256x64xf32, #tpu.memory_space<vmem>> -> memref<256x64xf32, #tpu.memory_space<vmem>>
        %get3A_457 = arith.index_cast %add3A_273 : i32 to index
        %get3A_458 = arith.constant 16 : index
        %get3A_459 = tpu.vector_load %get3A_456[%get3A_457, %get3A_458] {strides = array<i32>} : memref<256x64xf32, #tpu.memory_space<vmem>>, vector<16xf32>,
        %get3A_460 = arith.constant 0 : i32
        %get3A_461 = arith.constant 0 : i32
        %get3A_462 = tpu.memref_slice %arg8[%select_n3A_186, %get3A_460, %get3A_461] : memref<2x256x64xf32, #tpu.memory_space<vmem>> -> memref<1x256x64xf32, #tpu.memory_space<vmem>>
        %get3A_463 = tpu.memref_squeeze %get3A_462 : memref<1x256x64xf32, #tpu.memory_space<vmem>> -> memref<256x64xf32, #tpu.memory_space<vmem>>
        %get3A_464 = arith.index_cast %add3A_273 : i32 to index
        %get3A_465 = arith.constant 32 : index
        %get3A_466 = tpu.vector_load %get3A_463[%get3A_464, %get3A_465] {strides = array<i32>} : memref<256x64xf32, #tpu.memory_space<vmem>>, vector<16xf32>,
        %get3A_467 = arith.constant 0 : i32
        %get3A_468 = arith.constant 0 : i32
        %get3A_469 = tpu.memref_slice %arg8[%select_n3A_186, %get3A_467, %get3A_468] : memref<2x256x64xf32, #tpu.memory_space<vmem>> -> memref<1x256x64xf32, #tpu.memory_space<vmem>>
        %get3A_470 = tpu.memref_squeeze %get3A_469 : memref<1x256x64xf32, #tpu.memory_space<vmem>> -> memref<256x64xf32, #tpu.memory_space<vmem>>
        %get3A_471 = arith.index_cast %add3A_273 : i32 to index
        %get3A_472 = arith.constant 48 : index
        %get3A_473 = tpu.vector_load %get3A_470[%get3A_471, %get3A_472] {strides = array<i32>} : memref<256x64xf32, #tpu.memory_space<vmem>>, vector<16xf32>,
        %get3A_474 = arith.constant 0 : i32
        %get3A_475 = arith.constant 0 : i32
        %get3A_476 = tpu.memref_slice %arg8[%select_n3A_186, %get3A_474, %get3A_475] : memref<2x256x64xf32, #tpu.memory_space<vmem>> -> memref<1x256x64xf32, #tpu.memory_space<vmem>>
        %get3A_477 = tpu.memref_squeeze %get3A_476 : memref<1x256x64xf32, #tpu.memory_space<vmem>> -> memref<256x64xf32, #tpu.memory_space<vmem>>
        %get3A_478 = arith.index_cast %add3A_277 : i32 to index
        %get3A_479 = arith.constant 0 : index
        %get3A_480 = tpu.vector_load %get3A_477[%get3A_478, %get3A_479] {strides = array<i32>} : memref<256x64xf32, #tpu.memory_space<vmem>>, vector<16xf32>,
        %get3A_481 = arith.constant 0 : i32
        %get3A_482 = arith.constant 0 : i32
        %get3A_483 = tpu.memref_slice %arg8[%select_n3A_186, %get3A_481, %get3A_482] : memref<2x256x64xf32, #tpu.memory_space<vmem>> -> memref<1x256x64xf32, #tpu.memory_space<vmem>>
        %get3A_484 = tpu.memref_squeeze %get3A_483 : memref<1x256x64xf32, #tpu.memory_space<vmem>> -> memref<256x64xf32, #tpu.memory_space<vmem>>
        %get3A_485 = arith.index_cast %add3A_277 : i32 to index
        %get3A_486 = arith.constant 16 : index
        %get3A_487 = tpu.vector_load %get3A_484[%get3A_485, %get3A_486] {strides = array<i32>} : memref<256x64xf32, #tpu.memory_space<vmem>>, vector<16xf32>,
        %get3A_488 = arith.constant 0 : i32
        %get3A_489 = arith.constant 0 : i32
        %get3A_490 = tpu.memref_slice %arg8[%select_n3A_186, %get3A_488, %get3A_489] : memref<2x256x64xf32, #tpu.memory_space<vmem>> -> memref<1x256x64xf32, #tpu.memory_space<vmem>>
        %get3A_491 = tpu.memref_squeeze %get3A_490 : memref<1x256x64xf32, #tpu.memory_space<vmem>> -> memref<256x64xf32, #tpu.memory_space<vmem>>
        %get3A_492 = arith.index_cast %add3A_277 : i32 to index
        %get3A_493 = arith.constant 32 : index
        %get3A_494 = tpu.vector_load %get3A_491[%get3A_492, %get3A_493] {strides = array<i32>} : memref<256x64xf32, #tpu.memory_space<vmem>>, vector<16xf32>,
        %get3A_495 = arith.constant 0 : i32
        %get3A_496 = arith.constant 0 : i32
        %get3A_497 = tpu.memref_slice %arg8[%select_n3A_186, %get3A_495, %get3A_496] : memref<2x256x64xf32, #tpu.memory_space<vmem>> -> memref<1x256x64xf32, #tpu.memory_space<vmem>>
        %get3A_498 = tpu.memref_squeeze %get3A_497 : memref<1x256x64xf32, #tpu.memory_space<vmem>> -> memref<256x64xf32, #tpu.memory_space<vmem>>
        %get3A_499 = arith.index_cast %add3A_277 : i32 to index
        %get3A_500 = arith.constant 48 : index
        %get3A_501 = tpu.vector_load %get3A_498[%get3A_499, %get3A_500] {strides = array<i32>} : memref<256x64xf32, #tpu.memory_space<vmem>>, vector<16xf32>,
        %add3A_502 = arith.addf %get3A_284, %get3A_291 : vector<16xf32>
        %add3A_503 = arith.addf %get3A_298, %get3A_305 : vector<16xf32>
        %add3A_504 = arith.addf %add3A_502, %add3A_503 : vector<16xf32>
        %mul3A_505 = arith.mulf %get3A_284, %get3A_284 : vector<16xf32>
        %mul3A_506 = arith.mulf %get3A_291, %get3A_291 : vector<16xf32>
        %add3A_507 = arith.addf %mul3A_505, %mul3A_506 : vector<16xf32>
        %mul3A_508 = arith.mulf %get3A_298, %get3A_298 : vector<16xf32>
        %mul3A_509 = arith.mulf %get3A_305, %get3A_305 : vector<16xf32>
        %add3A_510 = arith.addf %mul3A_508, %mul3A_509 : vector<16xf32>
        %add3A_511 = arith.addf %add3A_507, %add3A_510 : vector<16xf32>
        %broadcast_in_dim3A_512 = arith.constant true
        %broadcast_in_dim3A_513 = vector.broadcast %broadcast_in_dim3A_512 : i1 to vector<16xi1>
        %masked_cumsum3A = tpu.scan <sum>, %add3A_504 masked %broadcast_in_dim3A_513 : vector<16xf32>, vector<16xi1> -> vector<16xf32>
        %broadcast_in_dim3A_514 = arith.constant true
        %broadcast_in_dim3A_515 = vector.broadcast %broadcast_in_dim3A_514 : i1 to vector<16xi1>
        %masked_cumsum3A_516 = tpu.scan <sum>, %add3A_511 masked %broadcast_in_dim3A_515 : vector<16xf32>, vector<16xi1> -> vector<16xf32>
        %add3A_517 = arith.addf %get3A_312, %get3A_319 : vector<16xf32>
        %add3A_518 = arith.addf %get3A_326, %get3A_333 : vector<16xf32>
        %add3A_519 = arith.addf %add3A_517, %add3A_518 : vector<16xf32>
        %mul3A_520 = arith.mulf %get3A_312, %get3A_312 : vector<16xf32>
        %mul3A_521 = arith.mulf %get3A_319, %get3A_319 : vector<16xf32>
        %add3A_522 = arith.addf %mul3A_520, %mul3A_521 : vector<16xf32>
        %mul3A_523 = arith.mulf %get3A_326, %get3A_326 : vector<16xf32>
        %mul3A_524 = arith.mulf %get3A_333, %get3A_333 : vector<16xf32>
        %add3A_525 = arith.addf %mul3A_523, %mul3A_524 : vector<16xf32>
        %add3A_526 = arith.addf %add3A_522, %add3A_525 : vector<16xf32>
        %broadcast_in_dim3A_527 = arith.constant true
        %broadcast_in_dim3A_528 = vector.broadcast %broadcast_in_dim3A_527 : i1 to vector<16xi1>
        %masked_cumsum3A_529 = tpu.scan <sum>, %add3A_519 masked %broadcast_in_dim3A_528 : vector<16xf32>, vector<16xi1> -> vector<16xf32>
        %broadcast_in_dim3A_530 = arith.constant true
        %broadcast_in_dim3A_531 = vector.broadcast %broadcast_in_dim3A_530 : i1 to vector<16xi1>
        %masked_cumsum3A_532 = tpu.scan <sum>, %add3A_526 masked %broadcast_in_dim3A_531 : vector<16xf32>, vector<16xi1> -> vector<16xf32>
        %add3A_533 = arith.addf %get3A_340, %get3A_347 : vector<16xf32>
        %add3A_534 = arith.addf %get3A_354, %get3A_361 : vector<16xf32>
        %add3A_535 = arith.addf %add3A_533, %add3A_534 : vector<16xf32>
        %mul3A_536 = arith.mulf %get3A_340, %get3A_340 : vector<16xf32>
        %mul3A_537 = arith.mulf %get3A_347, %get3A_347 : vector<16xf32>
        %add3A_538 = arith.addf %mul3A_536, %mul3A_537 : vector<16xf32>
        %mul3A_539 = arith.mulf %get3A_354, %get3A_354 : vector<16xf32>
        %mul3A_540 = arith.mulf %get3A_361, %get3A_361 : vector<16xf32>
        %add3A_541 = arith.addf %mul3A_539, %mul3A_540 : vector<16xf32>
        %add3A_542 = arith.addf %add3A_538, %add3A_541 : vector<16xf32>
        %broadcast_in_dim3A_543 = arith.constant true
        %broadcast_in_dim3A_544 = vector.broadcast %broadcast_in_dim3A_543 : i1 to vector<16xi1>
        %masked_cumsum3A_545 = tpu.scan <sum>, %add3A_535 masked %broadcast_in_dim3A_544 : vector<16xf32>, vector<16xi1> -> vector<16xf32>
        %broadcast_in_dim3A_546 = arith.constant true
        %broadcast_in_dim3A_547 = vector.broadcast %broadcast_in_dim3A_546 : i1 to vector<16xi1>
        %masked_cumsum3A_548 = tpu.scan <sum>, %add3A_542 masked %broadcast_in_dim3A_547 : vector<16xf32>, vector<16xi1> -> vector<16xf32>
        %add3A_549 = arith.addf %get3A_368, %get3A_375 : vector<16xf32>
        %add3A_550 = arith.addf %get3A_382, %get3A_389 : vector<16xf32>
        %add3A_551 = arith.addf %add3A_549, %add3A_550 : vector<16xf32>
        %mul3A_552 = arith.mulf %get3A_368, %get3A_368 : vector<16xf32>
        %mul3A_553 = arith.mulf %get3A_375, %get3A_375 : vector<16xf32>
        %add3A_554 = arith.addf %mul3A_552, %mul3A_553 : vector<16xf32>
        %mul3A_555 = arith.mulf %get3A_382, %get3A_382 : vector<16xf32>
        %mul3A_556 = arith.mulf %get3A_389, %get3A_389 : vector<16xf32>
        %add3A_557 = arith.addf %mul3A_555, %mul3A_556 : vector<16xf32>
        %add3A_558 = arith.addf %add3A_554, %add3A_557 : vector<16xf32>
        %broadcast_in_dim3A_559 = arith.constant true
        %broadcast_in_dim3A_560 = vector.broadcast %broadcast_in_dim3A_559 : i1 to vector<16xi1>
        %masked_cumsum3A_561 = tpu.scan <sum>, %add3A_551 masked %broadcast_in_dim3A_560 : vector<16xf32>, vector<16xi1> -> vector<16xf32>
        %broadcast_in_dim3A_562 = arith.constant true
        %broadcast_in_dim3A_563 = vector.broadcast %broadcast_in_dim3A_562 : i1 to vector<16xi1>
        %masked_cumsum3A_564 = tpu.scan <sum>, %add3A_558 masked %broadcast_in_dim3A_563 : vector<16xf32>, vector<16xi1> -> vector<16xf32>
        %add3A_565 = arith.addf %get3A_396, %get3A_403 : vector<16xf32>
        %add3A_566 = arith.addf %get3A_410, %get3A_417 : vector<16xf32>
        %add3A_567 = arith.addf %add3A_565, %add3A_566 : vector<16xf32>
        %mul3A_568 = arith.mulf %get3A_396, %get3A_396 : vector<16xf32>
        %mul3A_569 = arith.mulf %get3A_403, %get3A_403 : vector<16xf32>
        %add3A_570 = arith.addf %mul3A_568, %mul3A_569 : vector<16xf32>
        %mul3A_571 = arith.mulf %get3A_410, %get3A_410 : vector<16xf32>
        %mul3A_572 = arith.mulf %get3A_417, %get3A_417 : vector<16xf32>
        %add3A_573 = arith.addf %mul3A_571, %mul3A_572 : vector<16xf32>
        %add3A_574 = arith.addf %add3A_570, %add3A_573 : vector<16xf32>
        %broadcast_in_dim3A_575 = arith.constant true
        %broadcast_in_dim3A_576 = vector.broadcast %broadcast_in_dim3A_575 : i1 to vector<16xi1>
        %masked_cumsum3A_577 = tpu.scan <sum>, %add3A_567 masked %broadcast_in_dim3A_576 : vector<16xf32>, vector<16xi1> -> vector<16xf32>
        %broadcast_in_dim3A_578 = arith.constant true
        %broadcast_in_dim3A_579 = vector.broadcast %broadcast_in_dim3A_578 : i1 to vector<16xi1>
        %masked_cumsum3A_580 = tpu.scan <sum>, %add3A_574 masked %broadcast_in_dim3A_579 : vector<16xf32>, vector<16xi1> -> vector<16xf32>
        %add3A_581 = arith.addf %get3A_424, %get3A_431 : vector<16xf32>
        %add3A_582 = arith.addf %get3A_438, %get3A_445 : vector<16xf32>
        %add3A_583 = arith.addf %add3A_581, %add3A_582 : vector<16xf32>
        %mul3A_584 = arith.mulf %get3A_424, %get3A_424 : vector<16xf32>
        %mul3A_585 = arith.mulf %get3A_431, %get3A_431 : vector<16xf32>
        %add3A_586 = arith.addf %mul3A_584, %mul3A_585 : vector<16xf32>
        %mul3A_587 = arith.mulf %get3A_438, %get3A_438 : vector<16xf32>
        %mul3A_588 = arith.mulf %get3A_445, %get3A_445 : vector<16xf32>
        %add3A_589 = arith.addf %mul3A_587, %mul3A_588 : vector<16xf32>
        %add3A_590 = arith.addf %add3A_586, %add3A_589 : vector<16xf32>
        %broadcast_in_dim3A_591 = arith.constant true
        %broadcast_in_dim3A_592 = vector.broadcast %broadcast_in_dim3A_591 : i1 to vector<16xi1>
        %masked_cumsum3A_593 = tpu.scan <sum>, %add3A_583 masked %broadcast_in_dim3A_592 : vector<16xf32>, vector<16xi1> -> vector<16xf32>
        %broadcast_in_dim3A_594 = arith.constant true
        %broadcast_in_dim3A_595 = vector.broadcast %broadcast_in_dim3A_594 : i1 to vector<16xi1>
        %masked_cumsum3A_596 = tpu.scan <sum>, %add3A_590 masked %broadcast_in_dim3A_595 : vector<16xf32>, vector<16xi1> -> vector<16xf32>
        %add3A_597 = arith.addf %get3A_452, %get3A_459 : vector<16xf32>
        %add3A_598 = arith.addf %get3A_466, %get3A_473 : vector<16xf32>
        %add3A_599 = arith.addf %add3A_597, %add3A_598 : vector<16xf32>
        %mul3A_600 = arith.mulf %get3A_452, %get3A_452 : vector<16xf32>
        %mul3A_601 = arith.mulf %get3A_459, %get3A_459 : vector<16xf32>
        %add3A_602 = arith.addf %mul3A_600, %mul3A_601 : vector<16xf32>
        %mul3A_603 = arith.mulf %get3A_466, %get3A_466 : vector<16xf32>
        %mul3A_604 = arith.mulf %get3A_473, %get3A_473 : vector<16xf32>
        %add3A_605 = arith.addf %mul3A_603, %mul3A_604 : vector<16xf32>
        %add3A_606 = arith.addf %add3A_602, %add3A_605 : vector<16xf32>
        %broadcast_in_dim3A_607 = arith.constant true
        %broadcast_in_dim3A_608 = vector.broadcast %broadcast_in_dim3A_607 : i1 to vector<16xi1>
        %masked_cumsum3A_609 = tpu.scan <sum>, %add3A_599 masked %broadcast_in_dim3A_608 : vector<16xf32>, vector<16xi1> -> vector<16xf32>
        %broadcast_in_dim3A_610 = arith.constant true
        %broadcast_in_dim3A_611 = vector.broadcast %broadcast_in_dim3A_610 : i1 to vector<16xi1>
        %masked_cumsum3A_612 = tpu.scan <sum>, %add3A_606 masked %broadcast_in_dim3A_611 : vector<16xf32>, vector<16xi1> -> vector<16xf32>
        %add3A_613 = arith.addf %get3A_480, %get3A_487 : vector<16xf32>
        %add3A_614 = arith.addf %get3A_494, %get3A_501 : vector<16xf32>
        %add3A_615 = arith.addf %add3A_613, %add3A_614 : vector<16xf32>
        %mul3A_616 = arith.mulf %get3A_480, %get3A_480 : vector<16xf32>
        %mul3A_617 = arith.mulf %get3A_487, %get3A_487 : vector<16xf32>
        %add3A_618 = arith.addf %mul3A_616, %mul3A_617 : vector<16xf32>
        %mul3A_619 = arith.mulf %get3A_494, %get3A_494 : vector<16xf32>
        %mul3A_620 = arith.mulf %get3A_501, %get3A_501 : vector<16xf32>
        %add3A_621 = arith.addf %mul3A_619, %mul3A_620 : vector<16xf32>
        %add3A_622 = arith.addf %add3A_618, %add3A_621 : vector<16xf32>
        %broadcast_in_dim3A_623 = arith.constant true
        %broadcast_in_dim3A_624 = vector.broadcast %broadcast_in_dim3A_623 : i1 to vector<16xi1>
        %masked_cumsum3A_625 = tpu.scan <sum>, %add3A_615 masked %broadcast_in_dim3A_624 : vector<16xf32>, vector<16xi1> -> vector<16xf32>
        %broadcast_in_dim3A_626 = arith.constant true
        %broadcast_in_dim3A_627 = vector.broadcast %broadcast_in_dim3A_626 : i1 to vector<16xi1>
        %masked_cumsum3A_628 = tpu.scan <sum>, %add3A_622 masked %broadcast_in_dim3A_627 : vector<16xf32>, vector<16xi1> -> vector<16xf32>
        %slice3A = vector.extract_strided_slice %masked_cumsum3A {offsets = [15], sizes = [1], strides = [1]} : vector<16xf32> to vector<1xf32>
        %squeeze3A = vector.extract %slice3A[0] : f32 from vector<1xf32>
        %mul3A_629 = arith.constant 1.562500e-02 : f32
        %mul3A_630 = arith.mulf %squeeze3A, %mul3A_629 : f32
        %slice3A_631 = vector.extract_strided_slice %masked_cumsum3A_516 {offsets = [15], sizes = [1], strides = [1]} : vector<16xf32> to vector<1xf32>
        %squeeze3A_632 = vector.extract %slice3A_631[0] : f32 from vector<1xf32>
        %mul3A_633 = arith.constant 1.562500e-02 : f32
        %mul3A_634 = arith.mulf %squeeze3A_632, %mul3A_633 : f32
        %mul3A_635 = arith.mulf %mul3A_630, %mul3A_630 : f32
        %sub3A = arith.subf %mul3A_634, %mul3A_635 : f32
        %max3A = arith.constant 0.000000e+00 : f32
        %max3A_636 = arith.maximumf %sub3A, %max3A : f32
        %add3A_637 = arith.constant 9.99999974E-6 : f32
        %add3A_638 = arith.addf %max3A_636, %add3A_637 : f32
        %bitcast_convert_type3A = arith.bitcast %add3A_638 : f32 to i32
        %shift_right_logical3A = arith.constant 1 : i32
        %shift_right_logical3A_639 = arith.shrui %bitcast_convert_type3A, %shift_right_logical3A : i32
        %sub3A_640 = arith.constant 1597463007 : i32
        %sub3A_641 = arith.subi %sub3A_640, %shift_right_logical3A_639 : i32
        %bitcast_convert_type3A_642 = arith.bitcast %sub3A_641 : i32 to f32
        %mul3A_643 = arith.constant 5.000000e-01 : f32
        %mul3A_644 = arith.mulf %mul3A_643, %add3A_638 : f32
        %mul3A_645 = arith.mulf %mul3A_644, %bitcast_convert_type3A_642 : f32
        %mul3A_646 = arith.mulf %mul3A_645, %bitcast_convert_type3A_642 : f32
        %sub3A_647 = arith.constant 1.500000e+00 : f32
        %sub3A_648 = arith.subf %sub3A_647, %mul3A_646 : f32
        %mul3A_649 = arith.mulf %bitcast_convert_type3A_642, %sub3A_648 : f32
        %mul3A_650 = arith.constant 5.000000e-01 : f32
        %mul3A_651 = arith.mulf %mul3A_650, %add3A_638 : f32
        %mul3A_652 = arith.mulf %mul3A_651, %mul3A_649 : f32
        %mul3A_653 = arith.mulf %mul3A_652, %mul3A_649 : f32
        %sub3A_654 = arith.constant 1.500000e+00 : f32
        %sub3A_655 = arith.subf %sub3A_654, %mul3A_653 : f32
        %mul3A_656 = arith.mulf %mul3A_649, %sub3A_655 : f32
        %mul3A_657 = arith.constant 5.000000e-01 : f32
        %mul3A_658 = arith.mulf %mul3A_657, %add3A_638 : f32
        %mul3A_659 = arith.mulf %mul3A_658, %mul3A_656 : f32
        %mul3A_660 = arith.mulf %mul3A_659, %mul3A_656 : f32
        %sub3A_661 = arith.constant 1.500000e+00 : f32
        %sub3A_662 = arith.subf %sub3A_661, %mul3A_660 : f32
        %mul3A_663 = arith.mulf %mul3A_656, %sub3A_662 : f32
        %add3A_664 = vector.broadcast %mul3A_630 : f32 to vector<16xf32>
        %add3A_665 = arith.addf %broadcast_in_dim3A_23, %add3A_664 : vector<16xf32>
        %add3A_666 = vector.broadcast %mul3A_663 : f32 to vector<16xf32>
        %add3A_667 = arith.addf %broadcast_in_dim3A_23, %add3A_666 : vector<16xf32>
        %sub3A_668 = arith.subf %get3A_284, %add3A_665 : vector<16xf32>
        %mul3A_669 = arith.mulf %sub3A_668, %add3A_667 : vector<16xf32>
        %mul3A_670 = arith.mulf %mul3A_669, %get3A_1 : vector<16xf32>
        %add3A_671 = arith.addf %mul3A_670, %get3A_9 : vector<16xf32>
        %swap3A = arith.constant 0 : i32
        %swap3A_672 = arith.constant 0 : i32
        %swap3A_673 = tpu.memref_slice %arg9[%select_n3A_202, %swap3A, %swap3A_672] : memref<2x256x64xf32, #tpu.memory_space<vmem>> -> memref<1x256x64xf32, #tpu.memory_space<vmem>>
        %swap3A_674 = tpu.memref_squeeze %swap3A_673 : memref<1x256x64xf32, #tpu.memory_space<vmem>> -> memref<256x64xf32, #tpu.memory_space<vmem>>
        %swap3A_675 = arith.index_cast %add3A_249 : i32 to index
        %swap3A_676 = arith.constant 0 : index
        %swap3A_677 = tpu.vector_load %swap3A_674[%swap3A_675, %swap3A_676] {strides = array<i32>} : memref<256x64xf32, #tpu.memory_space<vmem>>, vector<16xf32>,
        tpu.vector_store %swap3A_674[%swap3A_675, %swap3A_676], %add3A_671 {strides = array<i32>} : memref<256x64xf32, #tpu.memory_space<vmem>>, vector<16xf32>,
        %sub3A_678 = arith.subf %get3A_291, %add3A_665 : vector<16xf32>
        %mul3A_679 = arith.mulf %sub3A_678, %add3A_667 : vector<16xf32>
        %mul3A_680 = arith.mulf %mul3A_679, %get3A_3 : vector<16xf32>
        %add3A_681 = arith.addf %mul3A_680, %get3A_11 : vector<16xf32>
        %swap3A_682 = arith.constant 0 : i32
        %swap3A_683 = arith.constant 0 : i32
        %swap3A_684 = tpu.memref_slice %arg9[%select_n3A_202, %swap3A_682, %swap3A_683] : memref<2x256x64xf32, #tpu.memory_space<vmem>> -> memref<1x256x64xf32, #tpu.memory_space<vmem>>
        %swap3A_685 = tpu.memref_squeeze %swap3A_684 : memref<1x256x64xf32, #tpu.memory_space<vmem>> -> memref<256x64xf32, #tpu.memory_space<vmem>>
        %swap3A_686 = arith.index_cast %add3A_249 : i32 to index
        %swap3A_687 = arith.constant 16 : index
        %swap3A_688 = tpu.vector_load %swap3A_685[%swap3A_686, %swap3A_687] {strides = array<i32>} : memref<256x64xf32, #tpu.memory_space<vmem>>, vector<16xf32>,
        tpu.vector_store %swap3A_685[%swap3A_686, %swap3A_687], %add3A_681 {strides = array<i32>} : memref<256x64xf32, #tpu.memory_space<vmem>>, vector<16xf32>,
        %sub3A_689 = arith.subf %get3A_298, %add3A_665 : vector<16xf32>
        %mul3A_690 = arith.mulf %sub3A_689, %add3A_667 : vector<16xf32>
        %mul3A_691 = arith.mulf %mul3A_690, %get3A_5 : vector<16xf32>
        %add3A_692 = arith.addf %mul3A_691, %get3A_13 : vector<16xf32>
        %swap3A_693 = arith.constant 0 : i32
        %swap3A_694 = arith.constant 0 : i32
        %swap3A_695 = tpu.memref_slice %arg9[%select_n3A_202, %swap3A_693, %swap3A_694] : memref<2x256x64xf32, #tpu.memory_space<vmem>> -> memref<1x256x64xf32, #tpu.memory_space<vmem>>
        %swap3A_696 = tpu.memref_squeeze %swap3A_695 : memref<1x256x64xf32, #tpu.memory_space<vmem>> -> memref<256x64xf32, #tpu.memory_space<vmem>>
        %swap3A_697 = arith.index_cast %add3A_249 : i32 to index
        %swap3A_698 = arith.constant 32 : index
        %swap3A_699 = tpu.vector_load %swap3A_696[%swap3A_697, %swap3A_698] {strides = array<i32>} : memref<256x64xf32, #tpu.memory_space<vmem>>, vector<16xf32>,
        tpu.vector_store %swap3A_696[%swap3A_697, %swap3A_698], %add3A_692 {strides = array<i32>} : memref<256x64xf32, #tpu.memory_space<vmem>>, vector<16xf32>,
        %sub3A_700 = arith.subf %get3A_305, %add3A_665 : vector<16xf32>
        %mul3A_701 = arith.mulf %sub3A_700, %add3A_667 : vector<16xf32>
        %mul3A_702 = arith.mulf %mul3A_701, %get3A_7 : vector<16xf32>
        %add3A_703 = arith.addf %mul3A_702, %get3A_15 : vector<16xf32>
        %swap3A_704 = arith.constant 0 : i32
        %swap3A_705 = arith.constant 0 : i32
        %swap3A_706 = tpu.memref_slice %arg9[%select_n3A_202, %swap3A_704, %swap3A_705] : memref<2x256x64xf32, #tpu.memory_space<vmem>> -> memref<1x256x64xf32, #tpu.memory_space<vmem>>
        %swap3A_707 = tpu.memref_squeeze %swap3A_706 : memref<1x256x64xf32, #tpu.memory_space<vmem>> -> memref<256x64xf32, #tpu.memory_space<vmem>>
        %swap3A_708 = arith.index_cast %add3A_249 : i32 to index
        %swap3A_709 = arith.constant 48 : index
        %swap3A_710 = tpu.vector_load %swap3A_707[%swap3A_708, %swap3A_709] {strides = array<i32>} : memref<256x64xf32, #tpu.memory_space<vmem>>, vector<16xf32>,
        tpu.vector_store %swap3A_707[%swap3A_708, %swap3A_709], %add3A_703 {strides = array<i32>} : memref<256x64xf32, #tpu.memory_space<vmem>>, vector<16xf32>,
        %slice3A_711 = vector.extract_strided_slice %masked_cumsum3A_529 {offsets = [15], sizes = [1], strides = [1]} : vector<16xf32> to vector<1xf32>
        %squeeze3A_712 = vector.extract %slice3A_711[0] : f32 from vector<1xf32>
        %mul3A_713 = arith.constant 1.562500e-02 : f32
        %mul3A_714 = arith.mulf %squeeze3A_712, %mul3A_713 : f32
        %slice3A_715 = vector.extract_strided_slice %masked_cumsum3A_532 {offsets = [15], sizes = [1], strides = [1]} : vector<16xf32> to vector<1xf32>
        %squeeze3A_716 = vector.extract %slice3A_715[0] : f32 from vector<1xf32>
        %mul3A_717 = arith.constant 1.562500e-02 : f32
        %mul3A_718 = arith.mulf %squeeze3A_716, %mul3A_717 : f32
        %mul3A_719 = arith.mulf %mul3A_714, %mul3A_714 : f32
        %sub3A_720 = arith.subf %mul3A_718, %mul3A_719 : f32
        %max3A_721 = arith.constant 0.000000e+00 : f32
        %max3A_722 = arith.maximumf %sub3A_720, %max3A_721 : f32
        %add3A_723 = arith.constant 9.99999974E-6 : f32
        %add3A_724 = arith.addf %max3A_722, %add3A_723 : f32
        %bitcast_convert_type3A_725 = arith.bitcast %add3A_724 : f32 to i32
        %shift_right_logical3A_726 = arith.constant 1 : i32
        %shift_right_logical3A_727 = arith.shrui %bitcast_convert_type3A_725, %shift_right_logical3A_726 : i32
        %sub3A_728 = arith.constant 1597463007 : i32
        %sub3A_729 = arith.subi %sub3A_728, %shift_right_logical3A_727 : i32
        %bitcast_convert_type3A_730 = arith.bitcast %sub3A_729 : i32 to f32
        %mul3A_731 = arith.constant 5.000000e-01 : f32
        %mul3A_732 = arith.mulf %mul3A_731, %add3A_724 : f32
        %mul3A_733 = arith.mulf %mul3A_732, %bitcast_convert_type3A_730 : f32
        %mul3A_734 = arith.mulf %mul3A_733, %bitcast_convert_type3A_730 : f32
        %sub3A_735 = arith.constant 1.500000e+00 : f32
        %sub3A_736 = arith.subf %sub3A_735, %mul3A_734 : f32
        %mul3A_737 = arith.mulf %bitcast_convert_type3A_730, %sub3A_736 : f32
        %mul3A_738 = arith.constant 5.000000e-01 : f32
        %mul3A_739 = arith.mulf %mul3A_738, %add3A_724 : f32
        %mul3A_740 = arith.mulf %mul3A_739, %mul3A_737 : f32
        %mul3A_741 = arith.mulf %mul3A_740, %mul3A_737 : f32
        %sub3A_742 = arith.constant 1.500000e+00 : f32
        %sub3A_743 = arith.subf %sub3A_742, %mul3A_741 : f32
        %mul3A_744 = arith.mulf %mul3A_737, %sub3A_743 : f32
        %mul3A_745 = arith.constant 5.000000e-01 : f32
        %mul3A_746 = arith.mulf %mul3A_745, %add3A_724 : f32
        %mul3A_747 = arith.mulf %mul3A_746, %mul3A_744 : f32
        %mul3A_748 = arith.mulf %mul3A_747, %mul3A_744 : f32
        %sub3A_749 = arith.constant 1.500000e+00 : f32
        %sub3A_750 = arith.subf %sub3A_749, %mul3A_748 : f32
        %mul3A_751 = arith.mulf %mul3A_744, %sub3A_750 : f32
        %add3A_752 = vector.broadcast %mul3A_714 : f32 to vector<16xf32>
        %add3A_753 = arith.addf %broadcast_in_dim3A_23, %add3A_752 : vector<16xf32>
        %add3A_754 = vector.broadcast %mul3A_751 : f32 to vector<16xf32>
        %add3A_755 = arith.addf %broadcast_in_dim3A_23, %add3A_754 : vector<16xf32>
        %sub3A_756 = arith.subf %get3A_312, %add3A_753 : vector<16xf32>
        %mul3A_757 = arith.mulf %sub3A_756, %add3A_755 : vector<16xf32>
        %mul3A_758 = arith.mulf %mul3A_757, %get3A_1 : vector<16xf32>
        %add3A_759 = arith.addf %mul3A_758, %get3A_9 : vector<16xf32>
        %swap3A_760 = arith.constant 0 : i32
        %swap3A_761 = arith.constant 0 : i32
        %swap3A_762 = tpu.memref_slice %arg9[%select_n3A_202, %swap3A_760, %swap3A_761] : memref<2x256x64xf32, #tpu.memory_space<vmem>> -> memref<1x256x64xf32, #tpu.memory_space<vmem>>
        %swap3A_763 = tpu.memref_squeeze %swap3A_762 : memref<1x256x64xf32, #tpu.memory_space<vmem>> -> memref<256x64xf32, #tpu.memory_space<vmem>>
        %swap3A_764 = arith.index_cast %add3A_253 : i32 to index
        %swap3A_765 = arith.constant 0 : index
        %swap3A_766 = tpu.vector_load %swap3A_763[%swap3A_764, %swap3A_765] {strides = array<i32>} : memref<256x64xf32, #tpu.memory_space<vmem>>, vector<16xf32>,
        tpu.vector_store %swap3A_763[%swap3A_764, %swap3A_765], %add3A_759 {strides = array<i32>} : memref<256x64xf32, #tpu.memory_space<vmem>>, vector<16xf32>,
        %sub3A_767 = arith.subf %get3A_319, %add3A_753 : vector<16xf32>
        %mul3A_768 = arith.mulf %sub3A_767, %add3A_755 : vector<16xf32>
        %mul3A_769 = arith.mulf %mul3A_768, %get3A_3 : vector<16xf32>
        %add3A_770 = arith.addf %mul3A_769, %get3A_11 : vector<16xf32>
        %swap3A_771 = arith.constant 0 : i32
        %swap3A_772 = arith.constant 0 : i32
        %swap3A_773 = tpu.memref_slice %arg9[%select_n3A_202, %swap3A_771, %swap3A_772] : memref<2x256x64xf32, #tpu.memory_space<vmem>> -> memref<1x256x64xf32, #tpu.memory_space<vmem>>
        %swap3A_774 = tpu.memref_squeeze %swap3A_773 : memref<1x256x64xf32, #tpu.memory_space<vmem>> -> memref<256x64xf32, #tpu.memory_space<vmem>>
        %swap3A_775 = arith.index_cast %add3A_253 : i32 to index
        %swap3A_776 = arith.constant 16 : index
        %swap3A_777 = tpu.vector_load %swap3A_774[%swap3A_775, %swap3A_776] {strides = array<i32>} : memref<256x64xf32, #tpu.memory_space<vmem>>, vector<16xf32>,
        tpu.vector_store %swap3A_774[%swap3A_775, %swap3A_776], %add3A_770 {strides = array<i32>} : memref<256x64xf32, #tpu.memory_space<vmem>>, vector<16xf32>,
        %sub3A_778 = arith.subf %get3A_326, %add3A_753 : vector<16xf32>
        %mul3A_779 = arith.mulf %sub3A_778, %add3A_755 : vector<16xf32>
        %mul3A_780 = arith.mulf %mul3A_779, %get3A_5 : vector<16xf32>
        %add3A_781 = arith.addf %mul3A_780, %get3A_13 : vector<16xf32>
        %swap3A_782 = arith.constant 0 : i32
        %swap3A_783 = arith.constant 0 : i32
        %swap3A_784 = tpu.memref_slice %arg9[%select_n3A_202, %swap3A_782, %swap3A_783] : memref<2x256x64xf32, #tpu.memory_space<vmem>> -> memref<1x256x64xf32, #tpu.memory_space<vmem>>
        %swap3A_785 = tpu.memref_squeeze %swap3A_784 : memref<1x256x64xf32, #tpu.memory_space<vmem>> -> memref<256x64xf32, #tpu.memory_space<vmem>>
        %swap3A_786 = arith.index_cast %add3A_253 : i32 to index
        %swap3A_787 = arith.constant 32 : index
        %swap3A_788 = tpu.vector_load %swap3A_785[%swap3A_786, %swap3A_787] {strides = array<i32>} : memref<256x64xf32, #tpu.memory_space<vmem>>, vector<16xf32>,
        tpu.vector_store %swap3A_785[%swap3A_786, %swap3A_787], %add3A_781 {strides = array<i32>} : memref<256x64xf32, #tpu.memory_space<vmem>>, vector<16xf32>,
        %sub3A_789 = arith.subf %get3A_333, %add3A_753 : vector<16xf32>
        %mul3A_790 = arith.mulf %sub3A_789, %add3A_755 : vector<16xf32>
        %mul3A_791 = arith.mulf %mul3A_790, %get3A_7 : vector<16xf32>
        %add3A_792 = arith.addf %mul3A_791, %get3A_15 : vector<16xf32>
        %swap3A_793 = arith.constant 0 : i32
        %swap3A_794 = arith.constant 0 : i32
        %swap3A_795 = tpu.memref_slice %arg9[%select_n3A_202, %swap3A_793, %swap3A_794] : memref<2x256x64xf32, #tpu.memory_space<vmem>> -> memref<1x256x64xf32, #tpu.memory_space<vmem>>
        %swap3A_796 = tpu.memref_squeeze %swap3A_795 : memref<1x256x64xf32, #tpu.memory_space<vmem>> -> memref<256x64xf32, #tpu.memory_space<vmem>>
        %swap3A_797 = arith.index_cast %add3A_253 : i32 to index
        %swap3A_798 = arith.constant 48 : index
        %swap3A_799 = tpu.vector_load %swap3A_796[%swap3A_797, %swap3A_798] {strides = array<i32>} : memref<256x64xf32, #tpu.memory_space<vmem>>, vector<16xf32>,
        tpu.vector_store %swap3A_796[%swap3A_797, %swap3A_798], %add3A_792 {strides = array<i32>} : memref<256x64xf32, #tpu.memory_space<vmem>>, vector<16xf32>,
        %slice3A_800 = vector.extract_strided_slice %masked_cumsum3A_545 {offsets = [15], sizes = [1], strides = [1]} : vector<16xf32> to vector<1xf32>
        %squeeze3A_801 = vector.extract %slice3A_800[0] : f32 from vector<1xf32>
        %mul3A_802 = arith.constant 1.562500e-02 : f32
        %mul3A_803 = arith.mulf %squeeze3A_801, %mul3A_802 : f32
        %slice3A_804 = vector.extract_strided_slice %masked_cumsum3A_548 {offsets = [15], sizes = [1], strides = [1]} : vector<16xf32> to vector<1xf32>
        %squeeze3A_805 = vector.extract %slice3A_804[0] : f32 from vector<1xf32>
        %mul3A_806 = arith.constant 1.562500e-02 : f32
        %mul3A_807 = arith.mulf %squeeze3A_805, %mul3A_806 : f32
        %mul3A_808 = arith.mulf %mul3A_803, %mul3A_803 : f32
        %sub3A_809 = arith.subf %mul3A_807, %mul3A_808 : f32
        %max3A_810 = arith.constant 0.000000e+00 : f32
        %max3A_811 = arith.maximumf %sub3A_809, %max3A_810 : f32
        %add3A_812 = arith.constant 9.99999974E-6 : f32
        %add3A_813 = arith.addf %max3A_811, %add3A_812 : f32
        %bitcast_convert_type3A_814 = arith.bitcast %add3A_813 : f32 to i32
        %shift_right_logical3A_815 = arith.constant 1 : i32
        %shift_right_logical3A_816 = arith.shrui %bitcast_convert_type3A_814, %shift_right_logical3A_815 : i32
        %sub3A_817 = arith.constant 1597463007 : i32
        %sub3A_818 = arith.subi %sub3A_817, %shift_right_logical3A_816 : i32
        %bitcast_convert_type3A_819 = arith.bitcast %sub3A_818 : i32 to f32
        %mul3A_820 = arith.constant 5.000000e-01 : f32
        %mul3A_821 = arith.mulf %mul3A_820, %add3A_813 : f32
        %mul3A_822 = arith.mulf %mul3A_821, %bitcast_convert_type3A_819 : f32
        %mul3A_823 = arith.mulf %mul3A_822, %bitcast_convert_type3A_819 : f32
        %sub3A_824 = arith.constant 1.500000e+00 : f32
        %sub3A_825 = arith.subf %sub3A_824, %mul3A_823 : f32
        %mul3A_826 = arith.mulf %bitcast_convert_type3A_819, %sub3A_825 : f32
        %mul3A_827 = arith.constant 5.000000e-01 : f32
        %mul3A_828 = arith.mulf %mul3A_827, %add3A_813 : f32
        %mul3A_829 = arith.mulf %mul3A_828, %mul3A_826 : f32
        %mul3A_830 = arith.mulf %mul3A_829, %mul3A_826 : f32
        %sub3A_831 = arith.constant 1.500000e+00 : f32
        %sub3A_832 = arith.subf %sub3A_831, %mul3A_830 : f32
        %mul3A_833 = arith.mulf %mul3A_826, %sub3A_832 : f32
        %mul3A_834 = arith.constant 5.000000e-01 : f32
        %mul3A_835 = arith.mulf %mul3A_834, %add3A_813 : f32
        %mul3A_836 = arith.mulf %mul3A_835, %mul3A_833 : f32
        %mul3A_837 = arith.mulf %mul3A_836, %mul3A_833 : f32
        %sub3A_838 = arith.constant 1.500000e+00 : f32
        %sub3A_839 = arith.subf %sub3A_838, %mul3A_837 : f32
        %mul3A_840 = arith.mulf %mul3A_833, %sub3A_839 : f32
        %add3A_841 = vector.broadcast %mul3A_803 : f32 to vector<16xf32>
        %add3A_842 = arith.addf %broadcast_in_dim3A_23, %add3A_841 : vector<16xf32>
        %add3A_843 = vector.broadcast %mul3A_840 : f32 to vector<16xf32>
        %add3A_844 = arith.addf %broadcast_in_dim3A_23, %add3A_843 : vector<16xf32>
        %sub3A_845 = arith.subf %get3A_340, %add3A_842 : vector<16xf32>
        %mul3A_846 = arith.mulf %sub3A_845, %add3A_844 : vector<16xf32>
        %mul3A_847 = arith.mulf %mul3A_846, %get3A_1 : vector<16xf32>
        %add3A_848 = arith.addf %mul3A_847, %get3A_9 : vector<16xf32>
        %swap3A_849 = arith.constant 0 : i32
        %swap3A_850 = arith.constant 0 : i32
        %swap3A_851 = tpu.memref_slice %arg9[%select_n3A_202, %swap3A_849, %swap3A_850] : memref<2x256x64xf32, #tpu.memory_space<vmem>> -> memref<1x256x64xf32, #tpu.memory_space<vmem>>
        %swap3A_852 = tpu.memref_squeeze %swap3A_851 : memref<1x256x64xf32, #tpu.memory_space<vmem>> -> memref<256x64xf32, #tpu.memory_space<vmem>>
        %swap3A_853 = arith.index_cast %add3A_257 : i32 to index
        %swap3A_854 = arith.constant 0 : index
        %swap3A_855 = tpu.vector_load %swap3A_852[%swap3A_853, %swap3A_854] {strides = array<i32>} : memref<256x64xf32, #tpu.memory_space<vmem>>, vector<16xf32>,
        tpu.vector_store %swap3A_852[%swap3A_853, %swap3A_854], %add3A_848 {strides = array<i32>} : memref<256x64xf32, #tpu.memory_space<vmem>>, vector<16xf32>,
        %sub3A_856 = arith.subf %get3A_347, %add3A_842 : vector<16xf32>
        %mul3A_857 = arith.mulf %sub3A_856, %add3A_844 : vector<16xf32>
        %mul3A_858 = arith.mulf %mul3A_857, %get3A_3 : vector<16xf32>
        %add3A_859 = arith.addf %mul3A_858, %get3A_11 : vector<16xf32>
        %swap3A_860 = arith.constant 0 : i32
        %swap3A_861 = arith.constant 0 : i32
        %swap3A_862 = tpu.memref_slice %arg9[%select_n3A_202, %swap3A_860, %swap3A_861] : memref<2x256x64xf32, #tpu.memory_space<vmem>> -> memref<1x256x64xf32, #tpu.memory_space<vmem>>
        %swap3A_863 = tpu.memref_squeeze %swap3A_862 : memref<1x256x64xf32, #tpu.memory_space<vmem>> -> memref<256x64xf32, #tpu.memory_space<vmem>>
        %swap3A_864 = arith.index_cast %add3A_257 : i32 to index
        %swap3A_865 = arith.constant 16 : index
        %swap3A_866 = tpu.vector_load %swap3A_863[%swap3A_864, %swap3A_865] {strides = array<i32>} : memref<256x64xf32, #tpu.memory_space<vmem>>, vector<16xf32>,
        tpu.vector_store %swap3A_863[%swap3A_864, %swap3A_865], %add3A_859 {strides = array<i32>} : memref<256x64xf32, #tpu.memory_space<vmem>>, vector<16xf32>,
        %sub3A_867 = arith.subf %get3A_354, %add3A_842 : vector<16xf32>
        %mul3A_868 = arith.mulf %sub3A_867, %add3A_844 : vector<16xf32>
        %mul3A_869 = arith.mulf %mul3A_868, %get3A_5 : vector<16xf32>
        %add3A_870 = arith.addf %mul3A_869, %get3A_13 : vector<16xf32>
        %swap3A_871 = arith.constant 0 : i32
        %swap3A_872 = arith.constant 0 : i32
        %swap3A_873 = tpu.memref_slice %arg9[%select_n3A_202, %swap3A_871, %swap3A_872] : memref<2x256x64xf32, #tpu.memory_space<vmem>> -> memref<1x256x64xf32, #tpu.memory_space<vmem>>
        %swap3A_874 = tpu.memref_squeeze %swap3A_873 : memref<1x256x64xf32, #tpu.memory_space<vmem>> -> memref<256x64xf32, #tpu.memory_space<vmem>>
        %swap3A_875 = arith.index_cast %add3A_257 : i32 to index
        %swap3A_876 = arith.constant 32 : index
        %swap3A_877 = tpu.vector_load %swap3A_874[%swap3A_875, %swap3A_876] {strides = array<i32>} : memref<256x64xf32, #tpu.memory_space<vmem>>, vector<16xf32>,
        tpu.vector_store %swap3A_874[%swap3A_875, %swap3A_876], %add3A_870 {strides = array<i32>} : memref<256x64xf32, #tpu.memory_space<vmem>>, vector<16xf32>,
        %sub3A_878 = arith.subf %get3A_361, %add3A_842 : vector<16xf32>
        %mul3A_879 = arith.mulf %sub3A_878, %add3A_844 : vector<16xf32>
        %mul3A_880 = arith.mulf %mul3A_879, %get3A_7 : vector<16xf32>
        %add3A_881 = arith.addf %mul3A_880, %get3A_15 : vector<16xf32>
        %swap3A_882 = arith.constant 0 : i32
        %swap3A_883 = arith.constant 0 : i32
        %swap3A_884 = tpu.memref_slice %arg9[%select_n3A_202, %swap3A_882, %swap3A_883] : memref<2x256x64xf32, #tpu.memory_space<vmem>> -> memref<1x256x64xf32, #tpu.memory_space<vmem>>
        %swap3A_885 = tpu.memref_squeeze %swap3A_884 : memref<1x256x64xf32, #tpu.memory_space<vmem>> -> memref<256x64xf32, #tpu.memory_space<vmem>>
        %swap3A_886 = arith.index_cast %add3A_257 : i32 to index
        %swap3A_887 = arith.constant 48 : index
        %swap3A_888 = tpu.vector_load %swap3A_885[%swap3A_886, %swap3A_887] {strides = array<i32>} : memref<256x64xf32, #tpu.memory_space<vmem>>, vector<16xf32>,
        tpu.vector_store %swap3A_885[%swap3A_886, %swap3A_887], %add3A_881 {strides = array<i32>} : memref<256x64xf32, #tpu.memory_space<vmem>>, vector<16xf32>,
        %slice3A_889 = vector.extract_strided_slice %masked_cumsum3A_561 {offsets = [15], sizes = [1], strides = [1]} : vector<16xf32> to vector<1xf32>
        %squeeze3A_890 = vector.extract %slice3A_889[0] : f32 from vector<1xf32>
        %mul3A_891 = arith.constant 1.562500e-02 : f32
        %mul3A_892 = arith.mulf %squeeze3A_890, %mul3A_891 : f32
        %slice3A_893 = vector.extract_strided_slice %masked_cumsum3A_564 {offsets = [15], sizes = [1], strides = [1]} : vector<16xf32> to vector<1xf32>
        %squeeze3A_894 = vector.extract %slice3A_893[0] : f32 from vector<1xf32>
        %mul3A_895 = arith.constant 1.562500e-02 : f32
        %mul3A_896 = arith.mulf %squeeze3A_894, %mul3A_895 : f32
        %mul3A_897 = arith.mulf %mul3A_892, %mul3A_892 : f32
        %sub3A_898 = arith.subf %mul3A_896, %mul3A_897 : f32
        %max3A_899 = arith.constant 0.000000e+00 : f32
        %max3A_900 = arith.maximumf %sub3A_898, %max3A_899 : f32
        %add3A_901 = arith.constant 9.99999974E-6 : f32
        %add3A_902 = arith.addf %max3A_900, %add3A_901 : f32
        %bitcast_convert_type3A_903 = arith.bitcast %add3A_902 : f32 to i32
        %shift_right_logical3A_904 = arith.constant 1 : i32
        %shift_right_logical3A_905 = arith.shrui %bitcast_convert_type3A_903, %shift_right_logical3A_904 : i32
        %sub3A_906 = arith.constant 1597463007 : i32
        %sub3A_907 = arith.subi %sub3A_906, %shift_right_logical3A_905 : i32
        %bitcast_convert_type3A_908 = arith.bitcast %sub3A_907 : i32 to f32
        %mul3A_909 = arith.constant 5.000000e-01 : f32
        %mul3A_910 = arith.mulf %mul3A_909, %add3A_902 : f32
        %mul3A_911 = arith.mulf %mul3A_910, %bitcast_convert_type3A_908 : f32
        %mul3A_912 = arith.mulf %mul3A_911, %bitcast_convert_type3A_908 : f32
        %sub3A_913 = arith.constant 1.500000e+00 : f32
        %sub3A_914 = arith.subf %sub3A_913, %mul3A_912 : f32
        %mul3A_915 = arith.mulf %bitcast_convert_type3A_908, %sub3A_914 : f32
        %mul3A_916 = arith.constant 5.000000e-01 : f32
        %mul3A_917 = arith.mulf %mul3A_916, %add3A_902 : f32
        %mul3A_918 = arith.mulf %mul3A_917, %mul3A_915 : f32
        %mul3A_919 = arith.mulf %mul3A_918, %mul3A_915 : f32
        %sub3A_920 = arith.constant 1.500000e+00 : f32
        %sub3A_921 = arith.subf %sub3A_920, %mul3A_919 : f32
        %mul3A_922 = arith.mulf %mul3A_915, %sub3A_921 : f32
        %mul3A_923 = arith.constant 5.000000e-01 : f32
        %mul3A_924 = arith.mulf %mul3A_923, %add3A_902 : f32
        %mul3A_925 = arith.mulf %mul3A_924, %mul3A_922 : f32
        %mul3A_926 = arith.mulf %mul3A_925, %mul3A_922 : f32
        %sub3A_927 = arith.constant 1.500000e+00 : f32
        %sub3A_928 = arith.subf %sub3A_927, %mul3A_926 : f32
        %mul3A_929 = arith.mulf %mul3A_922, %sub3A_928 : f32
        %add3A_930 = vector.broadcast %mul3A_892 : f32 to vector<16xf32>
        %add3A_931 = arith.addf %broadcast_in_dim3A_23, %add3A_930 : vector<16xf32>
        %add3A_932 = vector.broadcast %mul3A_929 : f32 to vector<16xf32>
        %add3A_933 = arith.addf %broadcast_in_dim3A_23, %add3A_932 : vector<16xf32>
        %sub3A_934 = arith.subf %get3A_368, %add3A_931 : vector<16xf32>
        %mul3A_935 = arith.mulf %sub3A_934, %add3A_933 : vector<16xf32>
        %mul3A_936 = arith.mulf %mul3A_935, %get3A_1 : vector<16xf32>
        %add3A_937 = arith.addf %mul3A_936, %get3A_9 : vector<16xf32>
        %swap3A_938 = arith.constant 0 : i32
        %swap3A_939 = arith.constant 0 : i32
        %swap3A_940 = tpu.memref_slice %arg9[%select_n3A_202, %swap3A_938, %swap3A_939] : memref<2x256x64xf32, #tpu.memory_space<vmem>> -> memref<1x256x64xf32, #tpu.memory_space<vmem>>
        %swap3A_941 = tpu.memref_squeeze %swap3A_940 : memref<1x256x64xf32, #tpu.memory_space<vmem>> -> memref<256x64xf32, #tpu.memory_space<vmem>>
        %swap3A_942 = arith.index_cast %add3A_261 : i32 to index
        %swap3A_943 = arith.constant 0 : index
        %swap3A_944 = tpu.vector_load %swap3A_941[%swap3A_942, %swap3A_943] {strides = array<i32>} : memref<256x64xf32, #tpu.memory_space<vmem>>, vector<16xf32>,
        tpu.vector_store %swap3A_941[%swap3A_942, %swap3A_943], %add3A_937 {strides = array<i32>} : memref<256x64xf32, #tpu.memory_space<vmem>>, vector<16xf32>,
        %sub3A_945 = arith.subf %get3A_375, %add3A_931 : vector<16xf32>
        %mul3A_946 = arith.mulf %sub3A_945, %add3A_933 : vector<16xf32>
        %mul3A_947 = arith.mulf %mul3A_946, %get3A_3 : vector<16xf32>
        %add3A_948 = arith.addf %mul3A_947, %get3A_11 : vector<16xf32>
        %swap3A_949 = arith.constant 0 : i32
        %swap3A_950 = arith.constant 0 : i32
        %swap3A_951 = tpu.memref_slice %arg9[%select_n3A_202, %swap3A_949, %swap3A_950] : memref<2x256x64xf32, #tpu.memory_space<vmem>> -> memref<1x256x64xf32, #tpu.memory_space<vmem>>
        %swap3A_952 = tpu.memref_squeeze %swap3A_951 : memref<1x256x64xf32, #tpu.memory_space<vmem>> -> memref<256x64xf32, #tpu.memory_space<vmem>>
        %swap3A_953 = arith.index_cast %add3A_261 : i32 to index
        %swap3A_954 = arith.constant 16 : index
        %swap3A_955 = tpu.vector_load %swap3A_952[%swap3A_953, %swap3A_954] {strides = array<i32>} : memref<256x64xf32, #tpu.memory_space<vmem>>, vector<16xf32>,
        tpu.vector_store %swap3A_952[%swap3A_953, %swap3A_954], %add3A_948 {strides = array<i32>} : memref<256x64xf32, #tpu.memory_space<vmem>>, vector<16xf32>,
        %sub3A_956 = arith.subf %get3A_382, %add3A_931 : vector<16xf32>
        %mul3A_957 = arith.mulf %sub3A_956, %add3A_933 : vector<16xf32>
        %mul3A_958 = arith.mulf %mul3A_957, %get3A_5 : vector<16xf32>
        %add3A_959 = arith.addf %mul3A_958, %get3A_13 : vector<16xf32>
        %swap3A_960 = arith.constant 0 : i32
        %swap3A_961 = arith.constant 0 : i32
        %swap3A_962 = tpu.memref_slice %arg9[%select_n3A_202, %swap3A_960, %swap3A_961] : memref<2x256x64xf32, #tpu.memory_space<vmem>> -> memref<1x256x64xf32, #tpu.memory_space<vmem>>
        %swap3A_963 = tpu.memref_squeeze %swap3A_962 : memref<1x256x64xf32, #tpu.memory_space<vmem>> -> memref<256x64xf32, #tpu.memory_space<vmem>>
        %swap3A_964 = arith.index_cast %add3A_261 : i32 to index
        %swap3A_965 = arith.constant 32 : index
        %swap3A_966 = tpu.vector_load %swap3A_963[%swap3A_964, %swap3A_965] {strides = array<i32>} : memref<256x64xf32, #tpu.memory_space<vmem>>, vector<16xf32>,
        tpu.vector_store %swap3A_963[%swap3A_964, %swap3A_965], %add3A_959 {strides = array<i32>} : memref<256x64xf32, #tpu.memory_space<vmem>>, vector<16xf32>,
        %sub3A_967 = arith.subf %get3A_389, %add3A_931 : vector<16xf32>
        %mul3A_968 = arith.mulf %sub3A_967, %add3A_933 : vector<16xf32>
        %mul3A_969 = arith.mulf %mul3A_968, %get3A_7 : vector<16xf32>
        %add3A_970 = arith.addf %mul3A_969, %get3A_15 : vector<16xf32>
        %swap3A_971 = arith.constant 0 : i32
        %swap3A_972 = arith.constant 0 : i32
        %swap3A_973 = tpu.memref_slice %arg9[%select_n3A_202, %swap3A_971, %swap3A_972] : memref<2x256x64xf32, #tpu.memory_space<vmem>> -> memref<1x256x64xf32, #tpu.memory_space<vmem>>
        %swap3A_974 = tpu.memref_squeeze %swap3A_973 : memref<1x256x64xf32, #tpu.memory_space<vmem>> -> memref<256x64xf32, #tpu.memory_space<vmem>>
        %swap3A_975 = arith.index_cast %add3A_261 : i32 to index
        %swap3A_976 = arith.constant 48 : index
        %swap3A_977 = tpu.vector_load %swap3A_974[%swap3A_975, %swap3A_976] {strides = array<i32>} : memref<256x64xf32, #tpu.memory_space<vmem>>, vector<16xf32>,
        tpu.vector_store %swap3A_974[%swap3A_975, %swap3A_976], %add3A_970 {strides = array<i32>} : memref<256x64xf32, #tpu.memory_space<vmem>>, vector<16xf32>,
        %slice3A_978 = vector.extract_strided_slice %masked_cumsum3A_577 {offsets = [15], sizes = [1], strides = [1]} : vector<16xf32> to vector<1xf32>
        %squeeze3A_979 = vector.extract %slice3A_978[0] : f32 from vector<1xf32>
        %mul3A_980 = arith.constant 1.562500e-02 : f32
        %mul3A_981 = arith.mulf %squeeze3A_979, %mul3A_980 : f32
        %slice3A_982 = vector.extract_strided_slice %masked_cumsum3A_580 {offsets = [15], sizes = [1], strides = [1]} : vector<16xf32> to vector<1xf32>
        %squeeze3A_983 = vector.extract %slice3A_982[0] : f32 from vector<1xf32>
        %mul3A_984 = arith.constant 1.562500e-02 : f32
        %mul3A_985 = arith.mulf %squeeze3A_983, %mul3A_984 : f32
        %mul3A_986 = arith.mulf %mul3A_981, %mul3A_981 : f32
        %sub3A_987 = arith.subf %mul3A_985, %mul3A_986 : f32
        %max3A_988 = arith.constant 0.000000e+00 : f32
        %max3A_989 = arith.maximumf %sub3A_987, %max3A_988 : f32
        %add3A_990 = arith.constant 9.99999974E-6 : f32
        %add3A_991 = arith.addf %max3A_989, %add3A_990 : f32
        %bitcast_convert_type3A_992 = arith.bitcast %add3A_991 : f32 to i32
        %shift_right_logical3A_993 = arith.constant 1 : i32
        %shift_right_logical3A_994 = arith.shrui %bitcast_convert_type3A_992, %shift_right_logical3A_993 : i32
        %sub3A_995 = arith.constant 1597463007 : i32
        %sub3A_996 = arith.subi %sub3A_995, %shift_right_logical3A_994 : i32
        %bitcast_convert_type3A_997 = arith.bitcast %sub3A_996 : i32 to f32
        %mul3A_998 = arith.constant 5.000000e-01 : f32
        %mul3A_999 = arith.mulf %mul3A_998, %add3A_991 : f32
        %mul3A_1000 = arith.mulf %mul3A_999, %bitcast_convert_type3A_997 : f32
        %mul3A_1001 = arith.mulf %mul3A_1000, %bitcast_convert_type3A_997 : f32
        %sub3A_1002 = arith.constant 1.500000e+00 : f32
        %sub3A_1003 = arith.subf %sub3A_1002, %mul3A_1001 : f32
        %mul3A_1004 = arith.mulf %bitcast_convert_type3A_997, %sub3A_1003 : f32
        %mul3A_1005 = arith.constant 5.000000e-01 : f32
        %mul3A_1006 = arith.mulf %mul3A_1005, %add3A_991 : f32
        %mul3A_1007 = arith.mulf %mul3A_1006, %mul3A_1004 : f32
        %mul3A_1008 = arith.mulf %mul3A_1007, %mul3A_1004 : f32
        %sub3A_1009 = arith.constant 1.500000e+00 : f32
        %sub3A_1010 = arith.subf %sub3A_1009, %mul3A_1008 : f32
        %mul3A_1011 = arith.mulf %mul3A_1004, %sub3A_1010 : f32
        %mul3A_1012 = arith.constant 5.000000e-01 : f32
        %mul3A_1013 = arith.mulf %mul3A_1012, %add3A_991 : f32
        %mul3A_1014 = arith.mulf %mul3A_1013, %mul3A_1011 : f32
        %mul3A_1015 = arith.mulf %mul3A_1014, %mul3A_1011 : f32
        %sub3A_1016 = arith.constant 1.500000e+00 : f32
        %sub3A_1017 = arith.subf %sub3A_1016, %mul3A_1015 : f32
        %mul3A_1018 = arith.mulf %mul3A_1011, %sub3A_1017 : f32
        %add3A_1019 = vector.broadcast %mul3A_981 : f32 to vector<16xf32>
        %add3A_1020 = arith.addf %broadcast_in_dim3A_23, %add3A_1019 : vector<16xf32>
        %add3A_1021 = vector.broadcast %mul3A_1018 : f32 to vector<16xf32>
        %add3A_1022 = arith.addf %broadcast_in_dim3A_23, %add3A_1021 : vector<16xf32>
        %sub3A_1023 = arith.subf %get3A_396, %add3A_1020 : vector<16xf32>
        %mul3A_1024 = arith.mulf %sub3A_1023, %add3A_1022 : vector<16xf32>
        %mul3A_1025 = arith.mulf %mul3A_1024, %get3A_1 : vector<16xf32>
        %add3A_1026 = arith.addf %mul3A_1025, %get3A_9 : vector<16xf32>
        %swap3A_1027 = arith.constant 0 : i32
        %swap3A_1028 = arith.constant 0 : i32
        %swap3A_1029 = tpu.memref_slice %arg9[%select_n3A_202, %swap3A_1027, %swap3A_1028] : memref<2x256x64xf32, #tpu.memory_space<vmem>> -> memref<1x256x64xf32, #tpu.memory_space<vmem>>
        %swap3A_1030 = tpu.memref_squeeze %swap3A_1029 : memref<1x256x64xf32, #tpu.memory_space<vmem>> -> memref<256x64xf32, #tpu.memory_space<vmem>>
        %swap3A_1031 = arith.index_cast %add3A_265 : i32 to index
        %swap3A_1032 = arith.constant 0 : index
        %swap3A_1033 = tpu.vector_load %swap3A_1030[%swap3A_1031, %swap3A_1032] {strides = array<i32>} : memref<256x64xf32, #tpu.memory_space<vmem>>, vector<16xf32>,
        tpu.vector_store %swap3A_1030[%swap3A_1031, %swap3A_1032], %add3A_1026 {strides = array<i32>} : memref<256x64xf32, #tpu.memory_space<vmem>>, vector<16xf32>,
        %sub3A_1034 = arith.subf %get3A_403, %add3A_1020 : vector<16xf32>
        %mul3A_1035 = arith.mulf %sub3A_1034, %add3A_1022 : vector<16xf32>
        %mul3A_1036 = arith.mulf %mul3A_1035, %get3A_3 : vector<16xf32>
        %add3A_1037 = arith.addf %mul3A_1036, %get3A_11 : vector<16xf32>
        %swap3A_1038 = arith.constant 0 : i32
        %swap3A_1039 = arith.constant 0 : i32
        %swap3A_1040 = tpu.memref_slice %arg9[%select_n3A_202, %swap3A_1038, %swap3A_1039] : memref<2x256x64xf32, #tpu.memory_space<vmem>> -> memref<1x256x64xf32, #tpu.memory_space<vmem>>
        %swap3A_1041 = tpu.memref_squeeze %swap3A_1040 : memref<1x256x64xf32, #tpu.memory_space<vmem>> -> memref<256x64xf32, #tpu.memory_space<vmem>>
        %swap3A_1042 = arith.index_cast %add3A_265 : i32 to index
        %swap3A_1043 = arith.constant 16 : index
        %swap3A_1044 = tpu.vector_load %swap3A_1041[%swap3A_1042, %swap3A_1043] {strides = array<i32>} : memref<256x64xf32, #tpu.memory_space<vmem>>, vector<16xf32>,
        tpu.vector_store %swap3A_1041[%swap3A_1042, %swap3A_1043], %add3A_1037 {strides = array<i32>} : memref<256x64xf32, #tpu.memory_space<vmem>>, vector<16xf32>,
        %sub3A_1045 = arith.subf %get3A_410, %add3A_1020 : vector<16xf32>
        %mul3A_1046 = arith.mulf %sub3A_1045, %add3A_1022 : vector<16xf32>
        %mul3A_1047 = arith.mulf %mul3A_1046, %get3A_5 : vector<16xf32>
        %add3A_1048 = arith.addf %mul3A_1047, %get3A_13 : vector<16xf32>
        %swap3A_1049 = arith.constant 0 : i32
        %swap3A_1050 = arith.constant 0 : i32
        %swap3A_1051 = tpu.memref_slice %arg9[%select_n3A_202, %swap3A_1049, %swap3A_1050] : memref<2x256x64xf32, #tpu.memory_space<vmem>> -> memref<1x256x64xf32, #tpu.memory_space<vmem>>
        %swap3A_1052 = tpu.memref_squeeze %swap3A_1051 : memref<1x256x64xf32, #tpu.memory_space<vmem>> -> memref<256x64xf32, #tpu.memory_space<vmem>>
        %swap3A_1053 = arith.index_cast %add3A_265 : i32 to index
        %swap3A_1054 = arith.constant 32 : index
        %swap3A_1055 = tpu.vector_load %swap3A_1052[%swap3A_1053, %swap3A_1054] {strides = array<i32>} : memref<256x64xf32, #tpu.memory_space<vmem>>, vector<16xf32>,
        tpu.vector_store %swap3A_1052[%swap3A_1053, %swap3A_1054], %add3A_1048 {strides = array<i32>} : memref<256x64xf32, #tpu.memory_space<vmem>>, vector<16xf32>,
        %sub3A_1056 = arith.subf %get3A_417, %add3A_1020 : vector<16xf32>
        %mul3A_1057 = arith.mulf %sub3A_1056, %add3A_1022 : vector<16xf32>
        %mul3A_1058 = arith.mulf %mul3A_1057, %get3A_7 : vector<16xf32>
        %add3A_1059 = arith.addf %mul3A_1058, %get3A_15 : vector<16xf32>
        %swap3A_1060 = arith.constant 0 : i32
        %swap3A_1061 = arith.constant 0 : i32
        %swap3A_1062 = tpu.memref_slice %arg9[%select_n3A_202, %swap3A_1060, %swap3A_1061] : memref<2x256x64xf32, #tpu.memory_space<vmem>> -> memref<1x256x64xf32, #tpu.memory_space<vmem>>
        %swap3A_1063 = tpu.memref_squeeze %swap3A_1062 : memref<1x256x64xf32, #tpu.memory_space<vmem>> -> memref<256x64xf32, #tpu.memory_space<vmem>>
        %swap3A_1064 = arith.index_cast %add3A_265 : i32 to index
        %swap3A_1065 = arith.constant 48 : index
        %swap3A_1066 = tpu.vector_load %swap3A_1063[%swap3A_1064, %swap3A_1065] {strides = array<i32>} : memref<256x64xf32, #tpu.memory_space<vmem>>, vector<16xf32>,
        tpu.vector_store %swap3A_1063[%swap3A_1064, %swap3A_1065], %add3A_1059 {strides = array<i32>} : memref<256x64xf32, #tpu.memory_space<vmem>>, vector<16xf32>,
        %slice3A_1067 = vector.extract_strided_slice %masked_cumsum3A_593 {offsets = [15], sizes = [1], strides = [1]} : vector<16xf32> to vector<1xf32>
        %squeeze3A_1068 = vector.extract %slice3A_1067[0] : f32 from vector<1xf32>
        %mul3A_1069 = arith.constant 1.562500e-02 : f32
        %mul3A_1070 = arith.mulf %squeeze3A_1068, %mul3A_1069 : f32
        %slice3A_1071 = vector.extract_strided_slice %masked_cumsum3A_596 {offsets = [15], sizes = [1], strides = [1]} : vector<16xf32> to vector<1xf32>
        %squeeze3A_1072 = vector.extract %slice3A_1071[0] : f32 from vector<1xf32>
        %mul3A_1073 = arith.constant 1.562500e-02 : f32
        %mul3A_1074 = arith.mulf %squeeze3A_1072, %mul3A_1073 : f32
        %mul3A_1075 = arith.mulf %mul3A_1070, %mul3A_1070 : f32
        %sub3A_1076 = arith.subf %mul3A_1074, %mul3A_1075 : f32
        %max3A_1077 = arith.constant 0.000000e+00 : f32
        %max3A_1078 = arith.maximumf %sub3A_1076, %max3A_1077 : f32
        %add3A_1079 = arith.constant 9.99999974E-6 : f32
        %add3A_1080 = arith.addf %max3A_1078, %add3A_1079 : f32
        %bitcast_convert_type3A_1081 = arith.bitcast %add3A_1080 : f32 to i32
        %shift_right_logical3A_1082 = arith.constant 1 : i32
        %shift_right_logical3A_1083 = arith.shrui %bitcast_convert_type3A_1081, %shift_right_logical3A_1082 : i32
        %sub3A_1084 = arith.constant 1597463007 : i32
        %sub3A_1085 = arith.subi %sub3A_1084, %shift_right_logical3A_1083 : i32
        %bitcast_convert_type3A_1086 = arith.bitcast %sub3A_1085 : i32 to f32
        %mul3A_1087 = arith.constant 5.000000e-01 : f32
        %mul3A_1088 = arith.mulf %mul3A_1087, %add3A_1080 : f32
        %mul3A_1089 = arith.mulf %mul3A_1088, %bitcast_convert_type3A_1086 : f32
        %mul3A_1090 = arith.mulf %mul3A_1089, %bitcast_convert_type3A_1086 : f32
        %sub3A_1091 = arith.constant 1.500000e+00 : f32
        %sub3A_1092 = arith.subf %sub3A_1091, %mul3A_1090 : f32
        %mul3A_1093 = arith.mulf %bitcast_convert_type3A_1086, %sub3A_1092 : f32
        %mul3A_1094 = arith.constant 5.000000e-01 : f32
        %mul3A_1095 = arith.mulf %mul3A_1094, %add3A_1080 : f32
        %mul3A_1096 = arith.mulf %mul3A_1095, %mul3A_1093 : f32
        %mul3A_1097 = arith.mulf %mul3A_1096, %mul3A_1093 : f32
        %sub3A_1098 = arith.constant 1.500000e+00 : f32
        %sub3A_1099 = arith.subf %sub3A_1098, %mul3A_1097 : f32
        %mul3A_1100 = arith.mulf %mul3A_1093, %sub3A_1099 : f32
        %mul3A_1101 = arith.constant 5.000000e-01 : f32
        %mul3A_1102 = arith.mulf %mul3A_1101, %add3A_1080 : f32
        %mul3A_1103 = arith.mulf %mul3A_1102, %mul3A_1100 : f32
        %mul3A_1104 = arith.mulf %mul3A_1103, %mul3A_1100 : f32
        %sub3A_1105 = arith.constant 1.500000e+00 : f32
        %sub3A_1106 = arith.subf %sub3A_1105, %mul3A_1104 : f32
        %mul3A_1107 = arith.mulf %mul3A_1100, %sub3A_1106 : f32
        %add3A_1108 = vector.broadcast %mul3A_1070 : f32 to vector<16xf32>
        %add3A_1109 = arith.addf %broadcast_in_dim3A_23, %add3A_1108 : vector<16xf32>
        %add3A_1110 = vector.broadcast %mul3A_1107 : f32 to vector<16xf32>
        %add3A_1111 = arith.addf %broadcast_in_dim3A_23, %add3A_1110 : vector<16xf32>
        %sub3A_1112 = arith.subf %get3A_424, %add3A_1109 : vector<16xf32>
        %mul3A_1113 = arith.mulf %sub3A_1112, %add3A_1111 : vector<16xf32>
        %mul3A_1114 = arith.mulf %mul3A_1113, %get3A_1 : vector<16xf32>
        %add3A_1115 = arith.addf %mul3A_1114, %get3A_9 : vector<16xf32>
        %swap3A_1116 = arith.constant 0 : i32
        %swap3A_1117 = arith.constant 0 : i32
        %swap3A_1118 = tpu.memref_slice %arg9[%select_n3A_202, %swap3A_1116, %swap3A_1117] : memref<2x256x64xf32, #tpu.memory_space<vmem>> -> memref<1x256x64xf32, #tpu.memory_space<vmem>>
        %swap3A_1119 = tpu.memref_squeeze %swap3A_1118 : memref<1x256x64xf32, #tpu.memory_space<vmem>> -> memref<256x64xf32, #tpu.memory_space<vmem>>
        %swap3A_1120 = arith.index_cast %add3A_269 : i32 to index
        %swap3A_1121 = arith.constant 0 : index
        %swap3A_1122 = tpu.vector_load %swap3A_1119[%swap3A_1120, %swap3A_1121] {strides = array<i32>} : memref<256x64xf32, #tpu.memory_space<vmem>>, vector<16xf32>,
        tpu.vector_store %swap3A_1119[%swap3A_1120, %swap3A_1121], %add3A_1115 {strides = array<i32>} : memref<256x64xf32, #tpu.memory_space<vmem>>, vector<16xf32>,
        %sub3A_1123 = arith.subf %get3A_431, %add3A_1109 : vector<16xf32>
        %mul3A_1124 = arith.mulf %sub3A_1123, %add3A_1111 : vector<16xf32>
        %mul3A_1125 = arith.mulf %mul3A_1124, %get3A_3 : vector<16xf32>
        %add3A_1126 = arith.addf %mul3A_1125, %get3A_11 : vector<16xf32>
        %swap3A_1127 = arith.constant 0 : i32
        %swap3A_1128 = arith.constant 0 : i32
        %swap3A_1129 = tpu.memref_slice %arg9[%select_n3A_202, %swap3A_1127, %swap3A_1128] : memref<2x256x64xf32, #tpu.memory_space<vmem>> -> memref<1x256x64xf32, #tpu.memory_space<vmem>>
        %swap3A_1130 = tpu.memref_squeeze %swap3A_1129 : memref<1x256x64xf32, #tpu.memory_space<vmem>> -> memref<256x64xf32, #tpu.memory_space<vmem>>
        %swap3A_1131 = arith.index_cast %add3A_269 : i32 to index
        %swap3A_1132 = arith.constant 16 : index
        %swap3A_1133 = tpu.vector_load %swap3A_1130[%swap3A_1131, %swap3A_1132] {strides = array<i32>} : memref<256x64xf32, #tpu.memory_space<vmem>>, vector<16xf32>,
        tpu.vector_store %swap3A_1130[%swap3A_1131, %swap3A_1132], %add3A_1126 {strides = array<i32>} : memref<256x64xf32, #tpu.memory_space<vmem>>, vector<16xf32>,
        %sub3A_1134 = arith.subf %get3A_438, %add3A_1109 : vector<16xf32>
        %mul3A_1135 = arith.mulf %sub3A_1134, %add3A_1111 : vector<16xf32>
        %mul3A_1136 = arith.mulf %mul3A_1135, %get3A_5 : vector<16xf32>
        %add3A_1137 = arith.addf %mul3A_1136, %get3A_13 : vector<16xf32>
        %swap3A_1138 = arith.constant 0 : i32
        %swap3A_1139 = arith.constant 0 : i32
        %swap3A_1140 = tpu.memref_slice %arg9[%select_n3A_202, %swap3A_1138, %swap3A_1139] : memref<2x256x64xf32, #tpu.memory_space<vmem>> -> memref<1x256x64xf32, #tpu.memory_space<vmem>>
        %swap3A_1141 = tpu.memref_squeeze %swap3A_1140 : memref<1x256x64xf32, #tpu.memory_space<vmem>> -> memref<256x64xf32, #tpu.memory_space<vmem>>
        %swap3A_1142 = arith.index_cast %add3A_269 : i32 to index
        %swap3A_1143 = arith.constant 32 : index
        %swap3A_1144 = tpu.vector_load %swap3A_1141[%swap3A_1142, %swap3A_1143] {strides = array<i32>} : memref<256x64xf32, #tpu.memory_space<vmem>>, vector<16xf32>,
        tpu.vector_store %swap3A_1141[%swap3A_1142, %swap3A_1143], %add3A_1137 {strides = array<i32>} : memref<256x64xf32, #tpu.memory_space<vmem>>, vector<16xf32>,
        %sub3A_1145 = arith.subf %get3A_445, %add3A_1109 : vector<16xf32>
        %mul3A_1146 = arith.mulf %sub3A_1145, %add3A_1111 : vector<16xf32>
        %mul3A_1147 = arith.mulf %mul3A_1146, %get3A_7 : vector<16xf32>
        %add3A_1148 = arith.addf %mul3A_1147, %get3A_15 : vector<16xf32>
        %swap3A_1149 = arith.constant 0 : i32
        %swap3A_1150 = arith.constant 0 : i32
        %swap3A_1151 = tpu.memref_slice %arg9[%select_n3A_202, %swap3A_1149, %swap3A_1150] : memref<2x256x64xf32, #tpu.memory_space<vmem>> -> memref<1x256x64xf32, #tpu.memory_space<vmem>>
        %swap3A_1152 = tpu.memref_squeeze %swap3A_1151 : memref<1x256x64xf32, #tpu.memory_space<vmem>> -> memref<256x64xf32, #tpu.memory_space<vmem>>
        %swap3A_1153 = arith.index_cast %add3A_269 : i32 to index
        %swap3A_1154 = arith.constant 48 : index
        %swap3A_1155 = tpu.vector_load %swap3A_1152[%swap3A_1153, %swap3A_1154] {strides = array<i32>} : memref<256x64xf32, #tpu.memory_space<vmem>>, vector<16xf32>,
        tpu.vector_store %swap3A_1152[%swap3A_1153, %swap3A_1154], %add3A_1148 {strides = array<i32>} : memref<256x64xf32, #tpu.memory_space<vmem>>, vector<16xf32>,
        %slice3A_1156 = vector.extract_strided_slice %masked_cumsum3A_609 {offsets = [15], sizes = [1], strides = [1]} : vector<16xf32> to vector<1xf32>
        %squeeze3A_1157 = vector.extract %slice3A_1156[0] : f32 from vector<1xf32>
        %mul3A_1158 = arith.constant 1.562500e-02 : f32
        %mul3A_1159 = arith.mulf %squeeze3A_1157, %mul3A_1158 : f32
        %slice3A_1160 = vector.extract_strided_slice %masked_cumsum3A_612 {offsets = [15], sizes = [1], strides = [1]} : vector<16xf32> to vector<1xf32>
        %squeeze3A_1161 = vector.extract %slice3A_1160[0] : f32 from vector<1xf32>
        %mul3A_1162 = arith.constant 1.562500e-02 : f32
        %mul3A_1163 = arith.mulf %squeeze3A_1161, %mul3A_1162 : f32
        %mul3A_1164 = arith.mulf %mul3A_1159, %mul3A_1159 : f32
        %sub3A_1165 = arith.subf %mul3A_1163, %mul3A_1164 : f32
        %max3A_1166 = arith.constant 0.000000e+00 : f32
        %max3A_1167 = arith.maximumf %sub3A_1165, %max3A_1166 : f32
        %add3A_1168 = arith.constant 9.99999974E-6 : f32
        %add3A_1169 = arith.addf %max3A_1167, %add3A_1168 : f32
        %bitcast_convert_type3A_1170 = arith.bitcast %add3A_1169 : f32 to i32
        %shift_right_logical3A_1171 = arith.constant 1 : i32
        %shift_right_logical3A_1172 = arith.shrui %bitcast_convert_type3A_1170, %shift_right_logical3A_1171 : i32
        %sub3A_1173 = arith.constant 1597463007 : i32
        %sub3A_1174 = arith.subi %sub3A_1173, %shift_right_logical3A_1172 : i32
        %bitcast_convert_type3A_1175 = arith.bitcast %sub3A_1174 : i32 to f32
        %mul3A_1176 = arith.constant 5.000000e-01 : f32
        %mul3A_1177 = arith.mulf %mul3A_1176, %add3A_1169 : f32
        %mul3A_1178 = arith.mulf %mul3A_1177, %bitcast_convert_type3A_1175 : f32
        %mul3A_1179 = arith.mulf %mul3A_1178, %bitcast_convert_type3A_1175 : f32
        %sub3A_1180 = arith.constant 1.500000e+00 : f32
        %sub3A_1181 = arith.subf %sub3A_1180, %mul3A_1179 : f32
        %mul3A_1182 = arith.mulf %bitcast_convert_type3A_1175, %sub3A_1181 : f32
        %mul3A_1183 = arith.constant 5.000000e-01 : f32
        %mul3A_1184 = arith.mulf %mul3A_1183, %add3A_1169 : f32
        %mul3A_1185 = arith.mulf %mul3A_1184, %mul3A_1182 : f32
        %mul3A_1186 = arith.mulf %mul3A_1185, %mul3A_1182 : f32
        %sub3A_1187 = arith.constant 1.500000e+00 : f32
        %sub3A_1188 = arith.subf %sub3A_1187, %mul3A_1186 : f32
        %mul3A_1189 = arith.mulf %mul3A_1182, %sub3A_1188 : f32
        %mul3A_1190 = arith.constant 5.000000e-01 : f32
        %mul3A_1191 = arith.mulf %mul3A_1190, %add3A_1169 : f32
        %mul3A_1192 = arith.mulf %mul3A_1191, %mul3A_1189 : f32
        %mul3A_1193 = arith.mulf %mul3A_1192, %mul3A_1189 : f32
        %sub3A_1194 = arith.constant 1.500000e+00 : f32
        %sub3A_1195 = arith.subf %sub3A_1194, %mul3A_1193 : f32
        %mul3A_1196 = arith.mulf %mul3A_1189, %sub3A_1195 : f32
        %add3A_1197 = vector.broadcast %mul3A_1159 : f32 to vector<16xf32>
        %add3A_1198 = arith.addf %broadcast_in_dim3A_23, %add3A_1197 : vector<16xf32>
        %add3A_1199 = vector.broadcast %mul3A_1196 : f32 to vector<16xf32>
        %add3A_1200 = arith.addf %broadcast_in_dim3A_23, %add3A_1199 : vector<16xf32>
        %sub3A_1201 = arith.subf %get3A_452, %add3A_1198 : vector<16xf32>
        %mul3A_1202 = arith.mulf %sub3A_1201, %add3A_1200 : vector<16xf32>
        %mul3A_1203 = arith.mulf %mul3A_1202, %get3A_1 : vector<16xf32>
        %add3A_1204 = arith.addf %mul3A_1203, %get3A_9 : vector<16xf32>
        %swap3A_1205 = arith.constant 0 : i32
        %swap3A_1206 = arith.constant 0 : i32
        %swap3A_1207 = tpu.memref_slice %arg9[%select_n3A_202, %swap3A_1205, %swap3A_1206] : memref<2x256x64xf32, #tpu.memory_space<vmem>> -> memref<1x256x64xf32, #tpu.memory_space<vmem>>
        %swap3A_1208 = tpu.memref_squeeze %swap3A_1207 : memref<1x256x64xf32, #tpu.memory_space<vmem>> -> memref<256x64xf32, #tpu.memory_space<vmem>>
        %swap3A_1209 = arith.index_cast %add3A_273 : i32 to index
        %swap3A_1210 = arith.constant 0 : index
        %swap3A_1211 = tpu.vector_load %swap3A_1208[%swap3A_1209, %swap3A_1210] {strides = array<i32>} : memref<256x64xf32, #tpu.memory_space<vmem>>, vector<16xf32>,
        tpu.vector_store %swap3A_1208[%swap3A_1209, %swap3A_1210], %add3A_1204 {strides = array<i32>} : memref<256x64xf32, #tpu.memory_space<vmem>>, vector<16xf32>,
        %sub3A_1212 = arith.subf %get3A_459, %add3A_1198 : vector<16xf32>
        %mul3A_1213 = arith.mulf %sub3A_1212, %add3A_1200 : vector<16xf32>
        %mul3A_1214 = arith.mulf %mul3A_1213, %get3A_3 : vector<16xf32>
        %add3A_1215 = arith.addf %mul3A_1214, %get3A_11 : vector<16xf32>
        %swap3A_1216 = arith.constant 0 : i32
        %swap3A_1217 = arith.constant 0 : i32
        %swap3A_1218 = tpu.memref_slice %arg9[%select_n3A_202, %swap3A_1216, %swap3A_1217] : memref<2x256x64xf32, #tpu.memory_space<vmem>> -> memref<1x256x64xf32, #tpu.memory_space<vmem>>
        %swap3A_1219 = tpu.memref_squeeze %swap3A_1218 : memref<1x256x64xf32, #tpu.memory_space<vmem>> -> memref<256x64xf32, #tpu.memory_space<vmem>>
        %swap3A_1220 = arith.index_cast %add3A_273 : i32 to index
        %swap3A_1221 = arith.constant 16 : index
        %swap3A_1222 = tpu.vector_load %swap3A_1219[%swap3A_1220, %swap3A_1221] {strides = array<i32>} : memref<256x64xf32, #tpu.memory_space<vmem>>, vector<16xf32>,
        tpu.vector_store %swap3A_1219[%swap3A_1220, %swap3A_1221], %add3A_1215 {strides = array<i32>} : memref<256x64xf32, #tpu.memory_space<vmem>>, vector<16xf32>,
        %sub3A_1223 = arith.subf %get3A_466, %add3A_1198 : vector<16xf32>
        %mul3A_1224 = arith.mulf %sub3A_1223, %add3A_1200 : vector<16xf32>
        %mul3A_1225 = arith.mulf %mul3A_1224, %get3A_5 : vector<16xf32>
        %add3A_1226 = arith.addf %mul3A_1225, %get3A_13 : vector<16xf32>
        %swap3A_1227 = arith.constant 0 : i32
        %swap3A_1228 = arith.constant 0 : i32
        %swap3A_1229 = tpu.memref_slice %arg9[%select_n3A_202, %swap3A_1227, %swap3A_1228] : memref<2x256x64xf32, #tpu.memory_space<vmem>> -> memref<1x256x64xf32, #tpu.memory_space<vmem>>
        %swap3A_1230 = tpu.memref_squeeze %swap3A_1229 : memref<1x256x64xf32, #tpu.memory_space<vmem>> -> memref<256x64xf32, #tpu.memory_space<vmem>>
        %swap3A_1231 = arith.index_cast %add3A_273 : i32 to index
        %swap3A_1232 = arith.constant 32 : index
        %swap3A_1233 = tpu.vector_load %swap3A_1230[%swap3A_1231, %swap3A_1232] {strides = array<i32>} : memref<256x64xf32, #tpu.memory_space<vmem>>, vector<16xf32>,
        tpu.vector_store %swap3A_1230[%swap3A_1231, %swap3A_1232], %add3A_1226 {strides = array<i32>} : memref<256x64xf32, #tpu.memory_space<vmem>>, vector<16xf32>,
        %sub3A_1234 = arith.subf %get3A_473, %add3A_1198 : vector<16xf32>
        %mul3A_1235 = arith.mulf %sub3A_1234, %add3A_1200 : vector<16xf32>
        %mul3A_1236 = arith.mulf %mul3A_1235, %get3A_7 : vector<16xf32>
        %add3A_1237 = arith.addf %mul3A_1236, %get3A_15 : vector<16xf32>
        %swap3A_1238 = arith.constant 0 : i32
        %swap3A_1239 = arith.constant 0 : i32
        %swap3A_1240 = tpu.memref_slice %arg9[%select_n3A_202, %swap3A_1238, %swap3A_1239] : memref<2x256x64xf32, #tpu.memory_space<vmem>> -> memref<1x256x64xf32, #tpu.memory_space<vmem>>
        %swap3A_1241 = tpu.memref_squeeze %swap3A_1240 : memref<1x256x64xf32, #tpu.memory_space<vmem>> -> memref<256x64xf32, #tpu.memory_space<vmem>>
        %swap3A_1242 = arith.index_cast %add3A_273 : i32 to index
        %swap3A_1243 = arith.constant 48 : index
        %swap3A_1244 = tpu.vector_load %swap3A_1241[%swap3A_1242, %swap3A_1243] {strides = array<i32>} : memref<256x64xf32, #tpu.memory_space<vmem>>, vector<16xf32>,
        tpu.vector_store %swap3A_1241[%swap3A_1242, %swap3A_1243], %add3A_1237 {strides = array<i32>} : memref<256x64xf32, #tpu.memory_space<vmem>>, vector<16xf32>,
        %slice3A_1245 = vector.extract_strided_slice %masked_cumsum3A_625 {offsets = [15], sizes = [1], strides = [1]} : vector<16xf32> to vector<1xf32>
        %squeeze3A_1246 = vector.extract %slice3A_1245[0] : f32 from vector<1xf32>
        %mul3A_1247 = arith.constant 1.562500e-02 : f32
        %mul3A_1248 = arith.mulf %squeeze3A_1246, %mul3A_1247 : f32
        %slice3A_1249 = vector.extract_strided_slice %masked_cumsum3A_628 {offsets = [15], sizes = [1], strides = [1]} : vector<16xf32> to vector<1xf32>
        %squeeze3A_1250 = vector.extract %slice3A_1249[0] : f32 from vector<1xf32>
        %mul3A_1251 = arith.constant 1.562500e-02 : f32
        %mul3A_1252 = arith.mulf %squeeze3A_1250, %mul3A_1251 : f32
        %mul3A_1253 = arith.mulf %mul3A_1248, %mul3A_1248 : f32
        %sub3A_1254 = arith.subf %mul3A_1252, %mul3A_1253 : f32
        %max3A_1255 = arith.constant 0.000000e+00 : f32
        %max3A_1256 = arith.maximumf %sub3A_1254, %max3A_1255 : f32
        %add3A_1257 = arith.constant 9.99999974E-6 : f32
        %add3A_1258 = arith.addf %max3A_1256, %add3A_1257 : f32
        %bitcast_convert_type3A_1259 = arith.bitcast %add3A_1258 : f32 to i32
        %shift_right_logical3A_1260 = arith.constant 1 : i32
        %shift_right_logical3A_1261 = arith.shrui %bitcast_convert_type3A_1259, %shift_right_logical3A_1260 : i32
        %sub3A_1262 = arith.constant 1597463007 : i32
        %sub3A_1263 = arith.subi %sub3A_1262, %shift_right_logical3A_1261 : i32
        %bitcast_convert_type3A_1264 = arith.bitcast %sub3A_1263 : i32 to f32
        %mul3A_1265 = arith.constant 5.000000e-01 : f32
        %mul3A_1266 = arith.mulf %mul3A_1265, %add3A_1258 : f32
        %mul3A_1267 = arith.mulf %mul3A_1266, %bitcast_convert_type3A_1264 : f32
        %mul3A_1268 = arith.mulf %mul3A_1267, %bitcast_convert_type3A_1264 : f32
        %sub3A_1269 = arith.constant 1.500000e+00 : f32
        %sub3A_1270 = arith.subf %sub3A_1269, %mul3A_1268 : f32
        %mul3A_1271 = arith.mulf %bitcast_convert_type3A_1264, %sub3A_1270 : f32
        %mul3A_1272 = arith.constant 5.000000e-01 : f32
        %mul3A_1273 = arith.mulf %mul3A_1272, %add3A_1258 : f32
        %mul3A_1274 = arith.mulf %mul3A_1273, %mul3A_1271 : f32
        %mul3A_1275 = arith.mulf %mul3A_1274, %mul3A_1271 : f32
        %sub3A_1276 = arith.constant 1.500000e+00 : f32
        %sub3A_1277 = arith.subf %sub3A_1276, %mul3A_1275 : f32
        %mul3A_1278 = arith.mulf %mul3A_1271, %sub3A_1277 : f32
        %mul3A_1279 = arith.constant 5.000000e-01 : f32
        %mul3A_1280 = arith.mulf %mul3A_1279, %add3A_1258 : f32
        %mul3A_1281 = arith.mulf %mul3A_1280, %mul3A_1278 : f32
        %mul3A_1282 = arith.mulf %mul3A_1281, %mul3A_1278 : f32
        %sub3A_1283 = arith.constant 1.500000e+00 : f32
        %sub3A_1284 = arith.subf %sub3A_1283, %mul3A_1282 : f32
        %mul3A_1285 = arith.mulf %mul3A_1278, %sub3A_1284 : f32
        %add3A_1286 = vector.broadcast %mul3A_1248 : f32 to vector<16xf32>
        %add3A_1287 = arith.addf %broadcast_in_dim3A_23, %add3A_1286 : vector<16xf32>
        %add3A_1288 = vector.broadcast %mul3A_1285 : f32 to vector<16xf32>
        %add3A_1289 = arith.addf %broadcast_in_dim3A_23, %add3A_1288 : vector<16xf32>
        %sub3A_1290 = arith.subf %get3A_480, %add3A_1287 : vector<16xf32>
        %mul3A_1291 = arith.mulf %sub3A_1290, %add3A_1289 : vector<16xf32>
        %mul3A_1292 = arith.mulf %mul3A_1291, %get3A_1 : vector<16xf32>
        %add3A_1293 = arith.addf %mul3A_1292, %get3A_9 : vector<16xf32>
        %swap3A_1294 = arith.constant 0 : i32
        %swap3A_1295 = arith.constant 0 : i32
        %swap3A_1296 = tpu.memref_slice %arg9[%select_n3A_202, %swap3A_1294, %swap3A_1295] : memref<2x256x64xf32, #tpu.memory_space<vmem>> -> memref<1x256x64xf32, #tpu.memory_space<vmem>>
        %swap3A_1297 = tpu.memref_squeeze %swap3A_1296 : memref<1x256x64xf32, #tpu.memory_space<vmem>> -> memref<256x64xf32, #tpu.memory_space<vmem>>
        %swap3A_1298 = arith.index_cast %add3A_277 : i32 to index
        %swap3A_1299 = arith.constant 0 : index
        %swap3A_1300 = tpu.vector_load %swap3A_1297[%swap3A_1298, %swap3A_1299] {strides = array<i32>} : memref<256x64xf32, #tpu.memory_space<vmem>>, vector<16xf32>,
        tpu.vector_store %swap3A_1297[%swap3A_1298, %swap3A_1299], %add3A_1293 {strides = array<i32>} : memref<256x64xf32, #tpu.memory_space<vmem>>, vector<16xf32>,
        %sub3A_1301 = arith.subf %get3A_487, %add3A_1287 : vector<16xf32>
        %mul3A_1302 = arith.mulf %sub3A_1301, %add3A_1289 : vector<16xf32>
        %mul3A_1303 = arith.mulf %mul3A_1302, %get3A_3 : vector<16xf32>
        %add3A_1304 = arith.addf %mul3A_1303, %get3A_11 : vector<16xf32>
        %swap3A_1305 = arith.constant 0 : i32
        %swap3A_1306 = arith.constant 0 : i32
        %swap3A_1307 = tpu.memref_slice %arg9[%select_n3A_202, %swap3A_1305, %swap3A_1306] : memref<2x256x64xf32, #tpu.memory_space<vmem>> -> memref<1x256x64xf32, #tpu.memory_space<vmem>>
        %swap3A_1308 = tpu.memref_squeeze %swap3A_1307 : memref<1x256x64xf32, #tpu.memory_space<vmem>> -> memref<256x64xf32, #tpu.memory_space<vmem>>
        %swap3A_1309 = arith.index_cast %add3A_277 : i32 to index
        %swap3A_1310 = arith.constant 16 : index
        %swap3A_1311 = tpu.vector_load %swap3A_1308[%swap3A_1309, %swap3A_1310] {strides = array<i32>} : memref<256x64xf32, #tpu.memory_space<vmem>>, vector<16xf32>,
        tpu.vector_store %swap3A_1308[%swap3A_1309, %swap3A_1310], %add3A_1304 {strides = array<i32>} : memref<256x64xf32, #tpu.memory_space<vmem>>, vector<16xf32>,
        %sub3A_1312 = arith.subf %get3A_494, %add3A_1287 : vector<16xf32>
        %mul3A_1313 = arith.mulf %sub3A_1312, %add3A_1289 : vector<16xf32>
        %mul3A_1314 = arith.mulf %mul3A_1313, %get3A_5 : vector<16xf32>
        %add3A_1315 = arith.addf %mul3A_1314, %get3A_13 : vector<16xf32>
        %swap3A_1316 = arith.constant 0 : i32
        %swap3A_1317 = arith.constant 0 : i32
        %swap3A_1318 = tpu.memref_slice %arg9[%select_n3A_202, %swap3A_1316, %swap3A_1317] : memref<2x256x64xf32, #tpu.memory_space<vmem>> -> memref<1x256x64xf32, #tpu.memory_space<vmem>>
        %swap3A_1319 = tpu.memref_squeeze %swap3A_1318 : memref<1x256x64xf32, #tpu.memory_space<vmem>> -> memref<256x64xf32, #tpu.memory_space<vmem>>
        %swap3A_1320 = arith.index_cast %add3A_277 : i32 to index
        %swap3A_1321 = arith.constant 32 : index
        %swap3A_1322 = tpu.vector_load %swap3A_1319[%swap3A_1320, %swap3A_1321] {strides = array<i32>} : memref<256x64xf32, #tpu.memory_space<vmem>>, vector<16xf32>,
        tpu.vector_store %swap3A_1319[%swap3A_1320, %swap3A_1321], %add3A_1315 {strides = array<i32>} : memref<256x64xf32, #tpu.memory_space<vmem>>, vector<16xf32>,
        %sub3A_1323 = arith.subf %get3A_501, %add3A_1287 : vector<16xf32>
        %mul3A_1324 = arith.mulf %sub3A_1323, %add3A_1289 : vector<16xf32>
        %mul3A_1325 = arith.mulf %mul3A_1324, %get3A_7 : vector<16xf32>
        %add3A_1326 = arith.addf %mul3A_1325, %get3A_15 : vector<16xf32>
        %swap3A_1327 = arith.constant 0 : i32
        %swap3A_1328 = arith.constant 0 : i32
        %swap3A_1329 = tpu.memref_slice %arg9[%select_n3A_202, %swap3A_1327, %swap3A_1328] : memref<2x256x64xf32, #tpu.memory_space<vmem>> -> memref<1x256x64xf32, #tpu.memory_space<vmem>>
        %swap3A_1330 = tpu.memref_squeeze %swap3A_1329 : memref<1x256x64xf32, #tpu.memory_space<vmem>> -> memref<256x64xf32, #tpu.memory_space<vmem>>
        %swap3A_1331 = arith.index_cast %add3A_277 : i32 to index
        %swap3A_1332 = arith.constant 48 : index
        %swap3A_1333 = tpu.vector_load %swap3A_1330[%swap3A_1331, %swap3A_1332] {strides = array<i32>} : memref<256x64xf32, #tpu.memory_space<vmem>>, vector<16xf32>,
        tpu.vector_store %swap3A_1330[%swap3A_1331, %swap3A_1332], %add3A_1326 {strides = array<i32>} : memref<256x64xf32, #tpu.memory_space<vmem>>, vector<16xf32>,
        %mul3A_1334 = arith.constant 16 : i32
        %mul3A_1335 = arith.muli %add3A_245, %mul3A_1334 : i32
        %add3A_1336 = arith.constant 8 : i32
        %add3A_1337 = arith.addi %mul3A_1335, %add3A_1336 : i32
        %mul3A_1338 = arith.constant 16 : i32
        %mul3A_1339 = arith.muli %add3A_245, %mul3A_1338 : i32
        %add3A_1340 = arith.constant 9 : i32
        %add3A_1341 = arith.addi %mul3A_1339, %add3A_1340 : i32
        %mul3A_1342 = arith.constant 16 : i32
        %mul3A_1343 = arith.muli %add3A_245, %mul3A_1342 : i32
        %add3A_1344 = arith.constant 10 : i32
        %add3A_1345 = arith.addi %mul3A_1343, %add3A_1344 : i32
        %mul3A_1346 = arith.constant 16 : i32
        %mul3A_1347 = arith.muli %add3A_245, %mul3A_1346 : i32
        %add3A_1348 = arith.constant 11 : i32
        %add3A_1349 = arith.addi %mul3A_1347, %add3A_1348 : i32
        %mul3A_1350 = arith.constant 16 : i32
        %mul3A_1351 = arith.muli %add3A_245, %mul3A_1350 : i32
        %add3A_1352 = arith.constant 12 : i32
        %add3A_1353 = arith.addi %mul3A_1351, %add3A_1352 : i32
        %mul3A_1354 = arith.constant 16 : i32
        %mul3A_1355 = arith.muli %add3A_245, %mul3A_1354 : i32
        %add3A_1356 = arith.constant 13 : i32
        %add3A_1357 = arith.addi %mul3A_1355, %add3A_1356 : i32
        %mul3A_1358 = arith.constant 16 : i32
        %mul3A_1359 = arith.muli %add3A_245, %mul3A_1358 : i32
        %add3A_1360 = arith.constant 14 : i32
        %add3A_1361 = arith.addi %mul3A_1359, %add3A_1360 : i32
        %mul3A_1362 = arith.constant 16 : i32
        %mul3A_1363 = arith.muli %add3A_245, %mul3A_1362 : i32
        %add3A_1364 = arith.constant 15 : i32
        %add3A_1365 = arith.addi %mul3A_1363, %add3A_1364 : i32
        %get3A_1366 = arith.constant 0 : i32
        %get3A_1367 = arith.constant 0 : i32
        %get3A_1368 = tpu.memref_slice %arg8[%select_n3A_186, %get3A_1366, %get3A_1367] : memref<2x256x64xf32, #tpu.memory_space<vmem>> -> memref<1x256x64xf32, #tpu.memory_space<vmem>>
        %get3A_1369 = tpu.memref_squeeze %get3A_1368 : memref<1x256x64xf32, #tpu.memory_space<vmem>> -> memref<256x64xf32, #tpu.memory_space<vmem>>
        %get3A_1370 = arith.index_cast %add3A_1337 : i32 to index
        %get3A_1371 = arith.constant 0 : index
        %get3A_1372 = tpu.vector_load %get3A_1369[%get3A_1370, %get3A_1371] {strides = array<i32>} : memref<256x64xf32, #tpu.memory_space<vmem>>, vector<16xf32>,
        %get3A_1373 = arith.constant 0 : i32
        %get3A_1374 = arith.constant 0 : i32
        %get3A_1375 = tpu.memref_slice %arg8[%select_n3A_186, %get3A_1373, %get3A_1374] : memref<2x256x64xf32, #tpu.memory_space<vmem>> -> memref<1x256x64xf32, #tpu.memory_space<vmem>>
        %get3A_1376 = tpu.memref_squeeze %get3A_1375 : memref<1x256x64xf32, #tpu.memory_space<vmem>> -> memref<256x64xf32, #tpu.memory_space<vmem>>
        %get3A_1377 = arith.index_cast %add3A_1337 : i32 to index
        %get3A_1378 = arith.constant 16 : index
        %get3A_1379 = tpu.vector_load %get3A_1376[%get3A_1377, %get3A_1378] {strides = array<i32>} : memref<256x64xf32, #tpu.memory_space<vmem>>, vector<16xf32>,
        %get3A_1380 = arith.constant 0 : i32
        %get3A_1381 = arith.constant 0 : i32
        %get3A_1382 = tpu.memref_slice %arg8[%select_n3A_186, %get3A_1380, %get3A_1381] : memref<2x256x64xf32, #tpu.memory_space<vmem>> -> memref<1x256x64xf32, #tpu.memory_space<vmem>>
        %get3A_1383 = tpu.memref_squeeze %get3A_1382 : memref<1x256x64xf32, #tpu.memory_space<vmem>> -> memref<256x64xf32, #tpu.memory_space<vmem>>
        %get3A_1384 = arith.index_cast %add3A_1337 : i32 to index
        %get3A_1385 = arith.constant 32 : index
        %get3A_1386 = tpu.vector_load %get3A_1383[%get3A_1384, %get3A_1385] {strides = array<i32>} : memref<256x64xf32, #tpu.memory_space<vmem>>, vector<16xf32>,
        %get3A_1387 = arith.constant 0 : i32
        %get3A_1388 = arith.constant 0 : i32
        %get3A_1389 = tpu.memref_slice %arg8[%select_n3A_186, %get3A_1387, %get3A_1388] : memref<2x256x64xf32, #tpu.memory_space<vmem>> -> memref<1x256x64xf32, #tpu.memory_space<vmem>>
        %get3A_1390 = tpu.memref_squeeze %get3A_1389 : memref<1x256x64xf32, #tpu.memory_space<vmem>> -> memref<256x64xf32, #tpu.memory_space<vmem>>
        %get3A_1391 = arith.index_cast %add3A_1337 : i32 to index
        %get3A_1392 = arith.constant 48 : index
        %get3A_1393 = tpu.vector_load %get3A_1390[%get3A_1391, %get3A_1392] {strides = array<i32>} : memref<256x64xf32, #tpu.memory_space<vmem>>, vector<16xf32>,
        %get3A_1394 = arith.constant 0 : i32
        %get3A_1395 = arith.constant 0 : i32
        %get3A_1396 = tpu.memref_slice %arg8[%select_n3A_186, %get3A_1394, %get3A_1395] : memref<2x256x64xf32, #tpu.memory_space<vmem>> -> memref<1x256x64xf32, #tpu.memory_space<vmem>>
        %get3A_1397 = tpu.memref_squeeze %get3A_1396 : memref<1x256x64xf32, #tpu.memory_space<vmem>> -> memref<256x64xf32, #tpu.memory_space<vmem>>
        %get3A_1398 = arith.index_cast %add3A_1341 : i32 to index
        %get3A_1399 = arith.constant 0 : index
        %get3A_1400 = tpu.vector_load %get3A_1397[%get3A_1398, %get3A_1399] {strides = array<i32>} : memref<256x64xf32, #tpu.memory_space<vmem>>, vector<16xf32>,
        %get3A_1401 = arith.constant 0 : i32
        %get3A_1402 = arith.constant 0 : i32
        %get3A_1403 = tpu.memref_slice %arg8[%select_n3A_186, %get3A_1401, %get3A_1402] : memref<2x256x64xf32, #tpu.memory_space<vmem>> -> memref<1x256x64xf32, #tpu.memory_space<vmem>>
        %get3A_1404 = tpu.memref_squeeze %get3A_1403 : memref<1x256x64xf32, #tpu.memory_space<vmem>> -> memref<256x64xf32, #tpu.memory_space<vmem>>
        %get3A_1405 = arith.index_cast %add3A_1341 : i32 to index
        %get3A_1406 = arith.constant 16 : index
        %get3A_1407 = tpu.vector_load %get3A_1404[%get3A_1405, %get3A_1406] {strides = array<i32>} : memref<256x64xf32, #tpu.memory_space<vmem>>, vector<16xf32>,
        %get3A_1408 = arith.constant 0 : i32
        %get3A_1409 = arith.constant 0 : i32
        %get3A_1410 = tpu.memref_slice %arg8[%select_n3A_186, %get3A_1408, %get3A_1409] : memref<2x256x64xf32, #tpu.memory_space<vmem>> -> memref<1x256x64xf32, #tpu.memory_space<vmem>>
        %get3A_1411 = tpu.memref_squeeze %get3A_1410 : memref<1x256x64xf32, #tpu.memory_space<vmem>> -> memref<256x64xf32, #tpu.memory_space<vmem>>
        %get3A_1412 = arith.index_cast %add3A_1341 : i32 to index
        %get3A_1413 = arith.constant 32 : index
        %get3A_1414 = tpu.vector_load %get3A_1411[%get3A_1412, %get3A_1413] {strides = array<i32>} : memref<256x64xf32, #tpu.memory_space<vmem>>, vector<16xf32>,
        %get3A_1415 = arith.constant 0 : i32
        %get3A_1416 = arith.constant 0 : i32
        %get3A_1417 = tpu.memref_slice %arg8[%select_n3A_186, %get3A_1415, %get3A_1416] : memref<2x256x64xf32, #tpu.memory_space<vmem>> -> memref<1x256x64xf32, #tpu.memory_space<vmem>>
        %get3A_1418 = tpu.memref_squeeze %get3A_1417 : memref<1x256x64xf32, #tpu.memory_space<vmem>> -> memref<256x64xf32, #tpu.memory_space<vmem>>
        %get3A_1419 = arith.index_cast %add3A_1341 : i32 to index
        %get3A_1420 = arith.constant 48 : index
        %get3A_1421 = tpu.vector_load %get3A_1418[%get3A_1419, %get3A_1420] {strides = array<i32>} : memref<256x64xf32, #tpu.memory_space<vmem>>, vector<16xf32>,
        %get3A_1422 = arith.constant 0 : i32
        %get3A_1423 = arith.constant 0 : i32
        %get3A_1424 = tpu.memref_slice %arg8[%select_n3A_186, %get3A_1422, %get3A_1423] : memref<2x256x64xf32, #tpu.memory_space<vmem>> -> memref<1x256x64xf32, #tpu.memory_space<vmem>>
        %get3A_1425 = tpu.memref_squeeze %get3A_1424 : memref<1x256x64xf32, #tpu.memory_space<vmem>> -> memref<256x64xf32, #tpu.memory_space<vmem>>
        %get3A_1426 = arith.index_cast %add3A_1345 : i32 to index
        %get3A_1427 = arith.constant 0 : index
        %get3A_1428 = tpu.vector_load %get3A_1425[%get3A_1426, %get3A_1427] {strides = array<i32>} : memref<256x64xf32, #tpu.memory_space<vmem>>, vector<16xf32>,
        %get3A_1429 = arith.constant 0 : i32
        %get3A_1430 = arith.constant 0 : i32
        %get3A_1431 = tpu.memref_slice %arg8[%select_n3A_186, %get3A_1429, %get3A_1430] : memref<2x256x64xf32, #tpu.memory_space<vmem>> -> memref<1x256x64xf32, #tpu.memory_space<vmem>>
        %get3A_1432 = tpu.memref_squeeze %get3A_1431 : memref<1x256x64xf32, #tpu.memory_space<vmem>> -> memref<256x64xf32, #tpu.memory_space<vmem>>
        %get3A_1433 = arith.index_cast %add3A_1345 : i32 to index
        %get3A_1434 = arith.constant 16 : index
        %get3A_1435 = tpu.vector_load %get3A_1432[%get3A_1433, %get3A_1434] {strides = array<i32>} : memref<256x64xf32, #tpu.memory_space<vmem>>, vector<16xf32>,
        %get3A_1436 = arith.constant 0 : i32
        %get3A_1437 = arith.constant 0 : i32
        %get3A_1438 = tpu.memref_slice %arg8[%select_n3A_186, %get3A_1436, %get3A_1437] : memref<2x256x64xf32, #tpu.memory_space<vmem>> -> memref<1x256x64xf32, #tpu.memory_space<vmem>>
        %get3A_1439 = tpu.memref_squeeze %get3A_1438 : memref<1x256x64xf32, #tpu.memory_space<vmem>> -> memref<256x64xf32, #tpu.memory_space<vmem>>
        %get3A_1440 = arith.index_cast %add3A_1345 : i32 to index
        %get3A_1441 = arith.constant 32 : index
        %get3A_1442 = tpu.vector_load %get3A_1439[%get3A_1440, %get3A_1441] {strides = array<i32>} : memref<256x64xf32, #tpu.memory_space<vmem>>, vector<16xf32>,
        %get3A_1443 = arith.constant 0 : i32
        %get3A_1444 = arith.constant 0 : i32
        %get3A_1445 = tpu.memref_slice %arg8[%select_n3A_186, %get3A_1443, %get3A_1444] : memref<2x256x64xf32, #tpu.memory_space<vmem>> -> memref<1x256x64xf32, #tpu.memory_space<vmem>>
        %get3A_1446 = tpu.memref_squeeze %get3A_1445 : memref<1x256x64xf32, #tpu.memory_space<vmem>> -> memref<256x64xf32, #tpu.memory_space<vmem>>
        %get3A_1447 = arith.index_cast %add3A_1345 : i32 to index
        %get3A_1448 = arith.constant 48 : index
        %get3A_1449 = tpu.vector_load %get3A_1446[%get3A_1447, %get3A_1448] {strides = array<i32>} : memref<256x64xf32, #tpu.memory_space<vmem>>, vector<16xf32>,
        %get3A_1450 = arith.constant 0 : i32
        %get3A_1451 = arith.constant 0 : i32
        %get3A_1452 = tpu.memref_slice %arg8[%select_n3A_186, %get3A_1450, %get3A_1451] : memref<2x256x64xf32, #tpu.memory_space<vmem>> -> memref<1x256x64xf32, #tpu.memory_space<vmem>>
        %get3A_1453 = tpu.memref_squeeze %get3A_1452 : memref<1x256x64xf32, #tpu.memory_space<vmem>> -> memref<256x64xf32, #tpu.memory_space<vmem>>
        %get3A_1454 = arith.index_cast %add3A_1349 : i32 to index
        %get3A_1455 = arith.constant 0 : index
        %get3A_1456 = tpu.vector_load %get3A_1453[%get3A_1454, %get3A_1455] {strides = array<i32>} : memref<256x64xf32, #tpu.memory_space<vmem>>, vector<16xf32>,
        %get3A_1457 = arith.constant 0 : i32
        %get3A_1458 = arith.constant 0 : i32
        %get3A_1459 = tpu.memref_slice %arg8[%select_n3A_186, %get3A_1457, %get3A_1458] : memref<2x256x64xf32, #tpu.memory_space<vmem>> -> memref<1x256x64xf32, #tpu.memory_space<vmem>>
        %get3A_1460 = tpu.memref_squeeze %get3A_1459 : memref<1x256x64xf32, #tpu.memory_space<vmem>> -> memref<256x64xf32, #tpu.memory_space<vmem>>
        %get3A_1461 = arith.index_cast %add3A_1349 : i32 to index
        %get3A_1462 = arith.constant 16 : index
        %get3A_1463 = tpu.vector_load %get3A_1460[%get3A_1461, %get3A_1462] {strides = array<i32>} : memref<256x64xf32, #tpu.memory_space<vmem>>, vector<16xf32>,
        %get3A_1464 = arith.constant 0 : i32
        %get3A_1465 = arith.constant 0 : i32
        %get3A_1466 = tpu.memref_slice %arg8[%select_n3A_186, %get3A_1464, %get3A_1465] : memref<2x256x64xf32, #tpu.memory_space<vmem>> -> memref<1x256x64xf32, #tpu.memory_space<vmem>>
        %get3A_1467 = tpu.memref_squeeze %get3A_1466 : memref<1x256x64xf32, #tpu.memory_space<vmem>> -> memref<256x64xf32, #tpu.memory_space<vmem>>
        %get3A_1468 = arith.index_cast %add3A_1349 : i32 to index
        %get3A_1469 = arith.constant 32 : index
        %get3A_1470 = tpu.vector_load %get3A_1467[%get3A_1468, %get3A_1469] {strides = array<i32>} : memref<256x64xf32, #tpu.memory_space<vmem>>, vector<16xf32>,
        %get3A_1471 = arith.constant 0 : i32
        %get3A_1472 = arith.constant 0 : i32
        %get3A_1473 = tpu.memref_slice %arg8[%select_n3A_186, %get3A_1471, %get3A_1472] : memref<2x256x64xf32, #tpu.memory_space<vmem>> -> memref<1x256x64xf32, #tpu.memory_space<vmem>>
        %get3A_1474 = tpu.memref_squeeze %get3A_1473 : memref<1x256x64xf32, #tpu.memory_space<vmem>> -> memref<256x64xf32, #tpu.memory_space<vmem>>
        %get3A_1475 = arith.index_cast %add3A_1349 : i32 to index
        %get3A_1476 = arith.constant 48 : index
        %get3A_1477 = tpu.vector_load %get3A_1474[%get3A_1475, %get3A_1476] {strides = array<i32>} : memref<256x64xf32, #tpu.memory_space<vmem>>, vector<16xf32>,
        %get3A_1478 = arith.constant 0 : i32
        %get3A_1479 = arith.constant 0 : i32
        %get3A_1480 = tpu.memref_slice %arg8[%select_n3A_186, %get3A_1478, %get3A_1479] : memref<2x256x64xf32, #tpu.memory_space<vmem>> -> memref<1x256x64xf32, #tpu.memory_space<vmem>>
        %get3A_1481 = tpu.memref_squeeze %get3A_1480 : memref<1x256x64xf32, #tpu.memory_space<vmem>> -> memref<256x64xf32, #tpu.memory_space<vmem>>
        %get3A_1482 = arith.index_cast %add3A_1353 : i32 to index
        %get3A_1483 = arith.constant 0 : index
        %get3A_1484 = tpu.vector_load %get3A_1481[%get3A_1482, %get3A_1483] {strides = array<i32>} : memref<256x64xf32, #tpu.memory_space<vmem>>, vector<16xf32>,
        %get3A_1485 = arith.constant 0 : i32
        %get3A_1486 = arith.constant 0 : i32
        %get3A_1487 = tpu.memref_slice %arg8[%select_n3A_186, %get3A_1485, %get3A_1486] : memref<2x256x64xf32, #tpu.memory_space<vmem>> -> memref<1x256x64xf32, #tpu.memory_space<vmem>>
        %get3A_1488 = tpu.memref_squeeze %get3A_1487 : memref<1x256x64xf32, #tpu.memory_space<vmem>> -> memref<256x64xf32, #tpu.memory_space<vmem>>
        %get3A_1489 = arith.index_cast %add3A_1353 : i32 to index
        %get3A_1490 = arith.constant 16 : index
        %get3A_1491 = tpu.vector_load %get3A_1488[%get3A_1489, %get3A_1490] {strides = array<i32>} : memref<256x64xf32, #tpu.memory_space<vmem>>, vector<16xf32>,
        %get3A_1492 = arith.constant 0 : i32
        %get3A_1493 = arith.constant 0 : i32
        %get3A_1494 = tpu.memref_slice %arg8[%select_n3A_186, %get3A_1492, %get3A_1493] : memref<2x256x64xf32, #tpu.memory_space<vmem>> -> memref<1x256x64xf32, #tpu.memory_space<vmem>>
        %get3A_1495 = tpu.memref_squeeze %get3A_1494 : memref<1x256x64xf32, #tpu.memory_space<vmem>> -> memref<256x64xf32, #tpu.memory_space<vmem>>
        %get3A_1496 = arith.index_cast %add3A_1353 : i32 to index
        %get3A_1497 = arith.constant 32 : index
        %get3A_1498 = tpu.vector_load %get3A_1495[%get3A_1496, %get3A_1497] {strides = array<i32>} : memref<256x64xf32, #tpu.memory_space<vmem>>, vector<16xf32>,
        %get3A_1499 = arith.constant 0 : i32
        %get3A_1500 = arith.constant 0 : i32
        %get3A_1501 = tpu.memref_slice %arg8[%select_n3A_186, %get3A_1499, %get3A_1500] : memref<2x256x64xf32, #tpu.memory_space<vmem>> -> memref<1x256x64xf32, #tpu.memory_space<vmem>>
        %get3A_1502 = tpu.memref_squeeze %get3A_1501 : memref<1x256x64xf32, #tpu.memory_space<vmem>> -> memref<256x64xf32, #tpu.memory_space<vmem>>
        %get3A_1503 = arith.index_cast %add3A_1353 : i32 to index
        %get3A_1504 = arith.constant 48 : index
        %get3A_1505 = tpu.vector_load %get3A_1502[%get3A_1503, %get3A_1504] {strides = array<i32>} : memref<256x64xf32, #tpu.memory_space<vmem>>, vector<16xf32>,
        %get3A_1506 = arith.constant 0 : i32
        %get3A_1507 = arith.constant 0 : i32
        %get3A_1508 = tpu.memref_slice %arg8[%select_n3A_186, %get3A_1506, %get3A_1507] : memref<2x256x64xf32, #tpu.memory_space<vmem>> -> memref<1x256x64xf32, #tpu.memory_space<vmem>>
        %get3A_1509 = tpu.memref_squeeze %get3A_1508 : memref<1x256x64xf32, #tpu.memory_space<vmem>> -> memref<256x64xf32, #tpu.memory_space<vmem>>
        %get3A_1510 = arith.index_cast %add3A_1357 : i32 to index
        %get3A_1511 = arith.constant 0 : index
        %get3A_1512 = tpu.vector_load %get3A_1509[%get3A_1510, %get3A_1511] {strides = array<i32>} : memref<256x64xf32, #tpu.memory_space<vmem>>, vector<16xf32>,
        %get3A_1513 = arith.constant 0 : i32
        %get3A_1514 = arith.constant 0 : i32
        %get3A_1515 = tpu.memref_slice %arg8[%select_n3A_186, %get3A_1513, %get3A_1514] : memref<2x256x64xf32, #tpu.memory_space<vmem>> -> memref<1x256x64xf32, #tpu.memory_space<vmem>>
        %get3A_1516 = tpu.memref_squeeze %get3A_1515 : memref<1x256x64xf32, #tpu.memory_space<vmem>> -> memref<256x64xf32, #tpu.memory_space<vmem>>
        %get3A_1517 = arith.index_cast %add3A_1357 : i32 to index
        %get3A_1518 = arith.constant 16 : index
        %get3A_1519 = tpu.vector_load %get3A_1516[%get3A_1517, %get3A_1518] {strides = array<i32>} : memref<256x64xf32, #tpu.memory_space<vmem>>, vector<16xf32>,
        %get3A_1520 = arith.constant 0 : i32
        %get3A_1521 = arith.constant 0 : i32
        %get3A_1522 = tpu.memref_slice %arg8[%select_n3A_186, %get3A_1520, %get3A_1521] : memref<2x256x64xf32, #tpu.memory_space<vmem>> -> memref<1x256x64xf32, #tpu.memory_space<vmem>>
        %get3A_1523 = tpu.memref_squeeze %get3A_1522 : memref<1x256x64xf32, #tpu.memory_space<vmem>> -> memref<256x64xf32, #tpu.memory_space<vmem>>
        %get3A_1524 = arith.index_cast %add3A_1357 : i32 to index
        %get3A_1525 = arith.constant 32 : index
        %get3A_1526 = tpu.vector_load %get3A_1523[%get3A_1524, %get3A_1525] {strides = array<i32>} : memref<256x64xf32, #tpu.memory_space<vmem>>, vector<16xf32>,
        %get3A_1527 = arith.constant 0 : i32
        %get3A_1528 = arith.constant 0 : i32
        %get3A_1529 = tpu.memref_slice %arg8[%select_n3A_186, %get3A_1527, %get3A_1528] : memref<2x256x64xf32, #tpu.memory_space<vmem>> -> memref<1x256x64xf32, #tpu.memory_space<vmem>>
        %get3A_1530 = tpu.memref_squeeze %get3A_1529 : memref<1x256x64xf32, #tpu.memory_space<vmem>> -> memref<256x64xf32, #tpu.memory_space<vmem>>
        %get3A_1531 = arith.index_cast %add3A_1357 : i32 to index
        %get3A_1532 = arith.constant 48 : index
        %get3A_1533 = tpu.vector_load %get3A_1530[%get3A_1531, %get3A_1532] {strides = array<i32>} : memref<256x64xf32, #tpu.memory_space<vmem>>, vector<16xf32>,
        %get3A_1534 = arith.constant 0 : i32
        %get3A_1535 = arith.constant 0 : i32
        %get3A_1536 = tpu.memref_slice %arg8[%select_n3A_186, %get3A_1534, %get3A_1535] : memref<2x256x64xf32, #tpu.memory_space<vmem>> -> memref<1x256x64xf32, #tpu.memory_space<vmem>>
        %get3A_1537 = tpu.memref_squeeze %get3A_1536 : memref<1x256x64xf32, #tpu.memory_space<vmem>> -> memref<256x64xf32, #tpu.memory_space<vmem>>
        %get3A_1538 = arith.index_cast %add3A_1361 : i32 to index
        %get3A_1539 = arith.constant 0 : index
        %get3A_1540 = tpu.vector_load %get3A_1537[%get3A_1538, %get3A_1539] {strides = array<i32>} : memref<256x64xf32, #tpu.memory_space<vmem>>, vector<16xf32>,
        %get3A_1541 = arith.constant 0 : i32
        %get3A_1542 = arith.constant 0 : i32
        %get3A_1543 = tpu.memref_slice %arg8[%select_n3A_186, %get3A_1541, %get3A_1542] : memref<2x256x64xf32, #tpu.memory_space<vmem>> -> memref<1x256x64xf32, #tpu.memory_space<vmem>>
        %get3A_1544 = tpu.memref_squeeze %get3A_1543 : memref<1x256x64xf32, #tpu.memory_space<vmem>> -> memref<256x64xf32, #tpu.memory_space<vmem>>
        %get3A_1545 = arith.index_cast %add3A_1361 : i32 to index
        %get3A_1546 = arith.constant 16 : index
        %get3A_1547 = tpu.vector_load %get3A_1544[%get3A_1545, %get3A_1546] {strides = array<i32>} : memref<256x64xf32, #tpu.memory_space<vmem>>, vector<16xf32>,
        %get3A_1548 = arith.constant 0 : i32
        %get3A_1549 = arith.constant 0 : i32
        %get3A_1550 = tpu.memref_slice %arg8[%select_n3A_186, %get3A_1548, %get3A_1549] : memref<2x256x64xf32, #tpu.memory_space<vmem>> -> memref<1x256x64xf32, #tpu.memory_space<vmem>>
        %get3A_1551 = tpu.memref_squeeze %get3A_1550 : memref<1x256x64xf32, #tpu.memory_space<vmem>> -> memref<256x64xf32, #tpu.memory_space<vmem>>
        %get3A_1552 = arith.index_cast %add3A_1361 : i32 to index
        %get3A_1553 = arith.constant 32 : index
        %get3A_1554 = tpu.vector_load %get3A_1551[%get3A_1552, %get3A_1553] {strides = array<i32>} : memref<256x64xf32, #tpu.memory_space<vmem>>, vector<16xf32>,
        %get3A_1555 = arith.constant 0 : i32
        %get3A_1556 = arith.constant 0 : i32
        %get3A_1557 = tpu.memref_slice %arg8[%select_n3A_186, %get3A_1555, %get3A_1556] : memref<2x256x64xf32, #tpu.memory_space<vmem>> -> memref<1x256x64xf32, #tpu.memory_space<vmem>>
        %get3A_1558 = tpu.memref_squeeze %get3A_1557 : memref<1x256x64xf32, #tpu.memory_space<vmem>> -> memref<256x64xf32, #tpu.memory_space<vmem>>
        %get3A_1559 = arith.index_cast %add3A_1361 : i32 to index
        %get3A_1560 = arith.constant 48 : index
        %get3A_1561 = tpu.vector_load %get3A_1558[%get3A_1559, %get3A_1560] {strides = array<i32>} : memref<256x64xf32, #tpu.memory_space<vmem>>, vector<16xf32>,
        %get3A_1562 = arith.constant 0 : i32
        %get3A_1563 = arith.constant 0 : i32
        %get3A_1564 = tpu.memref_slice %arg8[%select_n3A_186, %get3A_1562, %get3A_1563] : memref<2x256x64xf32, #tpu.memory_space<vmem>> -> memref<1x256x64xf32, #tpu.memory_space<vmem>>
        %get3A_1565 = tpu.memref_squeeze %get3A_1564 : memref<1x256x64xf32, #tpu.memory_space<vmem>> -> memref<256x64xf32, #tpu.memory_space<vmem>>
        %get3A_1566 = arith.index_cast %add3A_1365 : i32 to index
        %get3A_1567 = arith.constant 0 : index
        %get3A_1568 = tpu.vector_load %get3A_1565[%get3A_1566, %get3A_1567] {strides = array<i32>} : memref<256x64xf32, #tpu.memory_space<vmem>>, vector<16xf32>,
        %get3A_1569 = arith.constant 0 : i32
        %get3A_1570 = arith.constant 0 : i32
        %get3A_1571 = tpu.memref_slice %arg8[%select_n3A_186, %get3A_1569, %get3A_1570] : memref<2x256x64xf32, #tpu.memory_space<vmem>> -> memref<1x256x64xf32, #tpu.memory_space<vmem>>
        %get3A_1572 = tpu.memref_squeeze %get3A_1571 : memref<1x256x64xf32, #tpu.memory_space<vmem>> -> memref<256x64xf32, #tpu.memory_space<vmem>>
        %get3A_1573 = arith.index_cast %add3A_1365 : i32 to index
        %get3A_1574 = arith.constant 16 : index
        %get3A_1575 = tpu.vector_load %get3A_1572[%get3A_1573, %get3A_1574] {strides = array<i32>} : memref<256x64xf32, #tpu.memory_space<vmem>>, vector<16xf32>,
        %get3A_1576 = arith.constant 0 : i32
        %get3A_1577 = arith.constant 0 : i32
        %get3A_1578 = tpu.memref_slice %arg8[%select_n3A_186, %get3A_1576, %get3A_1577] : memref<2x256x64xf32, #tpu.memory_space<vmem>> -> memref<1x256x64xf32, #tpu.memory_space<vmem>>
        %get3A_1579 = tpu.memref_squeeze %get3A_1578 : memref<1x256x64xf32, #tpu.memory_space<vmem>> -> memref<256x64xf32, #tpu.memory_space<vmem>>
        %get3A_1580 = arith.index_cast %add3A_1365 : i32 to index
        %get3A_1581 = arith.constant 32 : index
        %get3A_1582 = tpu.vector_load %get3A_1579[%get3A_1580, %get3A_1581] {strides = array<i32>} : memref<256x64xf32, #tpu.memory_space<vmem>>, vector<16xf32>,
        %get3A_1583 = arith.constant 0 : i32
        %get3A_1584 = arith.constant 0 : i32
        %get3A_1585 = tpu.memref_slice %arg8[%select_n3A_186, %get3A_1583, %get3A_1584] : memref<2x256x64xf32, #tpu.memory_space<vmem>> -> memref<1x256x64xf32, #tpu.memory_space<vmem>>
        %get3A_1586 = tpu.memref_squeeze %get3A_1585 : memref<1x256x64xf32, #tpu.memory_space<vmem>> -> memref<256x64xf32, #tpu.memory_space<vmem>>
        %get3A_1587 = arith.index_cast %add3A_1365 : i32 to index
        %get3A_1588 = arith.constant 48 : index
        %get3A_1589 = tpu.vector_load %get3A_1586[%get3A_1587, %get3A_1588] {strides = array<i32>} : memref<256x64xf32, #tpu.memory_space<vmem>>, vector<16xf32>,
        %add3A_1590 = arith.addf %get3A_1372, %get3A_1379 : vector<16xf32>
        %add3A_1591 = arith.addf %get3A_1386, %get3A_1393 : vector<16xf32>
        %add3A_1592 = arith.addf %add3A_1590, %add3A_1591 : vector<16xf32>
        %mul3A_1593 = arith.mulf %get3A_1372, %get3A_1372 : vector<16xf32>
        %mul3A_1594 = arith.mulf %get3A_1379, %get3A_1379 : vector<16xf32>
        %add3A_1595 = arith.addf %mul3A_1593, %mul3A_1594 : vector<16xf32>
        %mul3A_1596 = arith.mulf %get3A_1386, %get3A_1386 : vector<16xf32>
        %mul3A_1597 = arith.mulf %get3A_1393, %get3A_1393 : vector<16xf32>
        %add3A_1598 = arith.addf %mul3A_1596, %mul3A_1597 : vector<16xf32>
        %add3A_1599 = arith.addf %add3A_1595, %add3A_1598 : vector<16xf32>
        %broadcast_in_dim3A_1600 = arith.constant true
        %broadcast_in_dim3A_1601 = vector.broadcast %broadcast_in_dim3A_1600 : i1 to vector<16xi1>
        %masked_cumsum3A_1602 = tpu.scan <sum>, %add3A_1592 masked %broadcast_in_dim3A_1601 : vector<16xf32>, vector<16xi1> -> vector<16xf32>
        %broadcast_in_dim3A_1603 = arith.constant true
        %broadcast_in_dim3A_1604 = vector.broadcast %broadcast_in_dim3A_1603 : i1 to vector<16xi1>
        %masked_cumsum3A_1605 = tpu.scan <sum>, %add3A_1599 masked %broadcast_in_dim3A_1604 : vector<16xf32>, vector<16xi1> -> vector<16xf32>
        %add3A_1606 = arith.addf %get3A_1400, %get3A_1407 : vector<16xf32>
        %add3A_1607 = arith.addf %get3A_1414, %get3A_1421 : vector<16xf32>
        %add3A_1608 = arith.addf %add3A_1606, %add3A_1607 : vector<16xf32>
        %mul3A_1609 = arith.mulf %get3A_1400, %get3A_1400 : vector<16xf32>
        %mul3A_1610 = arith.mulf %get3A_1407, %get3A_1407 : vector<16xf32>
        %add3A_1611 = arith.addf %mul3A_1609, %mul3A_1610 : vector<16xf32>
        %mul3A_1612 = arith.mulf %get3A_1414, %get3A_1414 : vector<16xf32>
        %mul3A_1613 = arith.mulf %get3A_1421, %get3A_1421 : vector<16xf32>
        %add3A_1614 = arith.addf %mul3A_1612, %mul3A_1613 : vector<16xf32>
        %add3A_1615 = arith.addf %add3A_1611, %add3A_1614 : vector<16xf32>
        %broadcast_in_dim3A_1616 = arith.constant true
        %broadcast_in_dim3A_1617 = vector.broadcast %broadcast_in_dim3A_1616 : i1 to vector<16xi1>
        %masked_cumsum3A_1618 = tpu.scan <sum>, %add3A_1608 masked %broadcast_in_dim3A_1617 : vector<16xf32>, vector<16xi1> -> vector<16xf32>
        %broadcast_in_dim3A_1619 = arith.constant true
        %broadcast_in_dim3A_1620 = vector.broadcast %broadcast_in_dim3A_1619 : i1 to vector<16xi1>
        %masked_cumsum3A_1621 = tpu.scan <sum>, %add3A_1615 masked %broadcast_in_dim3A_1620 : vector<16xf32>, vector<16xi1> -> vector<16xf32>
        %add3A_1622 = arith.addf %get3A_1428, %get3A_1435 : vector<16xf32>
        %add3A_1623 = arith.addf %get3A_1442, %get3A_1449 : vector<16xf32>
        %add3A_1624 = arith.addf %add3A_1622, %add3A_1623 : vector<16xf32>
        %mul3A_1625 = arith.mulf %get3A_1428, %get3A_1428 : vector<16xf32>
        %mul3A_1626 = arith.mulf %get3A_1435, %get3A_1435 : vector<16xf32>
        %add3A_1627 = arith.addf %mul3A_1625, %mul3A_1626 : vector<16xf32>
        %mul3A_1628 = arith.mulf %get3A_1442, %get3A_1442 : vector<16xf32>
        %mul3A_1629 = arith.mulf %get3A_1449, %get3A_1449 : vector<16xf32>
        %add3A_1630 = arith.addf %mul3A_1628, %mul3A_1629 : vector<16xf32>
        %add3A_1631 = arith.addf %add3A_1627, %add3A_1630 : vector<16xf32>
        %broadcast_in_dim3A_1632 = arith.constant true
        %broadcast_in_dim3A_1633 = vector.broadcast %broadcast_in_dim3A_1632 : i1 to vector<16xi1>
        %masked_cumsum3A_1634 = tpu.scan <sum>, %add3A_1624 masked %broadcast_in_dim3A_1633 : vector<16xf32>, vector<16xi1> -> vector<16xf32>
        %broadcast_in_dim3A_1635 = arith.constant true
        %broadcast_in_dim3A_1636 = vector.broadcast %broadcast_in_dim3A_1635 : i1 to vector<16xi1>
        %masked_cumsum3A_1637 = tpu.scan <sum>, %add3A_1631 masked %broadcast_in_dim3A_1636 : vector<16xf32>, vector<16xi1> -> vector<16xf32>
        %add3A_1638 = arith.addf %get3A_1456, %get3A_1463 : vector<16xf32>
        %add3A_1639 = arith.addf %get3A_1470, %get3A_1477 : vector<16xf32>
        %add3A_1640 = arith.addf %add3A_1638, %add3A_1639 : vector<16xf32>
        %mul3A_1641 = arith.mulf %get3A_1456, %get3A_1456 : vector<16xf32>
        %mul3A_1642 = arith.mulf %get3A_1463, %get3A_1463 : vector<16xf32>
        %add3A_1643 = arith.addf %mul3A_1641, %mul3A_1642 : vector<16xf32>
        %mul3A_1644 = arith.mulf %get3A_1470, %get3A_1470 : vector<16xf32>
        %mul3A_1645 = arith.mulf %get3A_1477, %get3A_1477 : vector<16xf32>
        %add3A_1646 = arith.addf %mul3A_1644, %mul3A_1645 : vector<16xf32>
        %add3A_1647 = arith.addf %add3A_1643, %add3A_1646 : vector<16xf32>
        %broadcast_in_dim3A_1648 = arith.constant true
        %broadcast_in_dim3A_1649 = vector.broadcast %broadcast_in_dim3A_1648 : i1 to vector<16xi1>
        %masked_cumsum3A_1650 = tpu.scan <sum>, %add3A_1640 masked %broadcast_in_dim3A_1649 : vector<16xf32>, vector<16xi1> -> vector<16xf32>
        %broadcast_in_dim3A_1651 = arith.constant true
        %broadcast_in_dim3A_1652 = vector.broadcast %broadcast_in_dim3A_1651 : i1 to vector<16xi1>
        %masked_cumsum3A_1653 = tpu.scan <sum>, %add3A_1647 masked %broadcast_in_dim3A_1652 : vector<16xf32>, vector<16xi1> -> vector<16xf32>
        %add3A_1654 = arith.addf %get3A_1484, %get3A_1491 : vector<16xf32>
        %add3A_1655 = arith.addf %get3A_1498, %get3A_1505 : vector<16xf32>
        %add3A_1656 = arith.addf %add3A_1654, %add3A_1655 : vector<16xf32>
        %mul3A_1657 = arith.mulf %get3A_1484, %get3A_1484 : vector<16xf32>
        %mul3A_1658 = arith.mulf %get3A_1491, %get3A_1491 : vector<16xf32>
        %add3A_1659 = arith.addf %mul3A_1657, %mul3A_1658 : vector<16xf32>
        %mul3A_1660 = arith.mulf %get3A_1498, %get3A_1498 : vector<16xf32>
        %mul3A_1661 = arith.mulf %get3A_1505, %get3A_1505 : vector<16xf32>
        %add3A_1662 = arith.addf %mul3A_1660, %mul3A_1661 : vector<16xf32>
        %add3A_1663 = arith.addf %add3A_1659, %add3A_1662 : vector<16xf32>
        %broadcast_in_dim3A_1664 = arith.constant true
        %broadcast_in_dim3A_1665 = vector.broadcast %broadcast_in_dim3A_1664 : i1 to vector<16xi1>
        %masked_cumsum3A_1666 = tpu.scan <sum>, %add3A_1656 masked %broadcast_in_dim3A_1665 : vector<16xf32>, vector<16xi1> -> vector<16xf32>
        %broadcast_in_dim3A_1667 = arith.constant true
        %broadcast_in_dim3A_1668 = vector.broadcast %broadcast_in_dim3A_1667 : i1 to vector<16xi1>
        %masked_cumsum3A_1669 = tpu.scan <sum>, %add3A_1663 masked %broadcast_in_dim3A_1668 : vector<16xf32>, vector<16xi1> -> vector<16xf32>
        %add3A_1670 = arith.addf %get3A_1512, %get3A_1519 : vector<16xf32>
        %add3A_1671 = arith.addf %get3A_1526, %get3A_1533 : vector<16xf32>
        %add3A_1672 = arith.addf %add3A_1670, %add3A_1671 : vector<16xf32>
        %mul3A_1673 = arith.mulf %get3A_1512, %get3A_1512 : vector<16xf32>
        %mul3A_1674 = arith.mulf %get3A_1519, %get3A_1519 : vector<16xf32>
        %add3A_1675 = arith.addf %mul3A_1673, %mul3A_1674 : vector<16xf32>
        %mul3A_1676 = arith.mulf %get3A_1526, %get3A_1526 : vector<16xf32>
        %mul3A_1677 = arith.mulf %get3A_1533, %get3A_1533 : vector<16xf32>
        %add3A_1678 = arith.addf %mul3A_1676, %mul3A_1677 : vector<16xf32>
        %add3A_1679 = arith.addf %add3A_1675, %add3A_1678 : vector<16xf32>
        %broadcast_in_dim3A_1680 = arith.constant true
        %broadcast_in_dim3A_1681 = vector.broadcast %broadcast_in_dim3A_1680 : i1 to vector<16xi1>
        %masked_cumsum3A_1682 = tpu.scan <sum>, %add3A_1672 masked %broadcast_in_dim3A_1681 : vector<16xf32>, vector<16xi1> -> vector<16xf32>
        %broadcast_in_dim3A_1683 = arith.constant true
        %broadcast_in_dim3A_1684 = vector.broadcast %broadcast_in_dim3A_1683 : i1 to vector<16xi1>
        %masked_cumsum3A_1685 = tpu.scan <sum>, %add3A_1679 masked %broadcast_in_dim3A_1684 : vector<16xf32>, vector<16xi1> -> vector<16xf32>
        %add3A_1686 = arith.addf %get3A_1540, %get3A_1547 : vector<16xf32>
        %add3A_1687 = arith.addf %get3A_1554, %get3A_1561 : vector<16xf32>
        %add3A_1688 = arith.addf %add3A_1686, %add3A_1687 : vector<16xf32>
        %mul3A_1689 = arith.mulf %get3A_1540, %get3A_1540 : vector<16xf32>
        %mul3A_1690 = arith.mulf %get3A_1547, %get3A_1547 : vector<16xf32>
        %add3A_1691 = arith.addf %mul3A_1689, %mul3A_1690 : vector<16xf32>
        %mul3A_1692 = arith.mulf %get3A_1554, %get3A_1554 : vector<16xf32>
        %mul3A_1693 = arith.mulf %get3A_1561, %get3A_1561 : vector<16xf32>
        %add3A_1694 = arith.addf %mul3A_1692, %mul3A_1693 : vector<16xf32>
        %add3A_1695 = arith.addf %add3A_1691, %add3A_1694 : vector<16xf32>
        %broadcast_in_dim3A_1696 = arith.constant true
        %broadcast_in_dim3A_1697 = vector.broadcast %broadcast_in_dim3A_1696 : i1 to vector<16xi1>
        %masked_cumsum3A_1698 = tpu.scan <sum>, %add3A_1688 masked %broadcast_in_dim3A_1697 : vector<16xf32>, vector<16xi1> -> vector<16xf32>
        %broadcast_in_dim3A_1699 = arith.constant true
        %broadcast_in_dim3A_1700 = vector.broadcast %broadcast_in_dim3A_1699 : i1 to vector<16xi1>
        %masked_cumsum3A_1701 = tpu.scan <sum>, %add3A_1695 masked %broadcast_in_dim3A_1700 : vector<16xf32>, vector<16xi1> -> vector<16xf32>
        %add3A_1702 = arith.addf %get3A_1568, %get3A_1575 : vector<16xf32>
        %add3A_1703 = arith.addf %get3A_1582, %get3A_1589 : vector<16xf32>
        %add3A_1704 = arith.addf %add3A_1702, %add3A_1703 : vector<16xf32>
        %mul3A_1705 = arith.mulf %get3A_1568, %get3A_1568 : vector<16xf32>
        %mul3A_1706 = arith.mulf %get3A_1575, %get3A_1575 : vector<16xf32>
        %add3A_1707 = arith.addf %mul3A_1705, %mul3A_1706 : vector<16xf32>
        %mul3A_1708 = arith.mulf %get3A_1582, %get3A_1582 : vector<16xf32>
        %mul3A_1709 = arith.mulf %get3A_1589, %get3A_1589 : vector<16xf32>
        %add3A_1710 = arith.addf %mul3A_1708, %mul3A_1709 : vector<16xf32>
        %add3A_1711 = arith.addf %add3A_1707, %add3A_1710 : vector<16xf32>
        %broadcast_in_dim3A_1712 = arith.constant true
        %broadcast_in_dim3A_1713 = vector.broadcast %broadcast_in_dim3A_1712 : i1 to vector<16xi1>
        %masked_cumsum3A_1714 = tpu.scan <sum>, %add3A_1704 masked %broadcast_in_dim3A_1713 : vector<16xf32>, vector<16xi1> -> vector<16xf32>
        %broadcast_in_dim3A_1715 = arith.constant true
        %broadcast_in_dim3A_1716 = vector.broadcast %broadcast_in_dim3A_1715 : i1 to vector<16xi1>
        %masked_cumsum3A_1717 = tpu.scan <sum>, %add3A_1711 masked %broadcast_in_dim3A_1716 : vector<16xf32>, vector<16xi1> -> vector<16xf32>
        %slice3A_1718 = vector.extract_strided_slice %masked_cumsum3A_1602 {offsets = [15], sizes = [1], strides = [1]} : vector<16xf32> to vector<1xf32>
        %squeeze3A_1719 = vector.extract %slice3A_1718[0] : f32 from vector<1xf32>
        %mul3A_1720 = arith.constant 1.562500e-02 : f32
        %mul3A_1721 = arith.mulf %squeeze3A_1719, %mul3A_1720 : f32
        %slice3A_1722 = vector.extract_strided_slice %masked_cumsum3A_1605 {offsets = [15], sizes = [1], strides = [1]} : vector<16xf32> to vector<1xf32>
        %squeeze3A_1723 = vector.extract %slice3A_1722[0] : f32 from vector<1xf32>
        %mul3A_1724 = arith.constant 1.562500e-02 : f32
        %mul3A_1725 = arith.mulf %squeeze3A_1723, %mul3A_1724 : f32
        %mul3A_1726 = arith.mulf %mul3A_1721, %mul3A_1721 : f32
        %sub3A_1727 = arith.subf %mul3A_1725, %mul3A_1726 : f32
        %max3A_1728 = arith.constant 0.000000e+00 : f32
        %max3A_1729 = arith.maximumf %sub3A_1727, %max3A_1728 : f32
        %add3A_1730 = arith.constant 9.99999974E-6 : f32
        %add3A_1731 = arith.addf %max3A_1729, %add3A_1730 : f32
        %bitcast_convert_type3A_1732 = arith.bitcast %add3A_1731 : f32 to i32
        %shift_right_logical3A_1733 = arith.constant 1 : i32
        %shift_right_logical3A_1734 = arith.shrui %bitcast_convert_type3A_1732, %shift_right_logical3A_1733 : i32
        %sub3A_1735 = arith.constant 1597463007 : i32
        %sub3A_1736 = arith.subi %sub3A_1735, %shift_right_logical3A_1734 : i32
        %bitcast_convert_type3A_1737 = arith.bitcast %sub3A_1736 : i32 to f32
        %mul3A_1738 = arith.constant 5.000000e-01 : f32
        %mul3A_1739 = arith.mulf %mul3A_1738, %add3A_1731 : f32
        %mul3A_1740 = arith.mulf %mul3A_1739, %bitcast_convert_type3A_1737 : f32
        %mul3A_1741 = arith.mulf %mul3A_1740, %bitcast_convert_type3A_1737 : f32
        %sub3A_1742 = arith.constant 1.500000e+00 : f32
        %sub3A_1743 = arith.subf %sub3A_1742, %mul3A_1741 : f32
        %mul3A_1744 = arith.mulf %bitcast_convert_type3A_1737, %sub3A_1743 : f32
        %mul3A_1745 = arith.constant 5.000000e-01 : f32
        %mul3A_1746 = arith.mulf %mul3A_1745, %add3A_1731 : f32
        %mul3A_1747 = arith.mulf %mul3A_1746, %mul3A_1744 : f32
        %mul3A_1748 = arith.mulf %mul3A_1747, %mul3A_1744 : f32
        %sub3A_1749 = arith.constant 1.500000e+00 : f32
        %sub3A_1750 = arith.subf %sub3A_1749, %mul3A_1748 : f32
        %mul3A_1751 = arith.mulf %mul3A_1744, %sub3A_1750 : f32
        %mul3A_1752 = arith.constant 5.000000e-01 : f32
        %mul3A_1753 = arith.mulf %mul3A_1752, %add3A_1731 : f32
        %mul3A_1754 = arith.mulf %mul3A_1753, %mul3A_1751 : f32
        %mul3A_1755 = arith.mulf %mul3A_1754, %mul3A_1751 : f32
        %sub3A_1756 = arith.constant 1.500000e+00 : f32
        %sub3A_1757 = arith.subf %sub3A_1756, %mul3A_1755 : f32
        %mul3A_1758 = arith.mulf %mul3A_1751, %sub3A_1757 : f32
        %add3A_1759 = vector.broadcast %mul3A_1721 : f32 to vector<16xf32>
        %add3A_1760 = arith.addf %broadcast_in_dim3A_23, %add3A_1759 : vector<16xf32>
        %add3A_1761 = vector.broadcast %mul3A_1758 : f32 to vector<16xf32>
        %add3A_1762 = arith.addf %broadcast_in_dim3A_23, %add3A_1761 : vector<16xf32>
        %sub3A_1763 = arith.subf %get3A_1372, %add3A_1760 : vector<16xf32>
        %mul3A_1764 = arith.mulf %sub3A_1763, %add3A_1762 : vector<16xf32>
        %mul3A_1765 = arith.mulf %mul3A_1764, %get3A_1 : vector<16xf32>
        %add3A_1766 = arith.addf %mul3A_1765, %get3A_9 : vector<16xf32>
        %swap3A_1767 = arith.constant 0 : i32
        %swap3A_1768 = arith.constant 0 : i32
        %swap3A_1769 = tpu.memref_slice %arg9[%select_n3A_202, %swap3A_1767, %swap3A_1768] : memref<2x256x64xf32, #tpu.memory_space<vmem>> -> memref<1x256x64xf32, #tpu.memory_space<vmem>>
        %swap3A_1770 = tpu.memref_squeeze %swap3A_1769 : memref<1x256x64xf32, #tpu.memory_space<vmem>> -> memref<256x64xf32, #tpu.memory_space<vmem>>
        %swap3A_1771 = arith.index_cast %add3A_1337 : i32 to index
        %swap3A_1772 = arith.constant 0 : index
        %swap3A_1773 = tpu.vector_load %swap3A_1770[%swap3A_1771, %swap3A_1772] {strides = array<i32>} : memref<256x64xf32, #tpu.memory_space<vmem>>, vector<16xf32>,
        tpu.vector_store %swap3A_1770[%swap3A_1771, %swap3A_1772], %add3A_1766 {strides = array<i32>} : memref<256x64xf32, #tpu.memory_space<vmem>>, vector<16xf32>,
        %sub3A_1774 = arith.subf %get3A_1379, %add3A_1760 : vector<16xf32>
        %mul3A_1775 = arith.mulf %sub3A_1774, %add3A_1762 : vector<16xf32>
        %mul3A_1776 = arith.mulf %mul3A_1775, %get3A_3 : vector<16xf32>
        %add3A_1777 = arith.addf %mul3A_1776, %get3A_11 : vector<16xf32>
        %swap3A_1778 = arith.constant 0 : i32
        %swap3A_1779 = arith.constant 0 : i32
        %swap3A_1780 = tpu.memref_slice %arg9[%select_n3A_202, %swap3A_1778, %swap3A_1779] : memref<2x256x64xf32, #tpu.memory_space<vmem>> -> memref<1x256x64xf32, #tpu.memory_space<vmem>>
        %swap3A_1781 = tpu.memref_squeeze %swap3A_1780 : memref<1x256x64xf32, #tpu.memory_space<vmem>> -> memref<256x64xf32, #tpu.memory_space<vmem>>
        %swap3A_1782 = arith.index_cast %add3A_1337 : i32 to index
        %swap3A_1783 = arith.constant 16 : index
        %swap3A_1784 = tpu.vector_load %swap3A_1781[%swap3A_1782, %swap3A_1783] {strides = array<i32>} : memref<256x64xf32, #tpu.memory_space<vmem>>, vector<16xf32>,
        tpu.vector_store %swap3A_1781[%swap3A_1782, %swap3A_1783], %add3A_1777 {strides = array<i32>} : memref<256x64xf32, #tpu.memory_space<vmem>>, vector<16xf32>,
        %sub3A_1785 = arith.subf %get3A_1386, %add3A_1760 : vector<16xf32>
        %mul3A_1786 = arith.mulf %sub3A_1785, %add3A_1762 : vector<16xf32>
        %mul3A_1787 = arith.mulf %mul3A_1786, %get3A_5 : vector<16xf32>
        %add3A_1788 = arith.addf %mul3A_1787, %get3A_13 : vector<16xf32>
        %swap3A_1789 = arith.constant 0 : i32
        %swap3A_1790 = arith.constant 0 : i32
        %swap3A_1791 = tpu.memref_slice %arg9[%select_n3A_202, %swap3A_1789, %swap3A_1790] : memref<2x256x64xf32, #tpu.memory_space<vmem>> -> memref<1x256x64xf32, #tpu.memory_space<vmem>>
        %swap3A_1792 = tpu.memref_squeeze %swap3A_1791 : memref<1x256x64xf32, #tpu.memory_space<vmem>> -> memref<256x64xf32, #tpu.memory_space<vmem>>
        %swap3A_1793 = arith.index_cast %add3A_1337 : i32 to index
        %swap3A_1794 = arith.constant 32 : index
        %swap3A_1795 = tpu.vector_load %swap3A_1792[%swap3A_1793, %swap3A_1794] {strides = array<i32>} : memref<256x64xf32, #tpu.memory_space<vmem>>, vector<16xf32>,
        tpu.vector_store %swap3A_1792[%swap3A_1793, %swap3A_1794], %add3A_1788 {strides = array<i32>} : memref<256x64xf32, #tpu.memory_space<vmem>>, vector<16xf32>,
        %sub3A_1796 = arith.subf %get3A_1393, %add3A_1760 : vector<16xf32>
        %mul3A_1797 = arith.mulf %sub3A_1796, %add3A_1762 : vector<16xf32>
        %mul3A_1798 = arith.mulf %mul3A_1797, %get3A_7 : vector<16xf32>
        %add3A_1799 = arith.addf %mul3A_1798, %get3A_15 : vector<16xf32>
        %swap3A_1800 = arith.constant 0 : i32
        %swap3A_1801 = arith.constant 0 : i32
        %swap3A_1802 = tpu.memref_slice %arg9[%select_n3A_202, %swap3A_1800, %swap3A_1801] : memref<2x256x64xf32, #tpu.memory_space<vmem>> -> memref<1x256x64xf32, #tpu.memory_space<vmem>>
        %swap3A_1803 = tpu.memref_squeeze %swap3A_1802 : memref<1x256x64xf32, #tpu.memory_space<vmem>> -> memref<256x64xf32, #tpu.memory_space<vmem>>
        %swap3A_1804 = arith.index_cast %add3A_1337 : i32 to index
        %swap3A_1805 = arith.constant 48 : index
        %swap3A_1806 = tpu.vector_load %swap3A_1803[%swap3A_1804, %swap3A_1805] {strides = array<i32>} : memref<256x64xf32, #tpu.memory_space<vmem>>, vector<16xf32>,
        tpu.vector_store %swap3A_1803[%swap3A_1804, %swap3A_1805], %add3A_1799 {strides = array<i32>} : memref<256x64xf32, #tpu.memory_space<vmem>>, vector<16xf32>,
        %slice3A_1807 = vector.extract_strided_slice %masked_cumsum3A_1618 {offsets = [15], sizes = [1], strides = [1]} : vector<16xf32> to vector<1xf32>
        %squeeze3A_1808 = vector.extract %slice3A_1807[0] : f32 from vector<1xf32>
        %mul3A_1809 = arith.constant 1.562500e-02 : f32
        %mul3A_1810 = arith.mulf %squeeze3A_1808, %mul3A_1809 : f32
        %slice3A_1811 = vector.extract_strided_slice %masked_cumsum3A_1621 {offsets = [15], sizes = [1], strides = [1]} : vector<16xf32> to vector<1xf32>
        %squeeze3A_1812 = vector.extract %slice3A_1811[0] : f32 from vector<1xf32>
        %mul3A_1813 = arith.constant 1.562500e-02 : f32
        %mul3A_1814 = arith.mulf %squeeze3A_1812, %mul3A_1813 : f32
        %mul3A_1815 = arith.mulf %mul3A_1810, %mul3A_1810 : f32
        %sub3A_1816 = arith.subf %mul3A_1814, %mul3A_1815 : f32
        %max3A_1817 = arith.constant 0.000000e+00 : f32
        %max3A_1818 = arith.maximumf %sub3A_1816, %max3A_1817 : f32
        %add3A_1819 = arith.constant 9.99999974E-6 : f32
        %add3A_1820 = arith.addf %max3A_1818, %add3A_1819 : f32
        %bitcast_convert_type3A_1821 = arith.bitcast %add3A_1820 : f32 to i32
        %shift_right_logical3A_1822 = arith.constant 1 : i32
        %shift_right_logical3A_1823 = arith.shrui %bitcast_convert_type3A_1821, %shift_right_logical3A_1822 : i32
        %sub3A_1824 = arith.constant 1597463007 : i32
        %sub3A_1825 = arith.subi %sub3A_1824, %shift_right_logical3A_1823 : i32
        %bitcast_convert_type3A_1826 = arith.bitcast %sub3A_1825 : i32 to f32
        %mul3A_1827 = arith.constant 5.000000e-01 : f32
        %mul3A_1828 = arith.mulf %mul3A_1827, %add3A_1820 : f32
        %mul3A_1829 = arith.mulf %mul3A_1828, %bitcast_convert_type3A_1826 : f32
        %mul3A_1830 = arith.mulf %mul3A_1829, %bitcast_convert_type3A_1826 : f32
        %sub3A_1831 = arith.constant 1.500000e+00 : f32
        %sub3A_1832 = arith.subf %sub3A_1831, %mul3A_1830 : f32
        %mul3A_1833 = arith.mulf %bitcast_convert_type3A_1826, %sub3A_1832 : f32
        %mul3A_1834 = arith.constant 5.000000e-01 : f32
        %mul3A_1835 = arith.mulf %mul3A_1834, %add3A_1820 : f32
        %mul3A_1836 = arith.mulf %mul3A_1835, %mul3A_1833 : f32
        %mul3A_1837 = arith.mulf %mul3A_1836, %mul3A_1833 : f32
        %sub3A_1838 = arith.constant 1.500000e+00 : f32
        %sub3A_1839 = arith.subf %sub3A_1838, %mul3A_1837 : f32
        %mul3A_1840 = arith.mulf %mul3A_1833, %sub3A_1839 : f32
        %mul3A_1841 = arith.constant 5.000000e-01 : f32
        %mul3A_1842 = arith.mulf %mul3A_1841, %add3A_1820 : f32
        %mul3A_1843 = arith.mulf %mul3A_1842, %mul3A_1840 : f32
        %mul3A_1844 = arith.mulf %mul3A_1843, %mul3A_1840 : f32
        %sub3A_1845 = arith.constant 1.500000e+00 : f32
        %sub3A_1846 = arith.subf %sub3A_1845, %mul3A_1844 : f32
        %mul3A_1847 = arith.mulf %mul3A_1840, %sub3A_1846 : f32
        %add3A_1848 = vector.broadcast %mul3A_1810 : f32 to vector<16xf32>
        %add3A_1849 = arith.addf %broadcast_in_dim3A_23, %add3A_1848 : vector<16xf32>
        %add3A_1850 = vector.broadcast %mul3A_1847 : f32 to vector<16xf32>
        %add3A_1851 = arith.addf %broadcast_in_dim3A_23, %add3A_1850 : vector<16xf32>
        %sub3A_1852 = arith.subf %get3A_1400, %add3A_1849 : vector<16xf32>
        %mul3A_1853 = arith.mulf %sub3A_1852, %add3A_1851 : vector<16xf32>
        %mul3A_1854 = arith.mulf %mul3A_1853, %get3A_1 : vector<16xf32>
        %add3A_1855 = arith.addf %mul3A_1854, %get3A_9 : vector<16xf32>
        %swap3A_1856 = arith.constant 0 : i32
        %swap3A_1857 = arith.constant 0 : i32
        %swap3A_1858 = tpu.memref_slice %arg9[%select_n3A_202, %swap3A_1856, %swap3A_1857] : memref<2x256x64xf32, #tpu.memory_space<vmem>> -> memref<1x256x64xf32, #tpu.memory_space<vmem>>
        %swap3A_1859 = tpu.memref_squeeze %swap3A_1858 : memref<1x256x64xf32, #tpu.memory_space<vmem>> -> memref<256x64xf32, #tpu.memory_space<vmem>>
        %swap3A_1860 = arith.index_cast %add3A_1341 : i32 to index
        %swap3A_1861 = arith.constant 0 : index
        %swap3A_1862 = tpu.vector_load %swap3A_1859[%swap3A_1860, %swap3A_1861] {strides = array<i32>} : memref<256x64xf32, #tpu.memory_space<vmem>>, vector<16xf32>,
        tpu.vector_store %swap3A_1859[%swap3A_1860, %swap3A_1861], %add3A_1855 {strides = array<i32>} : memref<256x64xf32, #tpu.memory_space<vmem>>, vector<16xf32>,
        %sub3A_1863 = arith.subf %get3A_1407, %add3A_1849 : vector<16xf32>
        %mul3A_1864 = arith.mulf %sub3A_1863, %add3A_1851 : vector<16xf32>
        %mul3A_1865 = arith.mulf %mul3A_1864, %get3A_3 : vector<16xf32>
        %add3A_1866 = arith.addf %mul3A_1865, %get3A_11 : vector<16xf32>
        %swap3A_1867 = arith.constant 0 : i32
        %swap3A_1868 = arith.constant 0 : i32
        %swap3A_1869 = tpu.memref_slice %arg9[%select_n3A_202, %swap3A_1867, %swap3A_1868] : memref<2x256x64xf32, #tpu.memory_space<vmem>> -> memref<1x256x64xf32, #tpu.memory_space<vmem>>
        %swap3A_1870 = tpu.memref_squeeze %swap3A_1869 : memref<1x256x64xf32, #tpu.memory_space<vmem>> -> memref<256x64xf32, #tpu.memory_space<vmem>>
        %swap3A_1871 = arith.index_cast %add3A_1341 : i32 to index
        %swap3A_1872 = arith.constant 16 : index
        %swap3A_1873 = tpu.vector_load %swap3A_1870[%swap3A_1871, %swap3A_1872] {strides = array<i32>} : memref<256x64xf32, #tpu.memory_space<vmem>>, vector<16xf32>,
        tpu.vector_store %swap3A_1870[%swap3A_1871, %swap3A_1872], %add3A_1866 {strides = array<i32>} : memref<256x64xf32, #tpu.memory_space<vmem>>, vector<16xf32>,
        %sub3A_1874 = arith.subf %get3A_1414, %add3A_1849 : vector<16xf32>
        %mul3A_1875 = arith.mulf %sub3A_1874, %add3A_1851 : vector<16xf32>
        %mul3A_1876 = arith.mulf %mul3A_1875, %get3A_5 : vector<16xf32>
        %add3A_1877 = arith.addf %mul3A_1876, %get3A_13 : vector<16xf32>
        %swap3A_1878 = arith.constant 0 : i32
        %swap3A_1879 = arith.constant 0 : i32
        %swap3A_1880 = tpu.memref_slice %arg9[%select_n3A_202, %swap3A_1878, %swap3A_1879] : memref<2x256x64xf32, #tpu.memory_space<vmem>> -> memref<1x256x64xf32, #tpu.memory_space<vmem>>
        %swap3A_1881 = tpu.memref_squeeze %swap3A_1880 : memref<1x256x64xf32, #tpu.memory_space<vmem>> -> memref<256x64xf32, #tpu.memory_space<vmem>>
        %swap3A_1882 = arith.index_cast %add3A_1341 : i32 to index
        %swap3A_1883 = arith.constant 32 : index
        %swap3A_1884 = tpu.vector_load %swap3A_1881[%swap3A_1882, %swap3A_1883] {strides = array<i32>} : memref<256x64xf32, #tpu.memory_space<vmem>>, vector<16xf32>,
        tpu.vector_store %swap3A_1881[%swap3A_1882, %swap3A_1883], %add3A_1877 {strides = array<i32>} : memref<256x64xf32, #tpu.memory_space<vmem>>, vector<16xf32>,
        %sub3A_1885 = arith.subf %get3A_1421, %add3A_1849 : vector<16xf32>
        %mul3A_1886 = arith.mulf %sub3A_1885, %add3A_1851 : vector<16xf32>
        %mul3A_1887 = arith.mulf %mul3A_1886, %get3A_7 : vector<16xf32>
        %add3A_1888 = arith.addf %mul3A_1887, %get3A_15 : vector<16xf32>
        %swap3A_1889 = arith.constant 0 : i32
        %swap3A_1890 = arith.constant 0 : i32
        %swap3A_1891 = tpu.memref_slice %arg9[%select_n3A_202, %swap3A_1889, %swap3A_1890] : memref<2x256x64xf32, #tpu.memory_space<vmem>> -> memref<1x256x64xf32, #tpu.memory_space<vmem>>
        %swap3A_1892 = tpu.memref_squeeze %swap3A_1891 : memref<1x256x64xf32, #tpu.memory_space<vmem>> -> memref<256x64xf32, #tpu.memory_space<vmem>>
        %swap3A_1893 = arith.index_cast %add3A_1341 : i32 to index
        %swap3A_1894 = arith.constant 48 : index
        %swap3A_1895 = tpu.vector_load %swap3A_1892[%swap3A_1893, %swap3A_1894] {strides = array<i32>} : memref<256x64xf32, #tpu.memory_space<vmem>>, vector<16xf32>,
        tpu.vector_store %swap3A_1892[%swap3A_1893, %swap3A_1894], %add3A_1888 {strides = array<i32>} : memref<256x64xf32, #tpu.memory_space<vmem>>, vector<16xf32>,
        %slice3A_1896 = vector.extract_strided_slice %masked_cumsum3A_1634 {offsets = [15], sizes = [1], strides = [1]} : vector<16xf32> to vector<1xf32>
        %squeeze3A_1897 = vector.extract %slice3A_1896[0] : f32 from vector<1xf32>
        %mul3A_1898 = arith.constant 1.562500e-02 : f32
        %mul3A_1899 = arith.mulf %squeeze3A_1897, %mul3A_1898 : f32
        %slice3A_1900 = vector.extract_strided_slice %masked_cumsum3A_1637 {offsets = [15], sizes = [1], strides = [1]} : vector<16xf32> to vector<1xf32>
        %squeeze3A_1901 = vector.extract %slice3A_1900[0] : f32 from vector<1xf32>
        %mul3A_1902 = arith.constant 1.562500e-02 : f32
        %mul3A_1903 = arith.mulf %squeeze3A_1901, %mul3A_1902 : f32
        %mul3A_1904 = arith.mulf %mul3A_1899, %mul3A_1899 : f32
        %sub3A_1905 = arith.subf %mul3A_1903, %mul3A_1904 : f32
        %max3A_1906 = arith.constant 0.000000e+00 : f32
        %max3A_1907 = arith.maximumf %sub3A_1905, %max3A_1906 : f32
        %add3A_1908 = arith.constant 9.99999974E-6 : f32
        %add3A_1909 = arith.addf %max3A_1907, %add3A_1908 : f32
        %bitcast_convert_type3A_1910 = arith.bitcast %add3A_1909 : f32 to i32
        %shift_right_logical3A_1911 = arith.constant 1 : i32
        %shift_right_logical3A_1912 = arith.shrui %bitcast_convert_type3A_1910, %shift_right_logical3A_1911 : i32
        %sub3A_1913 = arith.constant 1597463007 : i32
        %sub3A_1914 = arith.subi %sub3A_1913, %shift_right_logical3A_1912 : i32
        %bitcast_convert_type3A_1915 = arith.bitcast %sub3A_1914 : i32 to f32
        %mul3A_1916 = arith.constant 5.000000e-01 : f32
        %mul3A_1917 = arith.mulf %mul3A_1916, %add3A_1909 : f32
        %mul3A_1918 = arith.mulf %mul3A_1917, %bitcast_convert_type3A_1915 : f32
        %mul3A_1919 = arith.mulf %mul3A_1918, %bitcast_convert_type3A_1915 : f32
        %sub3A_1920 = arith.constant 1.500000e+00 : f32
        %sub3A_1921 = arith.subf %sub3A_1920, %mul3A_1919 : f32
        %mul3A_1922 = arith.mulf %bitcast_convert_type3A_1915, %sub3A_1921 : f32
        %mul3A_1923 = arith.constant 5.000000e-01 : f32
        %mul3A_1924 = arith.mulf %mul3A_1923, %add3A_1909 : f32
        %mul3A_1925 = arith.mulf %mul3A_1924, %mul3A_1922 : f32
        %mul3A_1926 = arith.mulf %mul3A_1925, %mul3A_1922 : f32
        %sub3A_1927 = arith.constant 1.500000e+00 : f32
        %sub3A_1928 = arith.subf %sub3A_1927, %mul3A_1926 : f32
        %mul3A_1929 = arith.mulf %mul3A_1922, %sub3A_1928 : f32
        %mul3A_1930 = arith.constant 5.000000e-01 : f32
        %mul3A_1931 = arith.mulf %mul3A_1930, %add3A_1909 : f32
        %mul3A_1932 = arith.mulf %mul3A_1931, %mul3A_1929 : f32
        %mul3A_1933 = arith.mulf %mul3A_1932, %mul3A_1929 : f32
        %sub3A_1934 = arith.constant 1.500000e+00 : f32
        %sub3A_1935 = arith.subf %sub3A_1934, %mul3A_1933 : f32
        %mul3A_1936 = arith.mulf %mul3A_1929, %sub3A_1935 : f32
        %add3A_1937 = vector.broadcast %mul3A_1899 : f32 to vector<16xf32>
        %add3A_1938 = arith.addf %broadcast_in_dim3A_23, %add3A_1937 : vector<16xf32>
        %add3A_1939 = vector.broadcast %mul3A_1936 : f32 to vector<16xf32>
        %add3A_1940 = arith.addf %broadcast_in_dim3A_23, %add3A_1939 : vector<16xf32>
        %sub3A_1941 = arith.subf %get3A_1428, %add3A_1938 : vector<16xf32>
        %mul3A_1942 = arith.mulf %sub3A_1941, %add3A_1940 : vector<16xf32>
        %mul3A_1943 = arith.mulf %mul3A_1942, %get3A_1 : vector<16xf32>
        %add3A_1944 = arith.addf %mul3A_1943, %get3A_9 : vector<16xf32>
        %swap3A_1945 = arith.constant 0 : i32
        %swap3A_1946 = arith.constant 0 : i32
        %swap3A_1947 = tpu.memref_slice %arg9[%select_n3A_202, %swap3A_1945, %swap3A_1946] : memref<2x256x64xf32, #tpu.memory_space<vmem>> -> memref<1x256x64xf32, #tpu.memory_space<vmem>>
        %swap3A_1948 = tpu.memref_squeeze %swap3A_1947 : memref<1x256x64xf32, #tpu.memory_space<vmem>> -> memref<256x64xf32, #tpu.memory_space<vmem>>
        %swap3A_1949 = arith.index_cast %add3A_1345 : i32 to index
        %swap3A_1950 = arith.constant 0 : index
        %swap3A_1951 = tpu.vector_load %swap3A_1948[%swap3A_1949, %swap3A_1950] {strides = array<i32>} : memref<256x64xf32, #tpu.memory_space<vmem>>, vector<16xf32>,
        tpu.vector_store %swap3A_1948[%swap3A_1949, %swap3A_1950], %add3A_1944 {strides = array<i32>} : memref<256x64xf32, #tpu.memory_space<vmem>>, vector<16xf32>,
        %sub3A_1952 = arith.subf %get3A_1435, %add3A_1938 : vector<16xf32>
        %mul3A_1953 = arith.mulf %sub3A_1952, %add3A_1940 : vector<16xf32>
        %mul3A_1954 = arith.mulf %mul3A_1953, %get3A_3 : vector<16xf32>
        %add3A_1955 = arith.addf %mul3A_1954, %get3A_11 : vector<16xf32>
        %swap3A_1956 = arith.constant 0 : i32
        %swap3A_1957 = arith.constant 0 : i32
        %swap3A_1958 = tpu.memref_slice %arg9[%select_n3A_202, %swap3A_1956, %swap3A_1957] : memref<2x256x64xf32, #tpu.memory_space<vmem>> -> memref<1x256x64xf32, #tpu.memory_space<vmem>>
        %swap3A_1959 = tpu.memref_squeeze %swap3A_1958 : memref<1x256x64xf32, #tpu.memory_space<vmem>> -> memref<256x64xf32, #tpu.memory_space<vmem>>
        %swap3A_1960 = arith.index_cast %add3A_1345 : i32 to index
        %swap3A_1961 = arith.constant 16 : index
        %swap3A_1962 = tpu.vector_load %swap3A_1959[%swap3A_1960, %swap3A_1961] {strides = array<i32>} : memref<256x64xf32, #tpu.memory_space<vmem>>, vector<16xf32>,
        tpu.vector_store %swap3A_1959[%swap3A_1960, %swap3A_1961], %add3A_1955 {strides = array<i32>} : memref<256x64xf32, #tpu.memory_space<vmem>>, vector<16xf32>,
        %sub3A_1963 = arith.subf %get3A_1442, %add3A_1938 : vector<16xf32>
        %mul3A_1964 = arith.mulf %sub3A_1963, %add3A_1940 : vector<16xf32>
        %mul3A_1965 = arith.mulf %mul3A_1964, %get3A_5 : vector<16xf32>
        %add3A_1966 = arith.addf %mul3A_1965, %get3A_13 : vector<16xf32>
        %swap3A_1967 = arith.constant 0 : i32
        %swap3A_1968 = arith.constant 0 : i32
        %swap3A_1969 = tpu.memref_slice %arg9[%select_n3A_202, %swap3A_1967, %swap3A_1968] : memref<2x256x64xf32, #tpu.memory_space<vmem>> -> memref<1x256x64xf32, #tpu.memory_space<vmem>>
        %swap3A_1970 = tpu.memref_squeeze %swap3A_1969 : memref<1x256x64xf32, #tpu.memory_space<vmem>> -> memref<256x64xf32, #tpu.memory_space<vmem>>
        %swap3A_1971 = arith.index_cast %add3A_1345 : i32 to index
        %swap3A_1972 = arith.constant 32 : index
        %swap3A_1973 = tpu.vector_load %swap3A_1970[%swap3A_1971, %swap3A_1972] {strides = array<i32>} : memref<256x64xf32, #tpu.memory_space<vmem>>, vector<16xf32>,
        tpu.vector_store %swap3A_1970[%swap3A_1971, %swap3A_1972], %add3A_1966 {strides = array<i32>} : memref<256x64xf32, #tpu.memory_space<vmem>>, vector<16xf32>,
        %sub3A_1974 = arith.subf %get3A_1449, %add3A_1938 : vector<16xf32>
        %mul3A_1975 = arith.mulf %sub3A_1974, %add3A_1940 : vector<16xf32>
        %mul3A_1976 = arith.mulf %mul3A_1975, %get3A_7 : vector<16xf32>
        %add3A_1977 = arith.addf %mul3A_1976, %get3A_15 : vector<16xf32>
        %swap3A_1978 = arith.constant 0 : i32
        %swap3A_1979 = arith.constant 0 : i32
        %swap3A_1980 = tpu.memref_slice %arg9[%select_n3A_202, %swap3A_1978, %swap3A_1979] : memref<2x256x64xf32, #tpu.memory_space<vmem>> -> memref<1x256x64xf32, #tpu.memory_space<vmem>>
        %swap3A_1981 = tpu.memref_squeeze %swap3A_1980 : memref<1x256x64xf32, #tpu.memory_space<vmem>> -> memref<256x64xf32, #tpu.memory_space<vmem>>
        %swap3A_1982 = arith.index_cast %add3A_1345 : i32 to index
        %swap3A_1983 = arith.constant 48 : index
        %swap3A_1984 = tpu.vector_load %swap3A_1981[%swap3A_1982, %swap3A_1983] {strides = array<i32>} : memref<256x64xf32, #tpu.memory_space<vmem>>, vector<16xf32>,
        tpu.vector_store %swap3A_1981[%swap3A_1982, %swap3A_1983], %add3A_1977 {strides = array<i32>} : memref<256x64xf32, #tpu.memory_space<vmem>>, vector<16xf32>,
        %slice3A_1985 = vector.extract_strided_slice %masked_cumsum3A_1650 {offsets = [15], sizes = [1], strides = [1]} : vector<16xf32> to vector<1xf32>
        %squeeze3A_1986 = vector.extract %slice3A_1985[0] : f32 from vector<1xf32>
        %mul3A_1987 = arith.constant 1.562500e-02 : f32
        %mul3A_1988 = arith.mulf %squeeze3A_1986, %mul3A_1987 : f32
        %slice3A_1989 = vector.extract_strided_slice %masked_cumsum3A_1653 {offsets = [15], sizes = [1], strides = [1]} : vector<16xf32> to vector<1xf32>
        %squeeze3A_1990 = vector.extract %slice3A_1989[0] : f32 from vector<1xf32>
        %mul3A_1991 = arith.constant 1.562500e-02 : f32
        %mul3A_1992 = arith.mulf %squeeze3A_1990, %mul3A_1991 : f32
        %mul3A_1993 = arith.mulf %mul3A_1988, %mul3A_1988 : f32
        %sub3A_1994 = arith.subf %mul3A_1992, %mul3A_1993 : f32
        %max3A_1995 = arith.constant 0.000000e+00 : f32
        %max3A_1996 = arith.maximumf %sub3A_1994, %max3A_1995 : f32
        %add3A_1997 = arith.constant 9.99999974E-6 : f32
        %add3A_1998 = arith.addf %max3A_1996, %add3A_1997 : f32
        %bitcast_convert_type3A_1999 = arith.bitcast %add3A_1998 : f32 to i32
        %shift_right_logical3A_2000 = arith.constant 1 : i32
        %shift_right_logical3A_2001 = arith.shrui %bitcast_convert_type3A_1999, %shift_right_logical3A_2000 : i32
        %sub3A_2002 = arith.constant 1597463007 : i32
        %sub3A_2003 = arith.subi %sub3A_2002, %shift_right_logical3A_2001 : i32
        %bitcast_convert_type3A_2004 = arith.bitcast %sub3A_2003 : i32 to f32
        %mul3A_2005 = arith.constant 5.000000e-01 : f32
        %mul3A_2006 = arith.mulf %mul3A_2005, %add3A_1998 : f32
        %mul3A_2007 = arith.mulf %mul3A_2006, %bitcast_convert_type3A_2004 : f32
        %mul3A_2008 = arith.mulf %mul3A_2007, %bitcast_convert_type3A_2004 : f32
        %sub3A_2009 = arith.constant 1.500000e+00 : f32
        %sub3A_2010 = arith.subf %sub3A_2009, %mul3A_2008 : f32
        %mul3A_2011 = arith.mulf %bitcast_convert_type3A_2004, %sub3A_2010 : f32
        %mul3A_2012 = arith.constant 5.000000e-01 : f32
        %mul3A_2013 = arith.mulf %mul3A_2012, %add3A_1998 : f32
        %mul3A_2014 = arith.mulf %mul3A_2013, %mul3A_2011 : f32
        %mul3A_2015 = arith.mulf %mul3A_2014, %mul3A_2011 : f32
        %sub3A_2016 = arith.constant 1.500000e+00 : f32
        %sub3A_2017 = arith.subf %sub3A_2016, %mul3A_2015 : f32
        %mul3A_2018 = arith.mulf %mul3A_2011, %sub3A_2017 : f32
        %mul3A_2019 = arith.constant 5.000000e-01 : f32
        %mul3A_2020 = arith.mulf %mul3A_2019, %add3A_1998 : f32
        %mul3A_2021 = arith.mulf %mul3A_2020, %mul3A_2018 : f32
        %mul3A_2022 = arith.mulf %mul3A_2021, %mul3A_2018 : f32
        %sub3A_2023 = arith.constant 1.500000e+00 : f32
        %sub3A_2024 = arith.subf %sub3A_2023, %mul3A_2022 : f32
        %mul3A_2025 = arith.mulf %mul3A_2018, %sub3A_2024 : f32
        %add3A_2026 = vector.broadcast %mul3A_1988 : f32 to vector<16xf32>
        %add3A_2027 = arith.addf %broadcast_in_dim3A_23, %add3A_2026 : vector<16xf32>
        %add3A_2028 = vector.broadcast %mul3A_2025 : f32 to vector<16xf32>
        %add3A_2029 = arith.addf %broadcast_in_dim3A_23, %add3A_2028 : vector<16xf32>
        %sub3A_2030 = arith.subf %get3A_1456, %add3A_2027 : vector<16xf32>
        %mul3A_2031 = arith.mulf %sub3A_2030, %add3A_2029 : vector<16xf32>
        %mul3A_2032 = arith.mulf %mul3A_2031, %get3A_1 : vector<16xf32>
        %add3A_2033 = arith.addf %mul3A_2032, %get3A_9 : vector<16xf32>
        %swap3A_2034 = arith.constant 0 : i32
        %swap3A_2035 = arith.constant 0 : i32
        %swap3A_2036 = tpu.memref_slice %arg9[%select_n3A_202, %swap3A_2034, %swap3A_2035] : memref<2x256x64xf32, #tpu.memory_space<vmem>> -> memref<1x256x64xf32, #tpu.memory_space<vmem>>
        %swap3A_2037 = tpu.memref_squeeze %swap3A_2036 : memref<1x256x64xf32, #tpu.memory_space<vmem>> -> memref<256x64xf32, #tpu.memory_space<vmem>>
        %swap3A_2038 = arith.index_cast %add3A_1349 : i32 to index
        %swap3A_2039 = arith.constant 0 : index
        %swap3A_2040 = tpu.vector_load %swap3A_2037[%swap3A_2038, %swap3A_2039] {strides = array<i32>} : memref<256x64xf32, #tpu.memory_space<vmem>>, vector<16xf32>,
        tpu.vector_store %swap3A_2037[%swap3A_2038, %swap3A_2039], %add3A_2033 {strides = array<i32>} : memref<256x64xf32, #tpu.memory_space<vmem>>, vector<16xf32>,
        %sub3A_2041 = arith.subf %get3A_1463, %add3A_2027 : vector<16xf32>
        %mul3A_2042 = arith.mulf %sub3A_2041, %add3A_2029 : vector<16xf32>
        %mul3A_2043 = arith.mulf %mul3A_2042, %get3A_3 : vector<16xf32>
        %add3A_2044 = arith.addf %mul3A_2043, %get3A_11 : vector<16xf32>
        %swap3A_2045 = arith.constant 0 : i32
        %swap3A_2046 = arith.constant 0 : i32
        %swap3A_2047 = tpu.memref_slice %arg9[%select_n3A_202, %swap3A_2045, %swap3A_2046] : memref<2x256x64xf32, #tpu.memory_space<vmem>> -> memref<1x256x64xf32, #tpu.memory_space<vmem>>
        %swap3A_2048 = tpu.memref_squeeze %swap3A_2047 : memref<1x256x64xf32, #tpu.memory_space<vmem>> -> memref<256x64xf32, #tpu.memory_space<vmem>>
        %swap3A_2049 = arith.index_cast %add3A_1349 : i32 to index
        %swap3A_2050 = arith.constant 16 : index
        %swap3A_2051 = tpu.vector_load %swap3A_2048[%swap3A_2049, %swap3A_2050] {strides = array<i32>} : memref<256x64xf32, #tpu.memory_space<vmem>>, vector<16xf32>,
        tpu.vector_store %swap3A_2048[%swap3A_2049, %swap3A_2050], %add3A_2044 {strides = array<i32>} : memref<256x64xf32, #tpu.memory_space<vmem>>, vector<16xf32>,
        %sub3A_2052 = arith.subf %get3A_1470, %add3A_2027 : vector<16xf32>
        %mul3A_2053 = arith.mulf %sub3A_2052, %add3A_2029 : vector<16xf32>
        %mul3A_2054 = arith.mulf %mul3A_2053, %get3A_5 : vector<16xf32>
        %add3A_2055 = arith.addf %mul3A_2054, %get3A_13 : vector<16xf32>
        %swap3A_2056 = arith.constant 0 : i32
        %swap3A_2057 = arith.constant 0 : i32
        %swap3A_2058 = tpu.memref_slice %arg9[%select_n3A_202, %swap3A_2056, %swap3A_2057] : memref<2x256x64xf32, #tpu.memory_space<vmem>> -> memref<1x256x64xf32, #tpu.memory_space<vmem>>
        %swap3A_2059 = tpu.memref_squeeze %swap3A_2058 : memref<1x256x64xf32, #tpu.memory_space<vmem>> -> memref<256x64xf32, #tpu.memory_space<vmem>>
        %swap3A_2060 = arith.index_cast %add3A_1349 : i32 to index
        %swap3A_2061 = arith.constant 32 : index
        %swap3A_2062 = tpu.vector_load %swap3A_2059[%swap3A_2060, %swap3A_2061] {strides = array<i32>} : memref<256x64xf32, #tpu.memory_space<vmem>>, vector<16xf32>,
        tpu.vector_store %swap3A_2059[%swap3A_2060, %swap3A_2061], %add3A_2055 {strides = array<i32>} : memref<256x64xf32, #tpu.memory_space<vmem>>, vector<16xf32>,
        %sub3A_2063 = arith.subf %get3A_1477, %add3A_2027 : vector<16xf32>
        %mul3A_2064 = arith.mulf %sub3A_2063, %add3A_2029 : vector<16xf32>
        %mul3A_2065 = arith.mulf %mul3A_2064, %get3A_7 : vector<16xf32>
        %add3A_2066 = arith.addf %mul3A_2065, %get3A_15 : vector<16xf32>
        %swap3A_2067 = arith.constant 0 : i32
        %swap3A_2068 = arith.constant 0 : i32
        %swap3A_2069 = tpu.memref_slice %arg9[%select_n3A_202, %swap3A_2067, %swap3A_2068] : memref<2x256x64xf32, #tpu.memory_space<vmem>> -> memref<1x256x64xf32, #tpu.memory_space<vmem>>
        %swap3A_2070 = tpu.memref_squeeze %swap3A_2069 : memref<1x256x64xf32, #tpu.memory_space<vmem>> -> memref<256x64xf32, #tpu.memory_space<vmem>>
        %swap3A_2071 = arith.index_cast %add3A_1349 : i32 to index
        %swap3A_2072 = arith.constant 48 : index
        %swap3A_2073 = tpu.vector_load %swap3A_2070[%swap3A_2071, %swap3A_2072] {strides = array<i32>} : memref<256x64xf32, #tpu.memory_space<vmem>>, vector<16xf32>,
        tpu.vector_store %swap3A_2070[%swap3A_2071, %swap3A_2072], %add3A_2066 {strides = array<i32>} : memref<256x64xf32, #tpu.memory_space<vmem>>, vector<16xf32>,
        %slice3A_2074 = vector.extract_strided_slice %masked_cumsum3A_1666 {offsets = [15], sizes = [1], strides = [1]} : vector<16xf32> to vector<1xf32>
        %squeeze3A_2075 = vector.extract %slice3A_2074[0] : f32 from vector<1xf32>
        %mul3A_2076 = arith.constant 1.562500e-02 : f32
        %mul3A_2077 = arith.mulf %squeeze3A_2075, %mul3A_2076 : f32
        %slice3A_2078 = vector.extract_strided_slice %masked_cumsum3A_1669 {offsets = [15], sizes = [1], strides = [1]} : vector<16xf32> to vector<1xf32>
        %squeeze3A_2079 = vector.extract %slice3A_2078[0] : f32 from vector<1xf32>
        %mul3A_2080 = arith.constant 1.562500e-02 : f32
        %mul3A_2081 = arith.mulf %squeeze3A_2079, %mul3A_2080 : f32
        %mul3A_2082 = arith.mulf %mul3A_2077, %mul3A_2077 : f32
        %sub3A_2083 = arith.subf %mul3A_2081, %mul3A_2082 : f32
        %max3A_2084 = arith.constant 0.000000e+00 : f32
        %max3A_2085 = arith.maximumf %sub3A_2083, %max3A_2084 : f32
        %add3A_2086 = arith.constant 9.99999974E-6 : f32
        %add3A_2087 = arith.addf %max3A_2085, %add3A_2086 : f32
        %bitcast_convert_type3A_2088 = arith.bitcast %add3A_2087 : f32 to i32
        %shift_right_logical3A_2089 = arith.constant 1 : i32
        %shift_right_logical3A_2090 = arith.shrui %bitcast_convert_type3A_2088, %shift_right_logical3A_2089 : i32
        %sub3A_2091 = arith.constant 1597463007 : i32
        %sub3A_2092 = arith.subi %sub3A_2091, %shift_right_logical3A_2090 : i32
        %bitcast_convert_type3A_2093 = arith.bitcast %sub3A_2092 : i32 to f32
        %mul3A_2094 = arith.constant 5.000000e-01 : f32
        %mul3A_2095 = arith.mulf %mul3A_2094, %add3A_2087 : f32
        %mul3A_2096 = arith.mulf %mul3A_2095, %bitcast_convert_type3A_2093 : f32
        %mul3A_2097 = arith.mulf %mul3A_2096, %bitcast_convert_type3A_2093 : f32
        %sub3A_2098 = arith.constant 1.500000e+00 : f32
        %sub3A_2099 = arith.subf %sub3A_2098, %mul3A_2097 : f32
        %mul3A_2100 = arith.mulf %bitcast_convert_type3A_2093, %sub3A_2099 : f32
        %mul3A_2101 = arith.constant 5.000000e-01 : f32
        %mul3A_2102 = arith.mulf %mul3A_2101, %add3A_2087 : f32
        %mul3A_2103 = arith.mulf %mul3A_2102, %mul3A_2100 : f32
        %mul3A_2104 = arith.mulf %mul3A_2103, %mul3A_2100 : f32
        %sub3A_2105 = arith.constant 1.500000e+00 : f32
        %sub3A_2106 = arith.subf %sub3A_2105, %mul3A_2104 : f32
        %mul3A_2107 = arith.mulf %mul3A_2100, %sub3A_2106 : f32
        %mul3A_2108 = arith.constant 5.000000e-01 : f32
        %mul3A_2109 = arith.mulf %mul3A_2108, %add3A_2087 : f32
        %mul3A_2110 = arith.mulf %mul3A_2109, %mul3A_2107 : f32
        %mul3A_2111 = arith.mulf %mul3A_2110, %mul3A_2107 : f32
        %sub3A_2112 = arith.constant 1.500000e+00 : f32
        %sub3A_2113 = arith.subf %sub3A_2112, %mul3A_2111 : f32
        %mul3A_2114 = arith.mulf %mul3A_2107, %sub3A_2113 : f32
        %add3A_2115 = vector.broadcast %mul3A_2077 : f32 to vector<16xf32>
        %add3A_2116 = arith.addf %broadcast_in_dim3A_23, %add3A_2115 : vector<16xf32>
        %add3A_2117 = vector.broadcast %mul3A_2114 : f32 to vector<16xf32>
        %add3A_2118 = arith.addf %broadcast_in_dim3A_23, %add3A_2117 : vector<16xf32>
        %sub3A_2119 = arith.subf %get3A_1484, %add3A_2116 : vector<16xf32>
        %mul3A_2120 = arith.mulf %sub3A_2119, %add3A_2118 : vector<16xf32>
        %mul3A_2121 = arith.mulf %mul3A_2120, %get3A_1 : vector<16xf32>
        %add3A_2122 = arith.addf %mul3A_2121, %get3A_9 : vector<16xf32>
        %swap3A_2123 = arith.constant 0 : i32
        %swap3A_2124 = arith.constant 0 : i32
        %swap3A_2125 = tpu.memref_slice %arg9[%select_n3A_202, %swap3A_2123, %swap3A_2124] : memref<2x256x64xf32, #tpu.memory_space<vmem>> -> memref<1x256x64xf32, #tpu.memory_space<vmem>>
        %swap3A_2126 = tpu.memref_squeeze %swap3A_2125 : memref<1x256x64xf32, #tpu.memory_space<vmem>> -> memref<256x64xf32, #tpu.memory_space<vmem>>
        %swap3A_2127 = arith.index_cast %add3A_1353 : i32 to index
        %swap3A_2128 = arith.constant 0 : index
        %swap3A_2129 = tpu.vector_load %swap3A_2126[%swap3A_2127, %swap3A_2128] {strides = array<i32>} : memref<256x64xf32, #tpu.memory_space<vmem>>, vector<16xf32>,
        tpu.vector_store %swap3A_2126[%swap3A_2127, %swap3A_2128], %add3A_2122 {strides = array<i32>} : memref<256x64xf32, #tpu.memory_space<vmem>>, vector<16xf32>,
        %sub3A_2130 = arith.subf %get3A_1491, %add3A_2116 : vector<16xf32>
        %mul3A_2131 = arith.mulf %sub3A_2130, %add3A_2118 : vector<16xf32>
        %mul3A_2132 = arith.mulf %mul3A_2131, %get3A_3 : vector<16xf32>
        %add3A_2133 = arith.addf %mul3A_2132, %get3A_11 : vector<16xf32>
        %swap3A_2134 = arith.constant 0 : i32
        %swap3A_2135 = arith.constant 0 : i32
        %swap3A_2136 = tpu.memref_slice %arg9[%select_n3A_202, %swap3A_2134, %swap3A_2135] : memref<2x256x64xf32, #tpu.memory_space<vmem>> -> memref<1x256x64xf32, #tpu.memory_space<vmem>>
        %swap3A_2137 = tpu.memref_squeeze %swap3A_2136 : memref<1x256x64xf32, #tpu.memory_space<vmem>> -> memref<256x64xf32, #tpu.memory_space<vmem>>
        %swap3A_2138 = arith.index_cast %add3A_1353 : i32 to index
        %swap3A_2139 = arith.constant 16 : index
        %swap3A_2140 = tpu.vector_load %swap3A_2137[%swap3A_2138, %swap3A_2139] {strides = array<i32>} : memref<256x64xf32, #tpu.memory_space<vmem>>, vector<16xf32>,
        tpu.vector_store %swap3A_2137[%swap3A_2138, %swap3A_2139], %add3A_2133 {strides = array<i32>} : memref<256x64xf32, #tpu.memory_space<vmem>>, vector<16xf32>,
        %sub3A_2141 = arith.subf %get3A_1498, %add3A_2116 : vector<16xf32>
        %mul3A_2142 = arith.mulf %sub3A_2141, %add3A_2118 : vector<16xf32>
        %mul3A_2143 = arith.mulf %mul3A_2142, %get3A_5 : vector<16xf32>
        %add3A_2144 = arith.addf %mul3A_2143, %get3A_13 : vector<16xf32>
        %swap3A_2145 = arith.constant 0 : i32
        %swap3A_2146 = arith.constant 0 : i32
        %swap3A_2147 = tpu.memref_slice %arg9[%select_n3A_202, %swap3A_2145, %swap3A_2146] : memref<2x256x64xf32, #tpu.memory_space<vmem>> -> memref<1x256x64xf32, #tpu.memory_space<vmem>>
        %swap3A_2148 = tpu.memref_squeeze %swap3A_2147 : memref<1x256x64xf32, #tpu.memory_space<vmem>> -> memref<256x64xf32, #tpu.memory_space<vmem>>
        %swap3A_2149 = arith.index_cast %add3A_1353 : i32 to index
        %swap3A_2150 = arith.constant 32 : index
        %swap3A_2151 = tpu.vector_load %swap3A_2148[%swap3A_2149, %swap3A_2150] {strides = array<i32>} : memref<256x64xf32, #tpu.memory_space<vmem>>, vector<16xf32>,
        tpu.vector_store %swap3A_2148[%swap3A_2149, %swap3A_2150], %add3A_2144 {strides = array<i32>} : memref<256x64xf32, #tpu.memory_space<vmem>>, vector<16xf32>,
        %sub3A_2152 = arith.subf %get3A_1505, %add3A_2116 : vector<16xf32>
        %mul3A_2153 = arith.mulf %sub3A_2152, %add3A_2118 : vector<16xf32>
        %mul3A_2154 = arith.mulf %mul3A_2153, %get3A_7 : vector<16xf32>
        %add3A_2155 = arith.addf %mul3A_2154, %get3A_15 : vector<16xf32>
        %swap3A_2156 = arith.constant 0 : i32
        %swap3A_2157 = arith.constant 0 : i32
        %swap3A_2158 = tpu.memref_slice %arg9[%select_n3A_202, %swap3A_2156, %swap3A_2157] : memref<2x256x64xf32, #tpu.memory_space<vmem>> -> memref<1x256x64xf32, #tpu.memory_space<vmem>>
        %swap3A_2159 = tpu.memref_squeeze %swap3A_2158 : memref<1x256x64xf32, #tpu.memory_space<vmem>> -> memref<256x64xf32, #tpu.memory_space<vmem>>
        %swap3A_2160 = arith.index_cast %add3A_1353 : i32 to index
        %swap3A_2161 = arith.constant 48 : index
        %swap3A_2162 = tpu.vector_load %swap3A_2159[%swap3A_2160, %swap3A_2161] {strides = array<i32>} : memref<256x64xf32, #tpu.memory_space<vmem>>, vector<16xf32>,
        tpu.vector_store %swap3A_2159[%swap3A_2160, %swap3A_2161], %add3A_2155 {strides = array<i32>} : memref<256x64xf32, #tpu.memory_space<vmem>>, vector<16xf32>,
        %slice3A_2163 = vector.extract_strided_slice %masked_cumsum3A_1682 {offsets = [15], sizes = [1], strides = [1]} : vector<16xf32> to vector<1xf32>
        %squeeze3A_2164 = vector.extract %slice3A_2163[0] : f32 from vector<1xf32>
        %mul3A_2165 = arith.constant 1.562500e-02 : f32
        %mul3A_2166 = arith.mulf %squeeze3A_2164, %mul3A_2165 : f32
        %slice3A_2167 = vector.extract_strided_slice %masked_cumsum3A_1685 {offsets = [15], sizes = [1], strides = [1]} : vector<16xf32> to vector<1xf32>
        %squeeze3A_2168 = vector.extract %slice3A_2167[0] : f32 from vector<1xf32>
        %mul3A_2169 = arith.constant 1.562500e-02 : f32
        %mul3A_2170 = arith.mulf %squeeze3A_2168, %mul3A_2169 : f32
        %mul3A_2171 = arith.mulf %mul3A_2166, %mul3A_2166 : f32
        %sub3A_2172 = arith.subf %mul3A_2170, %mul3A_2171 : f32
        %max3A_2173 = arith.constant 0.000000e+00 : f32
        %max3A_2174 = arith.maximumf %sub3A_2172, %max3A_2173 : f32
        %add3A_2175 = arith.constant 9.99999974E-6 : f32
        %add3A_2176 = arith.addf %max3A_2174, %add3A_2175 : f32
        %bitcast_convert_type3A_2177 = arith.bitcast %add3A_2176 : f32 to i32
        %shift_right_logical3A_2178 = arith.constant 1 : i32
        %shift_right_logical3A_2179 = arith.shrui %bitcast_convert_type3A_2177, %shift_right_logical3A_2178 : i32
        %sub3A_2180 = arith.constant 1597463007 : i32
        %sub3A_2181 = arith.subi %sub3A_2180, %shift_right_logical3A_2179 : i32
        %bitcast_convert_type3A_2182 = arith.bitcast %sub3A_2181 : i32 to f32
        %mul3A_2183 = arith.constant 5.000000e-01 : f32
        %mul3A_2184 = arith.mulf %mul3A_2183, %add3A_2176 : f32
        %mul3A_2185 = arith.mulf %mul3A_2184, %bitcast_convert_type3A_2182 : f32
        %mul3A_2186 = arith.mulf %mul3A_2185, %bitcast_convert_type3A_2182 : f32
        %sub3A_2187 = arith.constant 1.500000e+00 : f32
        %sub3A_2188 = arith.subf %sub3A_2187, %mul3A_2186 : f32
        %mul3A_2189 = arith.mulf %bitcast_convert_type3A_2182, %sub3A_2188 : f32
        %mul3A_2190 = arith.constant 5.000000e-01 : f32
        %mul3A_2191 = arith.mulf %mul3A_2190, %add3A_2176 : f32
        %mul3A_2192 = arith.mulf %mul3A_2191, %mul3A_2189 : f32
        %mul3A_2193 = arith.mulf %mul3A_2192, %mul3A_2189 : f32
        %sub3A_2194 = arith.constant 1.500000e+00 : f32
        %sub3A_2195 = arith.subf %sub3A_2194, %mul3A_2193 : f32
        %mul3A_2196 = arith.mulf %mul3A_2189, %sub3A_2195 : f32
        %mul3A_2197 = arith.constant 5.000000e-01 : f32
        %mul3A_2198 = arith.mulf %mul3A_2197, %add3A_2176 : f32
        %mul3A_2199 = arith.mulf %mul3A_2198, %mul3A_2196 : f32
        %mul3A_2200 = arith.mulf %mul3A_2199, %mul3A_2196 : f32
        %sub3A_2201 = arith.constant 1.500000e+00 : f32
        %sub3A_2202 = arith.subf %sub3A_2201, %mul3A_2200 : f32
        %mul3A_2203 = arith.mulf %mul3A_2196, %sub3A_2202 : f32
        %add3A_2204 = vector.broadcast %mul3A_2166 : f32 to vector<16xf32>
        %add3A_2205 = arith.addf %broadcast_in_dim3A_23, %add3A_2204 : vector<16xf32>
        %add3A_2206 = vector.broadcast %mul3A_2203 : f32 to vector<16xf32>
        %add3A_2207 = arith.addf %broadcast_in_dim3A_23, %add3A_2206 : vector<16xf32>
        %sub3A_2208 = arith.subf %get3A_1512, %add3A_2205 : vector<16xf32>
        %mul3A_2209 = arith.mulf %sub3A_2208, %add3A_2207 : vector<16xf32>
        %mul3A_2210 = arith.mulf %mul3A_2209, %get3A_1 : vector<16xf32>
        %add3A_2211 = arith.addf %mul3A_2210, %get3A_9 : vector<16xf32>
        %swap3A_2212 = arith.constant 0 : i32
        %swap3A_2213 = arith.constant 0 : i32
        %swap3A_2214 = tpu.memref_slice %arg9[%select_n3A_202, %swap3A_2212, %swap3A_2213] : memref<2x256x64xf32, #tpu.memory_space<vmem>> -> memref<1x256x64xf32, #tpu.memory_space<vmem>>
        %swap3A_2215 = tpu.memref_squeeze %swap3A_2214 : memref<1x256x64xf32, #tpu.memory_space<vmem>> -> memref<256x64xf32, #tpu.memory_space<vmem>>
        %swap3A_2216 = arith.index_cast %add3A_1357 : i32 to index
        %swap3A_2217 = arith.constant 0 : index
        %swap3A_2218 = tpu.vector_load %swap3A_2215[%swap3A_2216, %swap3A_2217] {strides = array<i32>} : memref<256x64xf32, #tpu.memory_space<vmem>>, vector<16xf32>,
        tpu.vector_store %swap3A_2215[%swap3A_2216, %swap3A_2217], %add3A_2211 {strides = array<i32>} : memref<256x64xf32, #tpu.memory_space<vmem>>, vector<16xf32>,
        %sub3A_2219 = arith.subf %get3A_1519, %add3A_2205 : vector<16xf32>
        %mul3A_2220 = arith.mulf %sub3A_2219, %add3A_2207 : vector<16xf32>
        %mul3A_2221 = arith.mulf %mul3A_2220, %get3A_3 : vector<16xf32>
        %add3A_2222 = arith.addf %mul3A_2221, %get3A_11 : vector<16xf32>
        %swap3A_2223 = arith.constant 0 : i32
        %swap3A_2224 = arith.constant 0 : i32
        %swap3A_2225 = tpu.memref_slice %arg9[%select_n3A_202, %swap3A_2223, %swap3A_2224] : memref<2x256x64xf32, #tpu.memory_space<vmem>> -> memref<1x256x64xf32, #tpu.memory_space<vmem>>
        %swap3A_2226 = tpu.memref_squeeze %swap3A_2225 : memref<1x256x64xf32, #tpu.memory_space<vmem>> -> memref<256x64xf32, #tpu.memory_space<vmem>>
        %swap3A_2227 = arith.index_cast %add3A_1357 : i32 to index
        %swap3A_2228 = arith.constant 16 : index
        %swap3A_2229 = tpu.vector_load %swap3A_2226[%swap3A_2227, %swap3A_2228] {strides = array<i32>} : memref<256x64xf32, #tpu.memory_space<vmem>>, vector<16xf32>,
        tpu.vector_store %swap3A_2226[%swap3A_2227, %swap3A_2228], %add3A_2222 {strides = array<i32>} : memref<256x64xf32, #tpu.memory_space<vmem>>, vector<16xf32>,
        %sub3A_2230 = arith.subf %get3A_1526, %add3A_2205 : vector<16xf32>
        %mul3A_2231 = arith.mulf %sub3A_2230, %add3A_2207 : vector<16xf32>
        %mul3A_2232 = arith.mulf %mul3A_2231, %get3A_5 : vector<16xf32>
        %add3A_2233 = arith.addf %mul3A_2232, %get3A_13 : vector<16xf32>
        %swap3A_2234 = arith.constant 0 : i32
        %swap3A_2235 = arith.constant 0 : i32
        %swap3A_2236 = tpu.memref_slice %arg9[%select_n3A_202, %swap3A_2234, %swap3A_2235] : memref<2x256x64xf32, #tpu.memory_space<vmem>> -> memref<1x256x64xf32, #tpu.memory_space<vmem>>
        %swap3A_2237 = tpu.memref_squeeze %swap3A_2236 : memref<1x256x64xf32, #tpu.memory_space<vmem>> -> memref<256x64xf32, #tpu.memory_space<vmem>>
        %swap3A_2238 = arith.index_cast %add3A_1357 : i32 to index
        %swap3A_2239 = arith.constant 32 : index
        %swap3A_2240 = tpu.vector_load %swap3A_2237[%swap3A_2238, %swap3A_2239] {strides = array<i32>} : memref<256x64xf32, #tpu.memory_space<vmem>>, vector<16xf32>,
        tpu.vector_store %swap3A_2237[%swap3A_2238, %swap3A_2239], %add3A_2233 {strides = array<i32>} : memref<256x64xf32, #tpu.memory_space<vmem>>, vector<16xf32>,
        %sub3A_2241 = arith.subf %get3A_1533, %add3A_2205 : vector<16xf32>
        %mul3A_2242 = arith.mulf %sub3A_2241, %add3A_2207 : vector<16xf32>
        %mul3A_2243 = arith.mulf %mul3A_2242, %get3A_7 : vector<16xf32>
        %add3A_2244 = arith.addf %mul3A_2243, %get3A_15 : vector<16xf32>
        %swap3A_2245 = arith.constant 0 : i32
        %swap3A_2246 = arith.constant 0 : i32
        %swap3A_2247 = tpu.memref_slice %arg9[%select_n3A_202, %swap3A_2245, %swap3A_2246] : memref<2x256x64xf32, #tpu.memory_space<vmem>> -> memref<1x256x64xf32, #tpu.memory_space<vmem>>
        %swap3A_2248 = tpu.memref_squeeze %swap3A_2247 : memref<1x256x64xf32, #tpu.memory_space<vmem>> -> memref<256x64xf32, #tpu.memory_space<vmem>>
        %swap3A_2249 = arith.index_cast %add3A_1357 : i32 to index
        %swap3A_2250 = arith.constant 48 : index
        %swap3A_2251 = tpu.vector_load %swap3A_2248[%swap3A_2249, %swap3A_2250] {strides = array<i32>} : memref<256x64xf32, #tpu.memory_space<vmem>>, vector<16xf32>,
        tpu.vector_store %swap3A_2248[%swap3A_2249, %swap3A_2250], %add3A_2244 {strides = array<i32>} : memref<256x64xf32, #tpu.memory_space<vmem>>, vector<16xf32>,
        %slice3A_2252 = vector.extract_strided_slice %masked_cumsum3A_1698 {offsets = [15], sizes = [1], strides = [1]} : vector<16xf32> to vector<1xf32>
        %squeeze3A_2253 = vector.extract %slice3A_2252[0] : f32 from vector<1xf32>
        %mul3A_2254 = arith.constant 1.562500e-02 : f32
        %mul3A_2255 = arith.mulf %squeeze3A_2253, %mul3A_2254 : f32
        %slice3A_2256 = vector.extract_strided_slice %masked_cumsum3A_1701 {offsets = [15], sizes = [1], strides = [1]} : vector<16xf32> to vector<1xf32>
        %squeeze3A_2257 = vector.extract %slice3A_2256[0] : f32 from vector<1xf32>
        %mul3A_2258 = arith.constant 1.562500e-02 : f32
        %mul3A_2259 = arith.mulf %squeeze3A_2257, %mul3A_2258 : f32
        %mul3A_2260 = arith.mulf %mul3A_2255, %mul3A_2255 : f32
        %sub3A_2261 = arith.subf %mul3A_2259, %mul3A_2260 : f32
        %max3A_2262 = arith.constant 0.000000e+00 : f32
        %max3A_2263 = arith.maximumf %sub3A_2261, %max3A_2262 : f32
        %add3A_2264 = arith.constant 9.99999974E-6 : f32
        %add3A_2265 = arith.addf %max3A_2263, %add3A_2264 : f32
        %bitcast_convert_type3A_2266 = arith.bitcast %add3A_2265 : f32 to i32
        %shift_right_logical3A_2267 = arith.constant 1 : i32
        %shift_right_logical3A_2268 = arith.shrui %bitcast_convert_type3A_2266, %shift_right_logical3A_2267 : i32
        %sub3A_2269 = arith.constant 1597463007 : i32
        %sub3A_2270 = arith.subi %sub3A_2269, %shift_right_logical3A_2268 : i32
        %bitcast_convert_type3A_2271 = arith.bitcast %sub3A_2270 : i32 to f32
        %mul3A_2272 = arith.constant 5.000000e-01 : f32
        %mul3A_2273 = arith.mulf %mul3A_2272, %add3A_2265 : f32
        %mul3A_2274 = arith.mulf %mul3A_2273, %bitcast_convert_type3A_2271 : f32
        %mul3A_2275 = arith.mulf %mul3A_2274, %bitcast_convert_type3A_2271 : f32
        %sub3A_2276 = arith.constant 1.500000e+00 : f32
        %sub3A_2277 = arith.subf %sub3A_2276, %mul3A_2275 : f32
        %mul3A_2278 = arith.mulf %bitcast_convert_type3A_2271, %sub3A_2277 : f32
        %mul3A_2279 = arith.constant 5.000000e-01 : f32
        %mul3A_2280 = arith.mulf %mul3A_2279, %add3A_2265 : f32
        %mul3A_2281 = arith.mulf %mul3A_2280, %mul3A_2278 : f32
        %mul3A_2282 = arith.mulf %mul3A_2281, %mul3A_2278 : f32
        %sub3A_2283 = arith.constant 1.500000e+00 : f32
        %sub3A_2284 = arith.subf %sub3A_2283, %mul3A_2282 : f32
        %mul3A_2285 = arith.mulf %mul3A_2278, %sub3A_2284 : f32
        %mul3A_2286 = arith.constant 5.000000e-01 : f32
        %mul3A_2287 = arith.mulf %mul3A_2286, %add3A_2265 : f32
        %mul3A_2288 = arith.mulf %mul3A_2287, %mul3A_2285 : f32
        %mul3A_2289 = arith.mulf %mul3A_2288, %mul3A_2285 : f32
        %sub3A_2290 = arith.constant 1.500000e+00 : f32
        %sub3A_2291 = arith.subf %sub3A_2290, %mul3A_2289 : f32
        %mul3A_2292 = arith.mulf %mul3A_2285, %sub3A_2291 : f32
        %add3A_2293 = vector.broadcast %mul3A_2255 : f32 to vector<16xf32>
        %add3A_2294 = arith.addf %broadcast_in_dim3A_23, %add3A_2293 : vector<16xf32>
        %add3A_2295 = vector.broadcast %mul3A_2292 : f32 to vector<16xf32>
        %add3A_2296 = arith.addf %broadcast_in_dim3A_23, %add3A_2295 : vector<16xf32>
        %sub3A_2297 = arith.subf %get3A_1540, %add3A_2294 : vector<16xf32>
        %mul3A_2298 = arith.mulf %sub3A_2297, %add3A_2296 : vector<16xf32>
        %mul3A_2299 = arith.mulf %mul3A_2298, %get3A_1 : vector<16xf32>
        %add3A_2300 = arith.addf %mul3A_2299, %get3A_9 : vector<16xf32>
        %swap3A_2301 = arith.constant 0 : i32
        %swap3A_2302 = arith.constant 0 : i32
        %swap3A_2303 = tpu.memref_slice %arg9[%select_n3A_202, %swap3A_2301, %swap3A_2302] : memref<2x256x64xf32, #tpu.memory_space<vmem>> -> memref<1x256x64xf32, #tpu.memory_space<vmem>>
        %swap3A_2304 = tpu.memref_squeeze %swap3A_2303 : memref<1x256x64xf32, #tpu.memory_space<vmem>> -> memref<256x64xf32, #tpu.memory_space<vmem>>
        %swap3A_2305 = arith.index_cast %add3A_1361 : i32 to index
        %swap3A_2306 = arith.constant 0 : index
        %swap3A_2307 = tpu.vector_load %swap3A_2304[%swap3A_2305, %swap3A_2306] {strides = array<i32>} : memref<256x64xf32, #tpu.memory_space<vmem>>, vector<16xf32>,
        tpu.vector_store %swap3A_2304[%swap3A_2305, %swap3A_2306], %add3A_2300 {strides = array<i32>} : memref<256x64xf32, #tpu.memory_space<vmem>>, vector<16xf32>,
        %sub3A_2308 = arith.subf %get3A_1547, %add3A_2294 : vector<16xf32>
        %mul3A_2309 = arith.mulf %sub3A_2308, %add3A_2296 : vector<16xf32>
        %mul3A_2310 = arith.mulf %mul3A_2309, %get3A_3 : vector<16xf32>
        %add3A_2311 = arith.addf %mul3A_2310, %get3A_11 : vector<16xf32>
        %swap3A_2312 = arith.constant 0 : i32
        %swap3A_2313 = arith.constant 0 : i32
        %swap3A_2314 = tpu.memref_slice %arg9[%select_n3A_202, %swap3A_2312, %swap3A_2313] : memref<2x256x64xf32, #tpu.memory_space<vmem>> -> memref<1x256x64xf32, #tpu.memory_space<vmem>>
        %swap3A_2315 = tpu.memref_squeeze %swap3A_2314 : memref<1x256x64xf32, #tpu.memory_space<vmem>> -> memref<256x64xf32, #tpu.memory_space<vmem>>
        %swap3A_2316 = arith.index_cast %add3A_1361 : i32 to index
        %swap3A_2317 = arith.constant 16 : index
        %swap3A_2318 = tpu.vector_load %swap3A_2315[%swap3A_2316, %swap3A_2317] {strides = array<i32>} : memref<256x64xf32, #tpu.memory_space<vmem>>, vector<16xf32>,
        tpu.vector_store %swap3A_2315[%swap3A_2316, %swap3A_2317], %add3A_2311 {strides = array<i32>} : memref<256x64xf32, #tpu.memory_space<vmem>>, vector<16xf32>,
        %sub3A_2319 = arith.subf %get3A_1554, %add3A_2294 : vector<16xf32>
        %mul3A_2320 = arith.mulf %sub3A_2319, %add3A_2296 : vector<16xf32>
        %mul3A_2321 = arith.mulf %mul3A_2320, %get3A_5 : vector<16xf32>
        %add3A_2322 = arith.addf %mul3A_2321, %get3A_13 : vector<16xf32>
        %swap3A_2323 = arith.constant 0 : i32
        %swap3A_2324 = arith.constant 0 : i32
        %swap3A_2325 = tpu.memref_slice %arg9[%select_n3A_202, %swap3A_2323, %swap3A_2324] : memref<2x256x64xf32, #tpu.memory_space<vmem>> -> memref<1x256x64xf32, #tpu.memory_space<vmem>>
        %swap3A_2326 = tpu.memref_squeeze %swap3A_2325 : memref<1x256x64xf32, #tpu.memory_space<vmem>> -> memref<256x64xf32, #tpu.memory_space<vmem>>
        %swap3A_2327 = arith.index_cast %add3A_1361 : i32 to index
        %swap3A_2328 = arith.constant 32 : index
        %swap3A_2329 = tpu.vector_load %swap3A_2326[%swap3A_2327, %swap3A_2328] {strides = array<i32>} : memref<256x64xf32, #tpu.memory_space<vmem>>, vector<16xf32>,
        tpu.vector_store %swap3A_2326[%swap3A_2327, %swap3A_2328], %add3A_2322 {strides = array<i32>} : memref<256x64xf32, #tpu.memory_space<vmem>>, vector<16xf32>,
        %sub3A_2330 = arith.subf %get3A_1561, %add3A_2294 : vector<16xf32>
        %mul3A_2331 = arith.mulf %sub3A_2330, %add3A_2296 : vector<16xf32>
        %mul3A_2332 = arith.mulf %mul3A_2331, %get3A_7 : vector<16xf32>
        %add3A_2333 = arith.addf %mul3A_2332, %get3A_15 : vector<16xf32>
        %swap3A_2334 = arith.constant 0 : i32
        %swap3A_2335 = arith.constant 0 : i32
        %swap3A_2336 = tpu.memref_slice %arg9[%select_n3A_202, %swap3A_2334, %swap3A_2335] : memref<2x256x64xf32, #tpu.memory_space<vmem>> -> memref<1x256x64xf32, #tpu.memory_space<vmem>>
        %swap3A_2337 = tpu.memref_squeeze %swap3A_2336 : memref<1x256x64xf32, #tpu.memory_space<vmem>> -> memref<256x64xf32, #tpu.memory_space<vmem>>
        %swap3A_2338 = arith.index_cast %add3A_1361 : i32 to index
        %swap3A_2339 = arith.constant 48 : index
        %swap3A_2340 = tpu.vector_load %swap3A_2337[%swap3A_2338, %swap3A_2339] {strides = array<i32>} : memref<256x64xf32, #tpu.memory_space<vmem>>, vector<16xf32>,
        tpu.vector_store %swap3A_2337[%swap3A_2338, %swap3A_2339], %add3A_2333 {strides = array<i32>} : memref<256x64xf32, #tpu.memory_space<vmem>>, vector<16xf32>,
        %slice3A_2341 = vector.extract_strided_slice %masked_cumsum3A_1714 {offsets = [15], sizes = [1], strides = [1]} : vector<16xf32> to vector<1xf32>
        %squeeze3A_2342 = vector.extract %slice3A_2341[0] : f32 from vector<1xf32>
        %mul3A_2343 = arith.constant 1.562500e-02 : f32
        %mul3A_2344 = arith.mulf %squeeze3A_2342, %mul3A_2343 : f32
        %slice3A_2345 = vector.extract_strided_slice %masked_cumsum3A_1717 {offsets = [15], sizes = [1], strides = [1]} : vector<16xf32> to vector<1xf32>
        %squeeze3A_2346 = vector.extract %slice3A_2345[0] : f32 from vector<1xf32>
        %mul3A_2347 = arith.constant 1.562500e-02 : f32
        %mul3A_2348 = arith.mulf %squeeze3A_2346, %mul3A_2347 : f32
        %mul3A_2349 = arith.mulf %mul3A_2344, %mul3A_2344 : f32
        %sub3A_2350 = arith.subf %mul3A_2348, %mul3A_2349 : f32
        %max3A_2351 = arith.constant 0.000000e+00 : f32
        %max3A_2352 = arith.maximumf %sub3A_2350, %max3A_2351 : f32
        %add3A_2353 = arith.constant 9.99999974E-6 : f32
        %add3A_2354 = arith.addf %max3A_2352, %add3A_2353 : f32
        %bitcast_convert_type3A_2355 = arith.bitcast %add3A_2354 : f32 to i32
        %shift_right_logical3A_2356 = arith.constant 1 : i32
        %shift_right_logical3A_2357 = arith.shrui %bitcast_convert_type3A_2355, %shift_right_logical3A_2356 : i32
        %sub3A_2358 = arith.constant 1597463007 : i32
        %sub3A_2359 = arith.subi %sub3A_2358, %shift_right_logical3A_2357 : i32
        %bitcast_convert_type3A_2360 = arith.bitcast %sub3A_2359 : i32 to f32
        %mul3A_2361 = arith.constant 5.000000e-01 : f32
        %mul3A_2362 = arith.mulf %mul3A_2361, %add3A_2354 : f32
        %mul3A_2363 = arith.mulf %mul3A_2362, %bitcast_convert_type3A_2360 : f32
        %mul3A_2364 = arith.mulf %mul3A_2363, %bitcast_convert_type3A_2360 : f32
        %sub3A_2365 = arith.constant 1.500000e+00 : f32
        %sub3A_2366 = arith.subf %sub3A_2365, %mul3A_2364 : f32
        %mul3A_2367 = arith.mulf %bitcast_convert_type3A_2360, %sub3A_2366 : f32
        %mul3A_2368 = arith.constant 5.000000e-01 : f32
        %mul3A_2369 = arith.mulf %mul3A_2368, %add3A_2354 : f32
        %mul3A_2370 = arith.mulf %mul3A_2369, %mul3A_2367 : f32
        %mul3A_2371 = arith.mulf %mul3A_2370, %mul3A_2367 : f32
        %sub3A_2372 = arith.constant 1.500000e+00 : f32
        %sub3A_2373 = arith.subf %sub3A_2372, %mul3A_2371 : f32
        %mul3A_2374 = arith.mulf %mul3A_2367, %sub3A_2373 : f32
        %mul3A_2375 = arith.constant 5.000000e-01 : f32
        %mul3A_2376 = arith.mulf %mul3A_2375, %add3A_2354 : f32
        %mul3A_2377 = arith.mulf %mul3A_2376, %mul3A_2374 : f32
        %mul3A_2378 = arith.mulf %mul3A_2377, %mul3A_2374 : f32
        %sub3A_2379 = arith.constant 1.500000e+00 : f32
        %sub3A_2380 = arith.subf %sub3A_2379, %mul3A_2378 : f32
        %mul3A_2381 = arith.mulf %mul3A_2374, %sub3A_2380 : f32
        %add3A_2382 = vector.broadcast %mul3A_2344 : f32 to vector<16xf32>
        %add3A_2383 = arith.addf %broadcast_in_dim3A_23, %add3A_2382 : vector<16xf32>
        %add3A_2384 = vector.broadcast %mul3A_2381 : f32 to vector<16xf32>
        %add3A_2385 = arith.addf %broadcast_in_dim3A_23, %add3A_2384 : vector<16xf32>
        %sub3A_2386 = arith.subf %get3A_1568, %add3A_2383 : vector<16xf32>
        %mul3A_2387 = arith.mulf %sub3A_2386, %add3A_2385 : vector<16xf32>
        %mul3A_2388 = arith.mulf %mul3A_2387, %get3A_1 : vector<16xf32>
        %add3A_2389 = arith.addf %mul3A_2388, %get3A_9 : vector<16xf32>
        %swap3A_2390 = arith.constant 0 : i32
        %swap3A_2391 = arith.constant 0 : i32
        %swap3A_2392 = tpu.memref_slice %arg9[%select_n3A_202, %swap3A_2390, %swap3A_2391] : memref<2x256x64xf32, #tpu.memory_space<vmem>> -> memref<1x256x64xf32, #tpu.memory_space<vmem>>
        %swap3A_2393 = tpu.memref_squeeze %swap3A_2392 : memref<1x256x64xf32, #tpu.memory_space<vmem>> -> memref<256x64xf32, #tpu.memory_space<vmem>>
        %swap3A_2394 = arith.index_cast %add3A_1365 : i32 to index
        %swap3A_2395 = arith.constant 0 : index
        %swap3A_2396 = tpu.vector_load %swap3A_2393[%swap3A_2394, %swap3A_2395] {strides = array<i32>} : memref<256x64xf32, #tpu.memory_space<vmem>>, vector<16xf32>,
        tpu.vector_store %swap3A_2393[%swap3A_2394, %swap3A_2395], %add3A_2389 {strides = array<i32>} : memref<256x64xf32, #tpu.memory_space<vmem>>, vector<16xf32>,
        %sub3A_2397 = arith.subf %get3A_1575, %add3A_2383 : vector<16xf32>
        %mul3A_2398 = arith.mulf %sub3A_2397, %add3A_2385 : vector<16xf32>
        %mul3A_2399 = arith.mulf %mul3A_2398, %get3A_3 : vector<16xf32>
        %add3A_2400 = arith.addf %mul3A_2399, %get3A_11 : vector<16xf32>
        %swap3A_2401 = arith.constant 0 : i32
        %swap3A_2402 = arith.constant 0 : i32
        %swap3A_2403 = tpu.memref_slice %arg9[%select_n3A_202, %swap3A_2401, %swap3A_2402] : memref<2x256x64xf32, #tpu.memory_space<vmem>> -> memref<1x256x64xf32, #tpu.memory_space<vmem>>
        %swap3A_2404 = tpu.memref_squeeze %swap3A_2403 : memref<1x256x64xf32, #tpu.memory_space<vmem>> -> memref<256x64xf32, #tpu.memory_space<vmem>>
        %swap3A_2405 = arith.index_cast %add3A_1365 : i32 to index
        %swap3A_2406 = arith.constant 16 : index
        %swap3A_2407 = tpu.vector_load %swap3A_2404[%swap3A_2405, %swap3A_2406] {strides = array<i32>} : memref<256x64xf32, #tpu.memory_space<vmem>>, vector<16xf32>,
        tpu.vector_store %swap3A_2404[%swap3A_2405, %swap3A_2406], %add3A_2400 {strides = array<i32>} : memref<256x64xf32, #tpu.memory_space<vmem>>, vector<16xf32>,
        %sub3A_2408 = arith.subf %get3A_1582, %add3A_2383 : vector<16xf32>
        %mul3A_2409 = arith.mulf %sub3A_2408, %add3A_2385 : vector<16xf32>
        %mul3A_2410 = arith.mulf %mul3A_2409, %get3A_5 : vector<16xf32>
        %add3A_2411 = arith.addf %mul3A_2410, %get3A_13 : vector<16xf32>
        %swap3A_2412 = arith.constant 0 : i32
        %swap3A_2413 = arith.constant 0 : i32
        %swap3A_2414 = tpu.memref_slice %arg9[%select_n3A_202, %swap3A_2412, %swap3A_2413] : memref<2x256x64xf32, #tpu.memory_space<vmem>> -> memref<1x256x64xf32, #tpu.memory_space<vmem>>
        %swap3A_2415 = tpu.memref_squeeze %swap3A_2414 : memref<1x256x64xf32, #tpu.memory_space<vmem>> -> memref<256x64xf32, #tpu.memory_space<vmem>>
        %swap3A_2416 = arith.index_cast %add3A_1365 : i32 to index
        %swap3A_2417 = arith.constant 32 : index
        %swap3A_2418 = tpu.vector_load %swap3A_2415[%swap3A_2416, %swap3A_2417] {strides = array<i32>} : memref<256x64xf32, #tpu.memory_space<vmem>>, vector<16xf32>,
        tpu.vector_store %swap3A_2415[%swap3A_2416, %swap3A_2417], %add3A_2411 {strides = array<i32>} : memref<256x64xf32, #tpu.memory_space<vmem>>, vector<16xf32>,
        %sub3A_2419 = arith.subf %get3A_1589, %add3A_2383 : vector<16xf32>
        %mul3A_2420 = arith.mulf %sub3A_2419, %add3A_2385 : vector<16xf32>
        %mul3A_2421 = arith.mulf %mul3A_2420, %get3A_7 : vector<16xf32>
        %add3A_2422 = arith.addf %mul3A_2421, %get3A_15 : vector<16xf32>
        %swap3A_2423 = arith.constant 0 : i32
        %swap3A_2424 = arith.constant 0 : i32
        %swap3A_2425 = tpu.memref_slice %arg9[%select_n3A_202, %swap3A_2423, %swap3A_2424] : memref<2x256x64xf32, #tpu.memory_space<vmem>> -> memref<1x256x64xf32, #tpu.memory_space<vmem>>
        %swap3A_2426 = tpu.memref_squeeze %swap3A_2425 : memref<1x256x64xf32, #tpu.memory_space<vmem>> -> memref<256x64xf32, #tpu.memory_space<vmem>>
        %swap3A_2427 = arith.index_cast %add3A_1365 : i32 to index
        %swap3A_2428 = arith.constant 48 : index
        %swap3A_2429 = tpu.vector_load %swap3A_2426[%swap3A_2427, %swap3A_2428] {strides = array<i32>} : memref<256x64xf32, #tpu.memory_space<vmem>>, vector<16xf32>,
        tpu.vector_store %swap3A_2426[%swap3A_2427, %swap3A_2428], %add3A_2422 {strides = array<i32>} : memref<256x64xf32, #tpu.memory_space<vmem>>, vector<16xf32>,
      }
      %scan3A_207 = arith.constant 16 : i32
      %jit3A_208 = arith.constant 2 : i32
      %eq3A_209 = arith.constant 0 : i32
      %eq3A_210 = arith.cmpi eq, %jit3A_208, %eq3A_209 : i32
      %jit3A_211 = arith.constant 1 : i32
      %select_n3A_212 = arith.select %eq3A_210, %jit3A_211, %jit3A_208 : i32
      %rem3A_213 = arith.remsi %add3A_79, %select_n3A_212 : i32
      %ne3A_214 = arith.constant 0 : i32
      %ne3A_215 = arith.cmpi ne, %rem3A_213, %ne3A_214 : i32
      %lt3A_216 = arith.constant 0 : i32
      %lt3A_217 = arith.cmpi slt, %rem3A_213, %lt3A_216 : i32
      %lt3A_218 = arith.constant 0 : i32
      %lt3A_219 = arith.cmpi slt, %select_n3A_212, %lt3A_218 : i32
      %ne3A_220 = arith.xori %lt3A_217, %lt3A_219 : i1
      %and3A_221 = arith.andi %ne3A_220, %ne3A_215 : i1
      %add3A_222 = arith.addi %rem3A_213, %select_n3A_212 : i32
      %select_n3A_223 = arith.select %and3A_221, %add3A_222, %rem3A_213 : i32
      %mul3A_224 = arith.constant 25600 : i32
      %mul3A_225 = arith.muli %add3A, %mul3A_224 : i32
      %mul3A_226 = arith.constant 256 : i32
      %mul3A_227 = arith.muli %add3A_79, %mul3A_226 : i32
      %add3A_228 = arith.addi %mul3A_225, %mul3A_227 : i32
      %dma_start3A_229 = arith.constant 0 : i32
      %dma_start3A_230 = arith.constant 0 : i32
      %dma_start3A_231 = tpu.memref_slice %arg9[%select_n3A_223, %dma_start3A_229, %dma_start3A_230] : memref<2x256x64xf32, #tpu.memory_space<vmem>> -> memref<1x256x64xf32, #tpu.memory_space<vmem>>
      %dma_start3A_232 = tpu.memref_squeeze %dma_start3A_231 : memref<1x256x64xf32, #tpu.memory_space<vmem>> -> memref<256x64xf32, #tpu.memory_space<vmem>>
      %dma_start3A_233 = arith.constant 0 : i32
      %dma_start3A_234 = tpu.memref_slice %arg6[%add3A_228, %dma_start3A_233] : memref<819200x64xf32, #tpu.memory_space<hbm>> -> memref<256x64xf32, #tpu.memory_space<hbm>>
      %dma_start3A_235 = arith.constant 0 : i32
      %dma_start3A_236 = tpu.memref_slice %arg6[%add3A_228, %dma_start3A_235] : memref<819200x64xf32, #tpu.memory_space<hbm>> -> memref<256x64xf32, #tpu.memory_space<hbm>>
      %dma_start3A_237 = arith.constant 0 : i32
      %dma_start3A_238 = arith.constant 0 : i32
      %dma_start3A_239 = tpu.memref_slice %arg9[%select_n3A_223, %dma_start3A_237, %dma_start3A_238] : memref<2x256x64xf32, #tpu.memory_space<vmem>> -> memref<1x256x64xf32, #tpu.memory_space<vmem>>
      %dma_start3A_240 = tpu.memref_squeeze %dma_start3A_239 : memref<1x256x64xf32, #tpu.memory_space<vmem>> -> memref<256x64xf32, #tpu.memory_space<vmem>>
      tpu.enqueue_dma source(%dma_start3A_240 : memref<256x64xf32, #tpu.memory_space<vmem>>) target(%dma_start3A_236 : memref<256x64xf32, #tpu.memory_space<hbm>>) target_semaphore(%arg13 : memref<!tpu.dma_semaphore, #tpu.memory_space<semaphore_mem>>)
    }
    %scan3A_58 = arith.constant 100 : i32
    %mul3A_59 = arith.constant 25600 : i32
    %mul3A_60 = arith.muli %add3A, %mul3A_59 : i32
    %add3A_61 = arith.constant 25344 : i32
    %add3A_62 = arith.addi %mul3A_60, %add3A_61 : i32
    %dma_wait3A = arith.constant 1 : i32
    %dma_wait3A_63 = arith.constant 0 : i32
    %dma_wait3A_64 = arith.constant 0 : i32
    %dma_wait3A_65 = tpu.memref_slice %arg9[%dma_wait3A, %dma_wait3A_63, %dma_wait3A_64] : memref<2x256x64xf32, #tpu.memory_space<vmem>> -> memref<1x256x64xf32, #tpu.memory_space<vmem>>
    %dma_wait3A_66 = tpu.memref_squeeze %dma_wait3A_65 : memref<1x256x64xf32, #tpu.memory_space<vmem>> -> memref<256x64xf32, #tpu.memory_space<vmem>>
    %dma_wait3A_67 = arith.constant 0 : i32
    %dma_wait3A_68 = tpu.memref_slice %arg6[%add3A_62, %dma_wait3A_67] : memref<819200x64xf32, #tpu.memory_space<hbm>> -> memref<256x64xf32, #tpu.memory_space<hbm>>
    %dma_wait3A_69 = arith.constant 0 : i32
    %dma_wait3A_70 = tpu.memref_slice %arg6[%add3A_62, %dma_wait3A_69] : memref<819200x64xf32, #tpu.memory_space<hbm>> -> memref<256x64xf32, #tpu.memory_space<hbm>>
    %dma_wait3A_71 = arith.constant 0 : i32
    %dma_wait3A_72 = arith.constant 0 : i32
    %dma_wait3A_73 = tpu.memref_slice %arg9[%dma_wait3A, %dma_wait3A_71, %dma_wait3A_72] : memref<2x256x64xf32, #tpu.memory_space<vmem>> -> memref<1x256x64xf32, #tpu.memory_space<vmem>>
    %dma_wait3A_74 = tpu.memref_squeeze %dma_wait3A_73 : memref<1x256x64xf32, #tpu.memory_space<vmem>> -> memref<256x64xf32, #tpu.memory_space<vmem>>
    tpu.wait_dma2 semaphore(%arg13 : memref<!tpu.dma_semaphore, #tpu.memory_space<semaphore_mem>>) src(%dma_wait3A_74 : memref<256x64xf32, #tpu.memory_space<vmem>>) dst(%dma_wait3A_70 : memref<256x64xf32, #tpu.memory_space<hbm>>)
    return
  }
}

</mosaic_0001>

<sc_bundles>
// kernel: _run.3.cloned.1.call-start
scs
__scs_entry_jumppad:
0x0: {  	(pc) =	sbr.rel $0x88, $3  }
0x1: {  	(tag) =	ssettag $0x0;
	lr =	simm.s32 $0x1  }
0x2: {  	[smem:$0x3F9D] =	sst lr;
	_ =	strace $0xD0000000  }
0x3: {  	_ = 	snop  }
0x4: {  	_ = 	snop  }
0x5: {  	_ = 	snop  }
0x6: {  	_ = 	snop  }
0x7: {  	_ = 	snop  }
__scs_overlays_trampoline_lowered:
0x8: {  	[smem:$0x3FAC] =	sst s0  }
0x9: {  	[smem:$0x3FAD] =	sst s1  }
0xa: {  	[smem:$0x3FAE] =	sst s2  }
0xb: {  	[smem:$0x3FAF] =	sst s3  }
0xc: {  	[smem:$0x3FB0] =	sst s4  }
0xd: {  	[smem:$0x3FB1] =	sst s5  }
0xe: {  	[smem:$0x3FB2] =	sst s6  }
0xf: {  	[smem:$0x3FB3] =	sst s7  }
0x10: {  	[smem:$0x3FB4] =	sst s8  }
0x11: {  	[smem:$0x3FB5] =	sst s9;
	s0 =	simm.s32 @!p0 $0x0  }
0x12: {  	s1 =	sld [smem:$0x3F9B];
	s0 =	simm.s32 @p0 $0x1  }
0x13: {  	[smem:$0x3FB6] =	sst s0;
	s0 =	simm.s32 @!p1 $0x0  }
0x14: {  	s2 =	sld [smem:$0x3F9A];
	s0 =	simm.s32 @p1 $0x1  }
0x15: {  	[smem:$0x3FB7] =	sst s0;
	s0 =	simm.s32 @!p2 $0x0  }
0x16: {  	s3 =	sld [smem:$0x3FDB];
	s0 =	simm.s32 @p2 $0x1  }
0x17: {  	s4 =	simm.s32 $0x1BF5;
	[smem:$0x3FB9] =	sst s0  }
0x18: {  	s0 =	sld [smem:$0x3F9C];
	_ =	swait.ge [sflag:s4], $0x0  }
0x19: {  	s7 =	sld [smem:$0x3F9D]  }
0x1a: {  	s8 =	sadd.s32 $0xFFFFE003, lr  }
0x1b: {  	s9 =	sadd.s32 $0xFFFFFEF7, lr;
	s5 =	simm.s32 $0xFFFFFFFF;
	p2 =	slt.u32 s8, $0xFFFFF086  }
0x1c: {  	p1 =	slt.u32 s9, $0xF7A;
	s5 =	simm.s32 @!p2 $0x0  }
0x1d: {  	s5 =	simm.s32 @p1 $0x1;
	p0 =	seq.s32 s7, s2  }
0x1e: {  	s7 =	smul.u32 @!p0 $0xF7A, s2;
	p2 =	seq.s32 @!p0 s5, $0x0  }
0x1f: {  	s9 =	smul.u32 $0xF7A, s1;
	s8 =	simm.s32 @!p0 $0x1BF5;
	p2 =	por !p2, p0  }
0x20: {  	[sflag:s8] =	ssyncset.s32 @!p0 $0xFFFFF086;
	s6 =	sadd.s32 @!p0 s3, s7;
	s7 =	simm.s32 @!p0 $0x108  }
0x21: {  	s3 =	sadd.s32 s3, s9;
	s6 =	sadd.s32 @!p0 $0x88, s6;
	s7 =	simm.s32 @p2 $0x1082  }
0x22: {  	[simem:s7], [sflag:s8] =	dma.local @!p0 [hbm:s6], $0xF7A  }
0x23: {  	s9 =	sor.u32 $0xD0000000, s2;
	s6 =	simm.s32 $0x108;
	_ =	swait.ge @!p0 [sflag:s8], $0x0  }
0x24: {  	s3 =	sadd.s32 $0x88, s3;
	s6 =	simm.s32 @!p1 $0x1082;
	[sflag:s4] =	ssyncset.s32 $0xFFFFF086  }
0x25: {  	[simem:s6], [sflag:s4] =	dma.local [hbm:s3], $0xF7A  }
0x26: {  	[smem:$0x3F9D] =	sst s1;
	(tag) =	ssettag s2;
	_ =	strace s9  }
0x27: {  	s1 =	sld [smem:$0x3FAD]  }
0x28: {  	s2 =	sld [smem:$0x3FAE]  }
0x29: {  	s4 =	sld [smem:$0x3FB0]  }
0x2a: {  	p0 =	seq.s32 s5, $0x0;
	s5 =	sld [smem:$0x3FB1]  }
0x2b: {  	s6 =	sld [smem:$0x3FB2]  }
0x2c: {  	s7 =	sld [smem:$0x3FB3]  }
0x2d: {  	s3 =	simm.s32 $0x108;
	s8 =	sld [smem:$0x3FB4]  }
0x2e: {  	s3 =	simm.s32 @!p0 $0x1082;
	s9 =	sld [smem:$0x3FB5]  }
0x2f: {  	lr =	sadd.s32 s0, s3;
	s0 =	sld [smem:$0x3FAC]  }
0x30: {  	s3 =	sld [smem:$0x3FAF]  }
0x31: {  	[smem:$0x3FB8] =	sst s10  }
0x32: {  	s10 =	sld [smem:$0x3FB6];
	_ =	sdelay $0x3  }
0x33: {  	p0 =	seq.s32 s10, $0x1;
	s10 =	sld [smem:$0x3FB8];
	_ =	sdelay $0x3  }
0x34: {  	[smem:$0x3FB8] =	sst s10  }
0x35: {  	s10 =	sld [smem:$0x3FB7];
	_ =	sdelay $0x3  }
0x36: {  	p1 =	seq.s32 s10, $0x1;
	s10 =	sld [smem:$0x3FB8];
	_ =	sdelay $0x3  }
0x37: {  	[smem:$0x3FB8] =	sst s10  }
0x38: {  	s10 =	sld [smem:$0x3FB9]  }
0x39: {  	_ = 	snop;
	(pc) =	sbr.ind lr, $3  }
0x3a: {  	_ = 	snop  }
0x3b: {  	_ = 	snop  }
0x3c: {  	p2 =	seq.s32 s10, $0x1;
	s10 =	sld [smem:$0x3FB8]  }
0x3d: {  	_ =	shalt  }
0x3e: {  	_ =	shalt  }
0x3f: {  	_ =	shalt  }
0x40: {  	_ =	shalt  }
0x41: {  	_ =	shalt  }
0x42: {  	_ =	shalt  }
0x43: {  	_ =	shalt  }
0x44: {  	_ =	shalt  }
0x45: {  	_ =	shalt  }
0x46: {  	_ =	shalt  }
0x47: {  	_ =	shalt  }
0x48: {  	_ =	shalt  }
0x49: {  	_ =	shalt  }
0x4a: {  	_ =	shalt  }
0x4b: {  	_ =	shalt  }
0x4c: {  	_ =	shalt  }
0x4d: {  	_ =	shalt  }
0x4e: {  	_ =	shalt  }
0x4f: {  	_ =	shalt  }
0x50: {  	_ =	shalt  }
0x51: {  	_ =	shalt  }
0x52: {  	_ =	shalt  }
0x53: {  	_ =	shalt  }
0x54: {  	_ =	shalt  }
0x55: {  	_ =	shalt  }
0x56: {  	_ =	shalt  }
0x57: {  	_ =	shalt  }
0x58: {  	_ =	shalt  }
0x59: {  	_ =	shalt  }
0x5a: {  	_ =	shalt  }
0x5b: {  	_ =	shalt  }
0x5c: {  	_ =	shalt  }
0x5d: {  	_ =	shalt  }
0x5e: {  	_ =	shalt  }
0x5f: {  	_ =	shalt  }
0x60: {  	_ =	shalt  }
0x61: {  	_ =	shalt  }
0x62: {  	_ =	shalt  }
0x63: {  	_ =	shalt  }
0x64: {  	_ =	shalt  }
0x65: {  	_ =	shalt  }
0x66: {  	_ =	shalt  }
0x67: {  	_ =	shalt  }
0x68: {  	_ =	shalt  }
0x69: {  	_ =	shalt  }
0x6a: {  	_ =	shalt  }
0x6b: {  	_ =	shalt  }
0x6c: {  	_ =	shalt  }
0x6d: {  	_ =	shalt  }
0x6e: {  	_ =	shalt  }
0x6f: {  	_ =	shalt  }
0x70: {  	_ =	shalt  }
0x71: {  	_ =	shalt  }
0x72: {  	_ =	shalt  }
0x73: {  	_ =	shalt  }
0x74: {  	_ =	shalt  }
0x75: {  	_ =	shalt  }
0x76: {  	_ =	shalt  }
0x77: {  	_ =	shalt  }
0x78: {  	_ =	shalt  }
0x79: {  	_ =	shalt  }
0x7a: {  	_ =	shalt  }
0x7b: {  	_ =	shalt  }
0x7c: {  	_ =	shalt  }
0x7d: {  	_ =	shalt  }
0x7e: {  	_ =	shalt  }
0x7f: {  	_ =	shalt  }
0x80: {  	_ =	shalt  }
0x81: {  	_ =	shalt  }
0x82: {  	_ =	shalt  }
0x83: {  	_ =	shalt  }
0x84: {  	_ =	shalt  }
0x85: {  	_ =	shalt  }
0x86: {  	_ =	shalt  }
0x87: {  	_ =	shalt  }
.Lfunc_end0:
.L_simem_size_0:
called_computation.1_lowered:
.L_overlay_start_0:
0x88: {  	s2 =	sld [smem:$0x3FD9]  }
0x89: {  	s3 =	sld [smem:$0x3FFE];
	_ =	sdelay $0x1  }
0x8a: {  	s1 =	srdreg.scid  }
0x8b: {  	s0 =	sand.u32 $0x1, s1  }
0x8c: {  	s17 =	sshll.u32 s0, $0xA;
	s2 =	sadd.s32 s3, s2  }
0x8d: {  	s2 =	sadd.s32 s2, s17  }
0x8e: {  	[smem:$0x3FC4] =	sst s2  }
0x8f: {  	_ = 	snop  }
0x90: {  	s2 =	sld [smem:$0x3FC8]  }
0x91: {  	s18 =	sld [smem:$0x3FC7]  }
0x92: {  	s4 =	sld [smem:$0x3FC6]  }
0x93: {  	s5 =	sld [smem:$0x3FD0];
	(tm) =	ssettm $0x1  }
0x94: {  	s6 =	sld [smem:$0x3FFB];
	_ =	sdelay $0x3  }
0x95: {  	_ =	strace s6  }
0x96: {  	s6 =	sld [smem:$0x3FFC];
	_ =	sdelay $0x3  }
0x97: {  	_ =	strace s6  }
0x98: {  	s6 =	sld [smem:$0x3FFD];
	_ =	sdelay $0x3  }
0x99: {  	_ =	strace s6  }
0x9a: {  	_ =	strace $0x8FFFFFFF  }
0x9b: {  	s19 =	sld [smem:$0x3FDB];
	_ =	sdelay $0x1  }
0x9c: {  	s7 =	simm.s32 $_scs_section_size  }
0x9d: {  	s8 =	simm.s32 $_size__tile_overlayer_lowered;
	s9 =	simm.s32 $_tile_overlayer_lowered  }
0x9e: {  	s22 =	simm.s32 $0x1BFF;
	s21 =	sshll.u32 s9, $0x1;
	s6 =	sadd.s32 s7, s19  }
0x9f: {  	s10 =	simm.s32 $0x0;
	s20 =	sshll.u32 s8, $0x1;
	s8 =	sadd.s32 s21, s6  }
0xa0: {  	[timem:s10], [sflag:s22] =	dma.local [hbm:s8], s20  }
0xa1: {  	_ =	swait.ge [sflag:s22], s20  }
0xa2: {  	s7 =	ssub.s32 $0x0, s20;
	[sflag:s22] =	ssyncset.done $0x0  }
0xa3: {  	[sflag:s22] =	ssyncadd.s32 s7;
	_ =	sdelay $0x1  }
0xa4: {  	s23 =	simm.s32 $0x1B8B  }
0xa5: {  	_ =	swait.ge [sflag:s23], $0x1  }
0xa6: {  	[sflag:s23] =	ssyncset.done $0x0  }
0xa7: {  	s25 =	simm.s32 $0x1B8E;
	s24 =	sld [smem:$0x3FFE];
	[sflag:s23] =	ssyncadd.s32 $0xFFFFFFFF  }
0xa8: {  	s26 =	simm.s32 $execute0_lowered;
	[smem:$0x3FD2] =	sst s25  }
0xa9: {  	s8 =	sshll.u32 s26, $0x1;
	_ =	strace $0x80000046;
	[dreg:$0x1] =	wrdreg $0xFFFFFFFF  }
0xaa: {  	s28 =	simm.s32 $_size_execute0_lowered;
	s6 =	sadd.s32 s6, s8;
	[dreg:$0x0] =	wrdreg $0x0  }
0xab: {  	s8 =	sshll.u32 s28, $0x1;
	[dreg:$0x2] =	wrdreg s6  }
0xac: {  	[dreg:$0x3] =	wrdreg s8  }
0xad: {  	[dreg:$0x4] =	wrdreg $0xC0  }
0xae: {  	_ =	task [dreg:s10], $0x5FFFF  }
0xaf: {  	[dreg:$0x1] =	wrdreg $0xFFFFFFFF  }
0xb0: {  	[dreg:$0x0] =	wrdreg $0x60  }
0xb1: {  	[dreg:$0x2] =	wrdreg s24  }
0xb2: {  	[dreg:$0x3] =	wrdreg s2  }
0xb3: {  	[dreg:$0x4] =	wrdreg s18  }
0xb4: {  	[dreg:$0x5] =	wrdreg s4  }
0xb5: {  	[dreg:$0x6] =	wrdreg s5  }
0xb6: {  	[dreg:$0x7] =	wrdreg $0x9  }
0xb7: {  	_ =	task.clear_ibuf [dreg:s10], $0x8FFFF;
	_ =	strace $0x90000046  }
0xb8: {  	s29 =	simm.s32 $0x9;
	_ =	strace $0x80000048  }
0xb9: {  	_ =	swait.ge [sflag:s29], $0x1  }
0xba: {  	[sflag:s29] =	ssyncadd.s32 $0xFFFFFFFF  }
0xbb: {  	_ =	strace $0x90000048  }
0xbc: {  	_ =	sfence  }
0xbd: {  	s30 =	sld [smem:$0x0];
	_ =	sdelay $0x2  }
0xbe: {  	s31 =	sshll.u32 s1, $0xD;
	s1 =	sshrl.u32 s1, $0x2  }
0xbf: {  	s3 =	sand.u32 $0x4000, s31;
	s1 =	sadd.s32 s1, s30  }
0xc0: {  	s0 =	sor.u32 s3, s0;
	s1 =	sshll.u32 s1, $0x11  }
0xc1: {  	s0 =	sor.u32 s1, s0  }
0xc2: {  	s0 =	sadd.s32 $0x8F2B, s0  }
0xc3: {  	[sflag:s0] =	ssyncadd.remote.s32 $0x1  }
0xc4: {  	_ =	sfence.sel $0xFFFF  }
0xc5: {  	[dreg:$0x0] =	wrdreg $0xFFFFFFFF;
	(pc) =	sbr.abs _section_cstart, $3  }
0xc6: {  	[dreg:$0x1] =	wrdreg $0xFFFFFFFF  }
0xc7: {  	_ =	task.clear_ibuf [dreg:s10], $0x2FFFF;
	_ =	strace $0x9FFFFFFF  }
0xc8: {  	(tm) =	ssettm $0x7FFFFFFF  }
0xc9: {  	_ =	shalt  }
tec
execute0_lowered:
.L_overlay_start_1:
0x0: {  	(tag) =	ssettag $0x1  }
0x1: {  	s0 =	rddreg [dreg:$0x0]  }
0x2: {  	s1 =	rddreg [dreg:$0x1]  }
0x3: {  	s2 =	srdreg.scid;
	s3 =	stileid.u32;
	s6 =	simm.s32 $0x0  }
0x4: {  	s13 =	simm.s32 $0x3;
	s2 =	sand.u32 $0x1, s2;
	s3 =	sshll.u32 s3, $0x1  }
0x5: {  	s15 =	simm.s32 $0x80;
	s4 =	ssub.s32 $0x2, s2;
	s2 =	sor.u32 s2, s3  }
0x6: {  	s18 =	simm.s32 $0x1;
	s19 =	simm.s32 $0x2;
	s9 =	smul.u32 $0xC80, s2  }
0x7: {  	[smem:$0x7FF] =	sst s6;
	s7 =	sadd.s32 $0xF42C00, s0;
	s30 =	sshrl.u32 s4, $0x1  }
0x8: {  	_ =	strace $0x80000047;
	s31 =	ssub.s32 s4, s30;
	s1 =	sadd.s32 s1, s9  }
0x9: {  	s8 =	smul.u32 $0x6400, s2;
	s0 =	smax.u32 s31, $0x1;
	[dreg:$0x6] =	wrdreg s1  }
0xa: {  	s10 =	smul.u32 $0x190000, s2;
	[dreg:$0x7] =	wrdreg s0;
	s1 =	simm.s32 $0x0  }
.LBB2_1:
0xb: {  	[dreg:$0x8] =	wrdreg s1  }
0xc: {  	s0 =	rddreg [dreg:$0x2];
	s25 =	simm.s32 $0x10200  }
0xd: {  	[tilespmem:s25], [sflag:$0x3] =	stream.linear.gather [hbm4b:s0+s6], $0x40, $0x38;
	[tilespmem:$0x10280] =	vst v63  }
0xe: {  	_ =	swait.ge [sflag:s13], $0x40  }
0xf: {  	[sflag:s13] =	ssyncset.done $0x0  }
0x10: {  	[sflag:s13] =	ssyncadd.s32 $0xFFFFFFC0  }
0x11: {  	s28 =	simm.s32 $0x10240;
	s26 =	rddreg [dreg:$0x3]  }
0x12: {  	[tilespmem:s28], [sflag:$0x3] =	stream.linear.gather [hbm4b:s26+s6], $0x40, $0x38;
	[tilespmem:$0x10280] =	vst v63  }
0x13: {  	_ =	swait.ge [sflag:s13], $0x40  }
0x14: {  	[sflag:s13] =	ssyncset.done $0x0  }
0x15: {  	[sflag:s13] =	ssyncadd.s32 $0xFFFFFFC0  }
0x16: {  	v0 =	vld [tilespmem:$0x10200]  }
0x17: {  	v1 =	vld [tilespmem:$0x10210]  }
0x18: {  	v2 =	vld [tilespmem:$0x10220]  }
0x19: {  	v3 =	vld [tilespmem:$0x10230]  }
0x1a: {  	v4 =	vld [tilespmem:$0x10240]  }
0x1b: {  	v5 =	vld [tilespmem:$0x10250]  }
0x1c: {  	s29 =	rddreg [dreg:$0x6];
	v6 =	vld [tilespmem:$0x10260]  }
0x1d: {  	v7 =	vld [tilespmem:$0x10270];
	[tilespmem:s6], [sflag:$0x3] =	stream.linear.gather [hbm4b:s29+s6], $0x100, $0x38  }
0x1e: {  	_ =	swait.ge [sflag:s13], $0x100  }
0x1f: {  	[sflag:s13] =	ssyncset.done $0x0  }
0x20: {  	s30 =	simm.s32 $0x200;
	[sflag:s13] =	ssyncadd.s32 $0xFFFFFF00  }
0x21: {  	[tilespmem:s30], [sflag:$0x1] =	stream.indirect.gather [hbm4b:s7+s15], $0x40, s6, s15, $0xb8;
	[tilespmem:$0x10280] =	vst v63  }
0x22: {  	s31 =	simm.s32 $0x2200;
	p0 =	por $0x0, $0x0;
	s21 =	simm.s32 $0x0  }
0x23: {  	[tilespmem:s31], [sflag:$0x1] =	stream.indirect.gather [hbm4b:s7+s15], $0x40, s15, s15, $0xb8;
	[tilespmem:$0x10280] =	vst v63  }
.LBB2_2:
0x24: {  	p1 =	sne.s32 s21, $0x63  }
.Ltmp0:
0x25: {  	_ = 	snop;
	(pc) =	sbr.rel @p1 .LBB2_4-.Ltmp0, $1  }
0x26: {  	_ =	sdelay $0x3  }
0x27: {  	_ =	swait.ge [sflag:s18], $0x2000  }
.Ltmp1:
0x28: {  	[sflag:s18] =	ssyncset.done $0x0;
	(pc) =	sbr.rel .LBB2_5-.Ltmp1, $4  }
0x29: {  	[sflag:s18] =	ssyncadd.s32 $0xFFFFE000  }
0x2a: {  	_ =	swait.ge [sflag:s18], $0x2000  }
0x2b: {  	[sflag:s18] =	ssyncset.done $0x0  }
0x2c: {  	[sflag:s18] =	ssyncadd.s32 $0xFFFFE000  }
.LBB2_4:
0x2d: {  	s0 =	sadd.s32 $0x1, s21  }
0x2e: {  	s2 =	sshll.u32 s0, $0x8  }
0x2f: {  	s2 =	sadd.s32 s8, s2  }
0x30: {  	s1 =	rddreg [dreg:$0x1];
	s0 =	sand.u32 $0x1, s0;
	s2 =	sshrl.u32 s2, $0x3  }
0x31: {  	s3 =	sshll.u32 s0, $0x8;
	s2 =	sadd.s32 s1, s2  }
0x32: {  	[tilespmem:s3], [sflag:$0x3] =	stream.linear.gather [hbm4b:s2+s6], $0x100, $0x38;
	[tilespmem:$0x10280] =	vst v63  }
0x33: {  	_ =	swait.ge [sflag:s13], $0x100  }
0x34: {  	[sflag:s13] =	ssyncset.done $0x0  }
0x35: {  	[sflag:s13] =	ssyncadd.s32 $0xFFFFFF00  }
0x36: {  	_ =	swait.ge [sflag:s18], $0x2000  }
0x37: {  	[sflag:s18] =	ssyncset.done $0x0  }
0x38: {  	[sflag:s18] =	ssyncadd.s32 $0xFFFFE000  }
0x39: {  	p1 =	seq.s32 s21, $0x0;
	_ =	swait.ge [sflag:s18], $0x2000  }
.Ltmp2:
0x3a: {  	s0 =	sshll.u32 s0, $0xE;
	[sflag:s18] =	ssyncset.done $0x0;
	(pc) =	sbr.rel @p1 .LBB2_6-.Ltmp2, $4  }
0x3b: {  	s30 =	sor.u32 $0x200, s0;
	[sflag:s18] =	ssyncadd.s32 $0xFFFFE000  }
0x3c: {  	[tilespmem:s30], [sflag:$0x1] =	stream.indirect.gather [hbm4b:s7+s15], $0x40, s3, s15, $0xb8;
	[tilespmem:$0x10280] =	vst v63  }
0x3d: {  	s0 =	sor.u32 $0x2200, s0;
	s31 =	sor.u32 $0x80, s3  }
0x3e: {  	[tilespmem:s0], [sflag:$0x1] =	stream.indirect.gather [hbm4b:s7+s15], $0x40, s31, s15, $0xb8;
	[tilespmem:$0x10280] =	vst v63  }
.LBB2_5:
0x3f: {  	_ =	swait.ge [sflag:s19], $0x4000  }
0x40: {  	[sflag:s19] =	ssyncset.done $0x0  }
0x41: {  	[sflag:s19] =	ssyncadd.s32 $0xFFFFC000  }
.LBB2_6:
0x42: {  	s0 =	simm.s32 $0x1  }
0x43: {  	s0 =	simm.s32 @!p0 $0x0  }
0x44: {  	s0 =	sshll.u32 s0, $0xE  }
0x45: {  	s2 =	sor.u32 $0x400, s0  }
0x46: {  	v8 =	vmov s2;
	_ =	sdelay $0x1  }
0x47: {  	s0 =	sor.u32 $0x8400, s0  }
0x48: {  	s22 =	sand.u32 $0x1, s21;
	s23 =	simm.s32 $0x0;
	v9 =	vmov s0  }
.LBB2_7:
0x49: {  	s24 =	sshra.s32 s23, $0x2  }
0x4a: {  	v41 =	vld.idx.msk [tilespmem:v8+s24+$0xFFFFFE00 ss:$0x1], $0xffff  }
0x4b: {  	v40 =	vld.idx.msk [tilespmem:v8+s24+$0xFFFFFE10 ss:$0x1], $0xffff  }
0x4c: {  	v39 =	vld.idx.msk [tilespmem:v8+s24+$0xFFFFFE20 ss:$0x1], $0xffff  }
0x4d: {  	v38 =	vld.idx.msk [tilespmem:v8+s24+$0xFFFFFE30 ss:$0x1], $0xffff;
	_ =	sdelay $0x2  }
0x4e: {  	v36 =	vld.idx.msk [tilespmem:v8+s24+$0xFFFFFE40 ss:$0x1], $0xffff  }
0x4f: {  	v37 =	vld.idx.msk [tilespmem:v8+s24+$0xFFFFFE50 ss:$0x1], $0xffff;
	v10 =	vmul.f32 v41, v41;
	v11 =	vmul.f32 v40, v40  }
0x50: {  	v35 =	vld.idx.msk [tilespmem:v8+s24+$0xFFFFFE60 ss:$0x1], $0xffff;
	v12 =	vmul.f32 v39, v39;
	v13 =	vmul.f32 v38, v38  }
0x51: {  	v28 =	vld.idx.msk [tilespmem:v8+s24+$0xFFFFFE70 ss:$0x1], $0xffff;
	v14 =	vadd.f32 v40, v41;
	v15 =	vadd.f32 v38, v39  }
0x52: {  	v10 =	vadd.f32 v11, v10;
	v11 =	vadd.f32 v13, v12  }
0x53: {  	v59 =	vadd.f32 v15, v14  }
0x54: {  	v10 =	vadd.f32 v11, v10  }
0x55: {  	v60 =	vmul.f32 v35, v35;
	(xrf2) =	vadd.scan.msk.f32 $0xffff, v59  }
0x56: {  	v61 =	vmul.f32 v28, v28;
	v62 =	vadd.f32 v37, v36;
	v63 =	vadd.f32 v28, v35;
	(xrf2) =	vadd.scan.msk.f32 $0xffff, v10  }
0x57: {  	v11 =	vmul.f32 v37, v37;
	v10 =	vmul.f32 v36, v36  }
0x58: {  	v19 =	vadd.f32 v63, v62  }
0x59: {  	v10 =	vadd.f32 v11, v10;
	v11 =	vadd.f32 v61, v60;
	_ =	sdelay $0x1  }
0x5a: {  	(xrf2) =	vadd.scan.msk.f32 $0xffff, v19;
	v10 =	vadd.f32 v11, v10  }
0x5b: {  	v34 =	vld.idx.msk [tilespmem:v8+s24+$0xFFFFFE80 ss:$0x1], $0xffff  }
0x5c: {  	v26 =	vld.idx.msk [tilespmem:v8+s24+$0xFFFFFE90 ss:$0x1], $0xffff;
	(xrf2) =	vadd.scan.msk.f32 $0xffff, v10  }
0x5d: {  	v24 =	vld.idx.msk [tilespmem:v8+s24+$0xFFFFFEA0 ss:$0x1], $0xffff  }
0x5e: {  	v23 =	vld.idx.msk [tilespmem:v8+s24+$0xFFFFFEB0 ss:$0x1], $0xffff;
	v18, _, _ =	vpop (xrf2)  }
0x5f: {  	(v2sf) =	vpush v18, $0xF;
	v20, _, _ =	vpop (xrf2)  }
0x60: {  	(v2sf) =	vpush v20, $0xF;
	_ =	sdelay $0x2  }
0x61: {  	v25 =	vadd.f32 v26, v34;
	v27 =	vadd.f32 v23, v24  }
0x62: {  	v10, _, _ =	vpop (xrf2)  }
0x63: {  	v29 =	vadd.f32 v27, v25;
	(v2sf) =	vpush v10, $0xF  }
0x64: {  	v11, _, _ =	vpop (xrf2)  }
0x65: {  	(xrf2) =	vadd.scan.msk.f32 $0xffff, v29;
	(v2sf) =	vpush v11, $0xF  }
0x66: {  	v21 =	vmul.f32 v24, v24;
	v22 =	vmul.f32 v23, v23  }
0x67: {  	v25 =	vld.idx.msk [tilespmem:v8+s24+$0xFFFFFEC0 ss:$0x1], $0xffff;
	v10 =	vmul.f32 v34, v34;
	v11 =	vmul.f32 v26, v26  }
0x68: {  	v15 =	vld.idx.msk [tilespmem:v8+s24+$0xFFFFFEF0 ss:$0x1], $0xffff  }
0x69: {  	v10 =	vadd.f32 v11, v10;
	v11 =	vadd.f32 v22, v21;
	v22 =	vld.idx.msk [tilespmem:v8+s24+$0xFFFFFED0 ss:$0x1], $0xffff  }
0x6a: {  	v21 =	vld.idx.msk [tilespmem:v8+s24+$0xFFFFFEE0 ss:$0x1], $0xffff;
	_ =	sdelay $0x1  }
0x6b: {  	v10 =	vadd.f32 v11, v10;
	s0 =	spop (v2sf)  }
0x6c: {  	s26 =	smul.f32 $1.562500000e-02, s0;
	s11 =	spop (v2sf)  }
0x6d: {  	v30 =	vmul.f32 v25, v25;
	v19 =	vmul.f32 v15, v15;
	(xrf2) =	vadd.scan.msk.f32 $0xffff, v10;
	s0 =	smul.f32 $1.562500000e-02, s11  }
0x6e: {  	v20, _, _ =	vpop (xrf2);
	v16 =	vmul.f32 v22, v22;
	v17 =	vadd.f32 v22, v25;
	v18 =	vmul.f32 v21, v21;
	s2 =	smul.f32 s26, s26  }
0x6f: {  	v27 =	vadd.f32 v15, v21;
	(v2sf) =	vpush v20, $0xF  }
0x70: {  	v13 =	vld.idx.msk [tilespmem:v8+s24+$0xFFFFFF10 ss:$0x1], $0xffff;
	v14 =	vadd.f32 v16, v30;
	v18 =	vadd.f32 v19, v18;
	s0 =	ssub.f32 s0, s2  }
0x71: {  	v12 =	vld.idx.msk [tilespmem:v8+s24+$0xFFFFFF20 ss:$0x1], $0xffff;
	v17 =	vadd.f32 v27, v17;
	s4 =	spop (v2sf)  }
0x72: {  	v11 =	vld.idx.msk [tilespmem:v8+s24+$0xFFFFFF00 ss:$0x1], $0xffff;
	s25 =	smul.f32 $1.562500000e-02, s4;
	v14 =	vadd.f32 v18, v14;
	s0 =	smax.f32 s0, $0.0e+00  }
0x73: {  	v10 =	vld.idx.msk [tilespmem:v8+s24+$0xFFFFFF30 ss:$0x1], $0xffff;
	(xrf2) =	vadd.scan.msk.f32 $0xffff, v17;
	s0 =	sadd.f32 $9.999999740e-06, s0;
	s14 =	spop (v2sf)  }
0x74: {  	(xrf2) =	vadd.scan.msk.f32 $0xffff, v14;
	s4 =	smul.f32 $1.562500000e-02, s14  }
0x75: {  	s12 =	sshrl.u32 s0, $0x1;
	s0 =	smul.f32 $5.000000000e-01, s0  }
0x76: {  	v33 =	vmul.f32 v13, v13;
	s2 =	ssub.s32 $0x5F3759DF, s12;
	s12 =	smul.f32 s25, s25  }
0x77: {  	v42 =	vmul.f32 v12, v12;
	v32 =	vmul.f32 v11, v11;
	v44 =	vadd.f32 v13, v11;
	v31, _, _ =	vpop (xrf2);
	s3 =	smul.f32 s2, s0  }
0x78: {  	v43 =	vmul.f32 v10, v10;
	v45 =	vadd.f32 v10, v12;
	(v2sf) =	vpush v31, $0xF  }
0x79: {  	v16 =	vadd.f32 v33, v32;
	s4 =	ssub.f32 s4, s12;
	s3 =	smul.f32 s2, s3  }
0x7a: {  	v17 =	vadd.f32 v43, v42;
	v14 =	vadd.f32 v45, v44  }
0x7b: {  	s4 =	smax.f32 s4, $0.0e+00;
	s3 =	ssub.f32 $1.500000000e+00, s3  }
0x7c: {  	v16 =	vadd.f32 v17, v16;
	(xrf2) =	vadd.scan.msk.f32 $0xffff, v14;
	s4 =	sadd.f32 $9.999999740e-06, s4  }
0x7d: {  	v19 =	vld.idx.msk [tilespmem:v8+s24+$0xFFFFFF40 ss:$0x1], $0xffff;
	v46, _, _ =	vpop (xrf2);
	s2 =	smul.f32 s2, s3  }
0x7e: {  	v17 =	vld.idx.msk [tilespmem:v8+s24+$0xFFFFFF50 ss:$0x1], $0xffff;
	(xrf2) =	vadd.scan.msk.f32 $0xffff, v16;
	(v2sf) =	vpush v46, $0xF;
	v47, _, _ =	vpop (xrf2);
	s30 =	spop (v2sf);
	s16 =	sshrl.u32 s4, $0x1;
	s4 =	smul.f32 $5.000000000e-01, s4  }
0x7f: {  	v14 =	vld.idx.msk [tilespmem:v8+s24+$0xFFFFFF70 ss:$0x1], $0xffff;
	(v2sf) =	vpush v47, $0xF;
	s30 =	smul.f32 $1.562500000e-02, s30  }
0x80: {  	v16 =	vld.idx.msk [tilespmem:v8+s24+$0xFFFFFF60 ss:$0x1], $0xffff;
	s3 =	ssub.s32 $0x5F3759DF, s16;
	s17 =	smul.f32 s2, s0  }
0x81: {  	s28 =	smul.f32 s3, s4  }
0x82: {  	s12 =	smul.f32 s17, s2  }
0x83: {  	s28 =	smul.f32 s3, s28  }
0x84: {  	v50 =	vmul.f32 v19, v19;
	v51 =	vmul.f32 v17, v17;
	s12 =	ssub.f32 $1.500000000e+00, s12  }
0x85: {  	v29 =	vmul.f32 v14, v14;
	v30 =	vadd.f32 v17, v19;
	v52 =	vmul.f32 v16, v16;
	s29 =	smul.f32 s30, s30;
	s28 =	ssub.f32 $1.500000000e+00, s28  }
0x86: {  	v31 =	vadd.f32 v14, v16;
	v18 =	vadd.f32 v51, v50;
	v48, _, _ =	vpop (xrf2);
	s2 =	smul.f32 s12, s2  }
0x87: {  	v20 =	vadd.f32 v29, v52;
	(v2sf) =	vpush v48, $0xF;
	s31 =	spop (v2sf);
	s3 =	smul.f32 s3, s28  }
0x88: {  	v27 =	vld.idx.msk [tilespmem:v8+s24+$0xFFFFFF90 ss:$0x1], $0xffff;
	v53 =	vadd.f32 v31, v30;
	v49, _, _ =	vpop (xrf2);
	s28 =	smul.f32 $1.562500000e-02, s31  }
0x89: {  	v29 =	vld.idx.msk [tilespmem:v8+s24+$0xFFFFFF80 ss:$0x1], $0xffff;
	v18 =	vadd.f32 v20, v18;
	(v2sf) =	vpush v49, $0xF;
	s0 =	smul.f32 s2, s0  }
0x8a: {  	(xrf2) =	vadd.scan.msk.f32 $0xffff, v53;
	v20 =	vld.idx.msk [tilespmem:v8+s24+$0xFFFFFFA0 ss:$0x1], $0xffff;
	s20 =	smul.f32 s3, s4  }
0x8b: {  	(xrf2) =	vadd.scan.msk.f32 $0xffff, v18;
	v18 =	vld.idx.msk [tilespmem:v8+s24+$0xFFFFFFB0 ss:$0x1], $0xffff;
	s28 =	ssub.f32 s28, s29;
	s0 =	smul.f32 s0, s2  }
0x8c: {  	s12 =	smul.f32 s20, s3  }
0x8d: {  	s28 =	smax.f32 s28, $0.0e+00;
	s11 =	spop (v2sf)  }
0x8e: {  	s31 =	smul.f32 $1.562500000e-02, s11;
	s14 =	spop (v2sf)  }
0x8f: {  	s12 =	ssub.f32 $1.500000000e+00, s12;
	s29 =	smul.f32 $1.562500000e-02, s14  }
0x90: {  	v32 =	vadd.f32 v27, v29;
	v44 =	vadd.f32 v18, v20;
	s1 =	sadd.f32 $9.999999740e-06, s28;
	s14 =	smul.f32 s31, s31  }
0x91: {  	s0 =	ssub.f32 $1.500000000e+00, s0;
	s12 =	smul.f32 s12, s3  }
0x92: {  	v32 =	vadd.f32 v44, v32;
	s28 =	sshrl.u32 s1, $0x1;
	s3 =	smul.f32 $5.000000000e-01, s1  }
0x93: {  	s0 =	smul.f32 s0, s2;
	s9 =	ssub.s32 $0x5F3759DF, s28  }
0x94: {  	v43, _, _ =	vpop (xrf2);
	(xrf2) =	vadd.scan.msk.f32 $0xffff, v32;
	s28 =	smul.f32 s9, s3  }
0x95: {  	s5 =	smul.f32 s12, s4  }
0x96: {  	s16 =	spop (v2sf);
	s28 =	smul.f32 s9, s28  }
0x97: {  	s14 =	ssub.f32 s29, s14;
	s2 =	smul.f32 s5, s12  }
0x98: {  	v55 =	vmul.f32 v27, v27;
	v54 =	vmul.f32 v29, v29;
	s28 =	ssub.f32 $1.500000000e+00, s28;
	s17 =	spop (v2sf)  }
0x99: {  	v33 =	vmul.f32 v20, v20;
	v42 =	vmul.f32 v18, v18;
	s14 =	smax.f32 s14, $0.0e+00;
	s29 =	smul.f32 $1.562500000e-02, s17  }
0x9a: {  	v31 =	vadd.f32 v55, v54;
	s14 =	sadd.f32 $9.999999740e-06, s14;
	s4 =	smul.f32 s9, s28  }
0x9b: {  	v33 =	vadd.f32 v42, v33;
	v56, _, _ =	vpop (xrf2);
	(v2sf) =	vpush v43, $0xF;
	s28 =	smul.f32 $1.562500000e-02, s16  }
0x9c: {  	v30 =	vld.idx.msk [tilespmem:v8+s24+$0xFFFFFFC0 ss:$0x1], $0xffff;
	(v2sf) =	vpush v56, $0xF;
	s9 =	sshrl.u32 s14, $0x1;
	s14 =	smul.f32 $5.000000000e-01, s14  }
0x9d: {  	v33 =	vadd.f32 v33, v31;
	v31 =	vld.idx.msk [tilespmem:v8+s24+$0xFFFFFFD0 ss:$0x1], $0xffff;
	s2 =	ssub.f32 $1.500000000e+00, s2;
	s16 =	smul.f32 s28, s28  }
0x9e: {  	v32 =	vld.idx.msk [tilespmem:v8+s24+$0xFFFFFFE0 ss:$0x1], $0xffff;
	v61, _, _ =	vpop (xrf2);
	s17 =	smul.f32 s4, s3  }
0x9f: {  	(xrf2) =	vadd.scan.msk.f32 $0xffff, v33;
	v33 =	vld.idx.msk [tilespmem:v8+s24+$0xFFFFFFF0 ss:$0x1], $0xffff;
	(v2sf) =	vpush v61, $0xF;
	s2 =	smul.f32 s2, s12  }
0xa0: {  	s9 =	ssub.s32 $0x5F3759DF, s9;
	s16 =	ssub.f32 s29, s16;
	s17 =	smul.f32 s17, s4  }
0xa1: {  	s20 =	smul.f32 s9, s14  }
0xa2: {  	v57 =	vmul.f32 v30, v30;
	s16 =	smax.f32 s16, $0.0e+00;
	s5 =	ssub.f32 $1.500000000e+00, s17  }
0xa3: {  	v58 =	vmul.f32 v31, v31;
	v59 =	vmul.f32 v32, v32;
	s11 =	smul.f32 s9, s20;
	s1 =	sadd.f32 $9.999999740e-06, s16  }
0xa4: {  	v46 =	vadd.f32 v31, v30;
	v45 =	vmul.f32 v33, v33;
	v47 =	vadd.f32 v33, v32;
	s4 =	smul.f32 s5, s4  }
0xa5: {  	v42 =	vadd.f32 v58, v57;
	s20 =	sshrl.u32 s1, $0x1;
	s12 =	smul.f32 $5.000000000e-01, s1  }
0xa6: {  	v60 =	vadd.f32 v45, v59;
	v62 =	vadd.f32 v47, v46;
	s1 =	ssub.f32 $1.500000000e+00, s11;
	s5 =	ssub.s32 $0x5F3759DF, s20;
	s3 =	smul.f32 s4, s3  }
0xa7: {  	s29 =	smul.f32 s5, s12  }
0xa8: {  	v42 =	vadd.f32 v60, v42;
	(xrf2) =	vadd.scan.msk.f32 $0xffff, v62;
	s9 =	smul.f32 s9, s1  }
0xa9: {  	s11 =	smul.f32 s5, s29  }
0xaa: {  	v63, _, _ =	vpop (xrf2);
	(xrf2) =	vadd.scan.msk.f32 $0xffff, v42;
	s20 =	smul.f32 s9, s14;
	s29 =	spop (v2sf)  }
0xab: {  	s29 =	smul.f32 $1.562500000e-02, s29;
	s1 =	spop (v2sf)  }
0xac: {  	s16 =	ssub.f32 $1.500000000e+00, s11;
	s11 =	smul.f32 s20, s9  }
0xad: {  	s17 =	smul.f32 $1.562500000e-02, s1  }
0xae: {  	v47 =	vmov s26;
	(v2sf) =	vpush v63, $0xF;
	s26 =	spop (v2sf);
	s20 =	smul.f32 s29, s29  }
0xaf: {  	s26 =	smul.f32 $1.562500000e-02, s26  }
0xb0: {  	s16 =	smul.f32 s5, s16;
	s11 =	ssub.f32 $1.500000000e+00, s11  }
0xb1: {  	s17 =	ssub.f32 s17, s20;
	s20 =	smul.f32 s3, s4  }
0xb2: {  	v48, _, _ =	vpop (xrf2);
	s9 =	smul.f32 s11, s9  }
0xb3: {  	(v2sf) =	vpush v48, $0xF;
	s5 =	smul.f32 s16, s12  }
0xb4: {  	v50, _, _ =	vpop (xrf2);
	s20 =	ssub.f32 $1.500000000e+00, s20;
	s14 =	smul.f32 s9, s14  }
0xb5: {  	(v2sf) =	vpush v50, $0xF;
	s17 =	smax.f32 s17, $0.0e+00;
	s11 =	smul.f32 s5, s16  }
0xb6: {  	v55 =	vmov s30;
	s1 =	sadd.f32 $9.999999740e-06, s17;
	s4 =	smul.f32 s20, s4  }
0xb7: {  	v43 =	vadd.f32 $0.0e+00, v55;
	v49 =	vmov s0;
	s14 =	smul.f32 s14, s9  }
0xb8: {  	v44 =	vadd.f32 $0.0e+00, v49;
	s11 =	ssub.f32 $1.500000000e+00, s11;
	s5 =	sshrl.u32 s1, $0x1;
	s3 =	smul.f32 $5.000000000e-01, s1  }
0xb9: {  	v52 =	vmov s25;
	v43 =	vbroadcast v43, $0x0;
	s0 =	ssub.s32 $0x5F3759DF, s5;
	s5 =	smul.f32 s26, s26  }
0xba: {  	v51 =	vbroadcast v44, $0x0;
	v44 =	vadd.f32 $0.0e+00, v52;
	s11 =	smul.f32 s11, s16  }
0xbb: {  	v58 =	vmov s31;
	v34 =	vsub.f32 v34, v43;
	v26 =	vsub.f32 v26, v43;
	s17 =	smul.f32 s0, s3  }
0xbc: {  	v24 =	vsub.f32 v24, v43;
	v44 =	vbroadcast v44, $0x0;
	v42 =	vadd.f32 $0.0e+00, v47;
	s12 =	smul.f32 s11, s12  }
0xbd: {  	v23 =	vsub.f32 v23, v43;
	v59 =	vadd.f32 $0.0e+00, v58;
	s1 =	spop (v2sf);
	s16 =	smul.f32 s0, s17  }
0xbe: {  	v36 =	vsub.f32 v36, v44;
	v37 =	vsub.f32 v37, v44;
	v42 =	vbroadcast v42, $0x0;
	s14 =	ssub.f32 $1.500000000e+00, s14;
	s17 =	smul.f32 $1.562500000e-02, s1  }
0xbf: {  	v35 =	vsub.f32 v35, v44;
	v28 =	vsub.f32 v28, v44;
	v53 =	vmov s2;
	s12 =	smul.f32 s12, s11;
	s16 =	ssub.f32 $1.500000000e+00, s16  }
0xc0: {  	v54 =	vadd.f32 $0.0e+00, v53;
	v41 =	vsub.f32 v41, v42;
	s9 =	smul.f32 s14, s9;
	s17 =	ssub.f32 s17, s5  }
0xc1: {  	v61 =	vbroadcast v59, $0x0;
	v40 =	vsub.f32 v40, v42;
	v39 =	vsub.f32 v39, v42;
	s2 =	ssub.f32 $1.500000000e+00, s12;
	s12 =	smul.f32 s0, s16  }
0xc2: {  	v38 =	vsub.f32 v38, v42;
	v42 =	vbroadcast v54, $0x0;
	v41 =	vmul.f32 v51, v41;
	s20 =	smax.f32 s17, $0.0e+00;
	s16 =	spop (v2sf)  }
0xc3: {  	v25 =	vsub.f32 v25, v61;
	v40 =	vmul.f32 v51, v40;
	v39 =	vmul.f32 v51, v39;
	s0 =	sadd.f32 $9.999999740e-06, s20;
	s30 =	smul.f32 s2, s11  }
0xc4: {  	v22 =	vsub.f32 v22, v61;
	v38 =	vmul.f32 v51, v38;
	v36 =	vmul.f32 v42, v36;
	s17 =	spop (v2sf);
	s25 =	smul.f32 s12, s3  }
0xc5: {  	v21 =	vsub.f32 v21, v61;
	v37 =	vmul.f32 v42, v37;
	v41 =	vmul.f32 v41, v0;
	s14 =	smul.f32 $1.562500000e-02, s17  }
0xc6: {  	v15 =	vsub.f32 v15, v61;
	v35 =	vmul.f32 v42, v35;
	v40 =	vmul.f32 v40, v1;
	s1 =	sshrl.u32 s0, $0x1;
	s0 =	smul.f32 $5.000000000e-01, s0  }
0xc7: {  	v28 =	vmul.f32 v42, v28;
	v39 =	vmul.f32 v39, v2;
	v41 =	vadd.f32 v41, v4;
	s2 =	smul.f32 s25, s12  }
0xc8: {  	v38 =	vmul.f32 v38, v3;
	v40 =	vadd.f32 v40, v5;
	v56 =	vmov s4;
	s4 =	ssub.s32 $0x5F3759DF, s1;
	s25 =	smul.f32 $1.562500000e-02, s16  }
0xc9: {  	v36 =	vmul.f32 v36, v0;
	v39 =	vadd.f32 v39, v6;
	[tilespmem:v9+s24+$0xFFFFFE00 ss:$0x1] =	vst.idx.msk $0xffff, v41;
	s5 =	smul.f32 s4, s0  }
0xca: {  	v37 =	vmul.f32 v37, v1;
	v38 =	vadd.f32 v38, v7;
	[tilespmem:v9+s24+$0xFFFFFE10 ss:$0x1] =	vst.idx.msk $0xffff, v40;
	v41 =	vmov s29;
	s2 =	ssub.f32 $1.500000000e+00, s2;
	s20 =	smul.f32 s25, s25  }
0xcb: {  	v35 =	vmul.f32 v35, v2;
	v36 =	vadd.f32 v36, v4;
	[tilespmem:v9+s24+$0xFFFFFE20 ss:$0x1] =	vst.idx.msk $0xffff, v39;
	v42 =	vadd.f32 $0.0e+00, v41;
	s11 =	smul.f32 s4, s5  }
0xcc: {  	v63 =	vmov s28;
	v28 =	vmul.f32 v28, v3;
	v37 =	vadd.f32 v37, v5;
	[tilespmem:v9+s24+$0xFFFFFE30 ss:$0x1] =	vst.idx.msk $0xffff, v38;
	s2 =	smul.f32 s2, s12;
	s1 =	ssub.f32 s14, s20  }
0xcd: {  	v35 =	vadd.f32 v35, v6;
	[tilespmem:v9+s24+$0xFFFFFE40 ss:$0x1] =	vst.idx.msk $0xffff, v36;
	v44 =	vbroadcast v42, $0x0;
	v45 =	vadd.f32 $0.0e+00, v56;
	s5 =	ssub.f32 $1.500000000e+00, s11  }
0xce: {  	v28 =	vadd.f32 v28, v7;
	[tilespmem:v9+s24+$0xFFFFFE50 ss:$0x1] =	vst.idx.msk $0xffff, v37;
	v37 =	vadd.f32 $0.0e+00, v63;
	v47 =	vmov s26;
	s3 =	smul.f32 s2, s3;
	s12 =	smax.f32 s1, $0.0e+00  }
0xcf: {  	v49 =	vadd.f32 $0.0e+00, v47;
	v19 =	vsub.f32 v19, v44;
	v57 =	vbroadcast v45, $0x0;
	s16 =	sadd.f32 $9.999999740e-06, s12;
	s4 =	smul.f32 s4, s5  }
0xd0: {  	v48 =	vsub.f32 v17, v44;
	v16 =	vsub.f32 v16, v44;
	s14 =	smul.f32 s3, s2  }
0xd1: {  	v52 =	vbroadcast v49, $0x0;
	v14 =	vsub.f32 v14, v44;
	v34 =	vmul.f32 v57, v34;
	s17 =	sshrl.u32 s16, $0x1;
	s3 =	smul.f32 $5.000000000e-01, s16  }
0xd2: {  	v26 =	vmul.f32 v57, v26;
	v60 =	vmov s9;
	v24 =	vmul.f32 v57, v24;
	s20 =	smul.f32 s4, s0;
	s9 =	ssub.s32 $0x5F3759DF, s17  }
0xd3: {  	v23 =	vmul.f32 v57, v23;
	v39 =	vadd.f32 $0.0e+00, v60;
	v34 =	vmul.f32 v34, v0;
	s28 =	smul.f32 s9, s3  }
0xd4: {  	v63 =	vsub.f32 v20, v52;
	v26 =	vmul.f32 v26, v1;
	v24 =	vmul.f32 v24, v2;
	s11 =	smul.f32 s20, s4  }
0xd5: {  	v56 =	vsub.f32 v29, v52;
	v23 =	vmul.f32 v23, v3;
	v62 =	vbroadcast v39, $0x0;
	s12 =	ssub.f32 $1.500000000e+00, s14;
	s14 =	smul.f32 s9, s28  }
0xd6: {  	v39 =	vbroadcast v37, $0x0;
	v34 =	vadd.f32 v34, v4;
	v26 =	vadd.f32 v26, v5;
	s11 =	ssub.f32 $1.500000000e+00, s11  }
0xd7: {  	[tilespmem:v9+s24+$0xFFFFFE60 ss:$0x1] =	vst.idx.msk $0xffff, v35;
	v24 =	vadd.f32 v24, v6;
	v25 =	vmul.f32 v62, v25;
	v38 =	vmov s30;
	s2 =	smul.f32 s12, s2;
	s30 =	ssub.f32 $1.500000000e+00, s14  }
0xd8: {  	v23 =	vadd.f32 v23, v7;
	v22 =	vmul.f32 v62, v22;
	v21 =	vmul.f32 v62, v21;
	s4 =	smul.f32 s11, s4  }
0xd9: {  	v15 =	vmul.f32 v62, v15;
	v11 =	vsub.f32 v11, v39;
	v13 =	vsub.f32 v13, v39;
	s9 =	smul.f32 s9, s30  }
0xda: {  	[tilespmem:v9+s24+$0xFFFFFE70 ss:$0x1] =	vst.idx.msk $0xffff, v28;
	v12 =	vsub.f32 v12, v39;
	v25 =	vmul.f32 v25, v0;
	v28 =	vadd.f32 $0.0e+00, v38;
	s0 =	smul.f32 s4, s0  }
0xdb: {  	[tilespmem:v9+s24+$0xFFFFFE80 ss:$0x1] =	vst.idx.msk $0xffff, v34;
	v22 =	vmul.f32 v22, v1;
	v21 =	vmul.f32 v21, v2;
	s31 =	smul.f32 s9, s3  }
0xdc: {  	v10 =	vsub.f32 v10, v39;
	[tilespmem:v9+s24+$0xFFFFFE90 ss:$0x1] =	vst.idx.msk $0xffff, v26;
	v15 =	vmul.f32 v15, v3;
	v40 =	vbroadcast v28, $0x0;
	s0 =	smul.f32 s0, s4  }
0xdd: {  	[tilespmem:v9+s24+$0xFFFFFEA0 ss:$0x1] =	vst.idx.msk $0xffff, v24;
	v25 =	vadd.f32 v25, v4;
	v22 =	vadd.f32 v22, v5;
	s1 =	smul.f32 s31, s9  }
0xde: {  	v21 =	vadd.f32 v21, v6;
	v15 =	vadd.f32 v15, v7;
	v11 =	vmul.f32 v40, v11;
	s0 =	ssub.f32 $1.500000000e+00, s0  }
0xdf: {  	[tilespmem:v9+s24+$0xFFFFFEB0 ss:$0x1] =	vst.idx.msk $0xffff, v23;
	v13 =	vmul.f32 v40, v13;
	v12 =	vmul.f32 v40, v12;
	v43 =	vmov s2;
	s2 =	ssub.f32 $1.500000000e+00, s1  }
0xe0: {  	[tilespmem:v9+s24+$0xFFFFFEC0 ss:$0x1] =	vst.idx.msk $0xffff, v25;
	v10 =	vmul.f32 v40, v10;
	v11 =	vmul.f32 v11, v0;
	v45 =	vadd.f32 $0.0e+00, v43;
	s0 =	smul.f32 s0, s4  }
0xe1: {  	[tilespmem:v9+s24+$0xFFFFFED0 ss:$0x1] =	vst.idx.msk $0xffff, v22;
	v13 =	vmul.f32 v13, v1;
	v12 =	vmul.f32 v12, v2;
	s2 =	smul.f32 s2, s9  }
0xe2: {  	[tilespmem:v9+s24+$0xFFFFFEE0 ss:$0x1] =	vst.idx.msk $0xffff, v21;
	v10 =	vmul.f32 v10, v3;
	v11 =	vadd.f32 v11, v4;
	v46 =	vbroadcast v45, $0x0  }
0xe3: {  	[tilespmem:v9+s24+$0xFFFFFEF0 ss:$0x1] =	vst.idx.msk $0xffff, v15;
	v13 =	vadd.f32 v13, v5;
	v12 =	vadd.f32 v12, v6;
	v50 =	vmov s0;
	s4 =	smul.f32 s2, s3  }
0xe4: {  	v10 =	vadd.f32 v10, v7;
	[tilespmem:v9+s24+$0xFFFFFF00 ss:$0x1] =	vst.idx.msk $0xffff, v11;
	v11 =	vmul.f32 v46, v19;
	v53 =	vadd.f32 $0.0e+00, v50  }
0xe5: {  	[tilespmem:v9+s24+$0xFFFFFF10 ss:$0x1] =	vst.idx.msk $0xffff, v13;
	v51 =	vmul.f32 v46, v48;
	v16 =	vmul.f32 v46, v16;
	s0 =	smul.f32 s4, s2  }
0xe6: {  	v57 =	vsub.f32 v27, v52;
	[tilespmem:v9+s24+$0xFFFFFF20 ss:$0x1] =	vst.idx.msk $0xffff, v12;
	v11 =	vmul.f32 v11, v0;
	v55 =	vbroadcast v53, $0x0  }
0xe7: {  	v59 =	vmov s25;
	[tilespmem:v9+s24+$0xFFFFFF30 ss:$0x1] =	vst.idx.msk $0xffff, v10;
	v14 =	vmul.f32 v46, v14;
	v54 =	vmul.f32 v51, v1;
	s0 =	ssub.f32 $1.500000000e+00, s0  }
0xe8: {  	v16 =	vmul.f32 v16, v2;
	v11 =	vadd.f32 v11, v4;
	v17 =	vmul.f32 v55, v56  }
0xe9: {  	v14 =	vmul.f32 v14, v3;
	v12 =	vadd.f32 v54, v5;
	v58 =	vmul.f32 v55, v57;
	s0 =	smul.f32 s0, s2  }
0xea: {  	v60 =	vadd.f32 $0.0e+00, v59;
	v16 =	vadd.f32 v16, v6;
	[tilespmem:v9+s24+$0xFFFFFF40 ss:$0x1] =	vst.idx.msk $0xffff, v11;
	v10 =	vmul.f32 v17, v0  }
0xeb: {  	v11 =	vadd.f32 v14, v7;
	[tilespmem:v9+s24+$0xFFFFFF50 ss:$0x1] =	vst.idx.msk $0xffff, v12;
	v61 =	vmul.f32 v58, v1;
	v62 =	vmov s0  }
0xec: {  	v14 =	vbroadcast v60, $0x0;
	[tilespmem:v9+s24+$0xFFFFFF60 ss:$0x1] =	vst.idx.msk $0xffff, v16;
	v10 =	vadd.f32 v10, v4;
	v17 =	vadd.f32 $0.0e+00, v62  }
0xed: {  	v20 =	vsub.f32 v18, v52;
	[tilespmem:v9+s24+$0xFFFFFF70 ss:$0x1] =	vst.idx.msk $0xffff, v11;
	v11 =	vadd.f32 v61, v5  }
0xee: {  	v22 =	vsub.f32 v30, v14;
	[tilespmem:v9+s24+$0xFFFFFF80 ss:$0x1] =	vst.idx.msk $0xffff, v10;
	v10 =	vmul.f32 v55, v63;
	v21 =	vbroadcast v17, $0x0  }
0xef: {  	v23 =	vsub.f32 v31, v14;
	[tilespmem:v9+s24+$0xFFFFFF90 ss:$0x1] =	vst.idx.msk $0xffff, v11;
	v11 =	vmul.f32 v55, v20  }
0xf0: {  	v25 =	vsub.f32 v32, v14;
	v10 =	vmul.f32 v10, v2;
	v24 =	vmul.f32 v21, v22  }
0xf1: {  	v14 =	vsub.f32 v33, v14;
	v11 =	vmul.f32 v11, v3;
	v12 =	vmul.f32 v21, v23  }
0xf2: {  	v10 =	vadd.f32 v10, v6;
	v16 =	vmul.f32 v21, v25;
	v13 =	vmul.f32 v24, v0  }
0xf3: {  	v14 =	vmul.f32 v21, v14;
	v11 =	vadd.f32 v11, v7;
	v12 =	vmul.f32 v12, v1  }
0xf4: {  	[tilespmem:v9+s24+$0xFFFFFFA0 ss:$0x1] =	vst.idx.msk $0xffff, v10;
	v26 =	vmul.f32 v16, v2;
	v10 =	vadd.f32 v13, v4  }
0xf5: {  	v27 =	vmul.f32 v14, v3;
	[tilespmem:v9+s24+$0xFFFFFFB0 ss:$0x1] =	vst.idx.msk $0xffff, v11;
	v11 =	vadd.f32 v12, v5  }
0xf6: {  	[tilespmem:v9+s24+$0xFFFFFFC0 ss:$0x1] =	vst.idx.msk $0xffff, v10;
	v10 =	vadd.f32 v26, v6  }
0xf7: {  	[tilespmem:v9+s24+$0xFFFFFFD0 ss:$0x1] =	vst.idx.msk $0xffff, v11;
	v11 =	vadd.f32 v27, v7  }
0xf8: {  	[tilespmem:v9+s24+$0xFFFFFFE0 ss:$0x1] =	vst.idx.msk $0xffff, v10  }
0xf9: {  	[tilespmem:v9+s24+$0xFFFFFFF0 ss:$0x1] =	vst.idx.msk $0xffff, v11  }
0xfa: {  	v41 =	vld.idx.msk [tilespmem:v8+s24+$0x0 ss:$0x1], $0xffff  }
0xfb: {  	v40 =	vld.idx.msk [tilespmem:v8+s24+$0x10 ss:$0x1], $0xffff  }
0xfc: {  	v38 =	vld.idx.msk [tilespmem:v8+s24+$0x20 ss:$0x1], $0xffff  }
0xfd: {  	v39 =	vld.idx.msk [tilespmem:v8+s24+$0x30 ss:$0x1], $0xffff;
	_ =	sdelay $0x3  }
0xfe: {  	v10 =	vmul.f32 v41, v41;
	v11 =	vmul.f32 v40, v40  }
0xff: {  	v28 =	vmul.f32 v38, v38;
	v29 =	vmul.f32 v39, v39  }
0x100: {  	v30 =	vadd.f32 v40, v41;
	v31 =	vadd.f32 v39, v38  }
0x101: {  	v10 =	vadd.f32 v11, v10;
	v11 =	vadd.f32 v29, v28  }
0x102: {  	v37 =	vld.idx.msk [tilespmem:v8+s24+$0x40 ss:$0x1], $0xffff;
	v32 =	vadd.f32 v31, v30  }
0x103: {  	v36 =	vld.idx.msk [tilespmem:v8+s24+$0x50 ss:$0x1], $0xffff;
	v10 =	vadd.f32 v11, v10  }
0x104: {  	v28 =	vld.idx.msk [tilespmem:v8+s24+$0x60 ss:$0x1], $0xffff;
	(xrf2) =	vadd.scan.msk.f32 $0xffff, v32  }
0x105: {  	v30 =	vld.idx.msk [tilespmem:v8+s24+$0x70 ss:$0x1], $0xffff;
	(xrf2) =	vadd.scan.msk.f32 $0xffff, v10;
	_ =	sdelay $0x3  }
0x106: {  	v35 =	vadd.f32 v36, v37;
	v11 =	vmul.f32 v36, v36;
	v10 =	vmul.f32 v37, v37  }
0x107: {  	v33 =	vmul.f32 v28, v28;
	v34 =	vmul.f32 v30, v30;
	v42 =	vadd.f32 v30, v28  }
0x108: {  	v10 =	vadd.f32 v11, v10  }
0x109: {  	v11 =	vadd.f32 v34, v33;
	v44 =	vadd.f32 v42, v35;
	_ =	sdelay $0x1  }
0x10a: {  	v27 =	vld.idx.msk [tilespmem:v8+s24+$0x80 ss:$0x1], $0xffff;
	v10 =	vadd.f32 v11, v10;
	v43, _, _ =	vpop (xrf2);
	(xrf2) =	vadd.scan.msk.f32 $0xffff, v44  }
0x10b: {  	v26 =	vld.idx.msk [tilespmem:v8+s24+$0x90 ss:$0x1], $0xffff;
	(v2sf) =	vpush v43, $0xF;
	v45, _, _ =	vpop (xrf2)  }
0x10c: {  	v19 =	vld.idx.msk [tilespmem:v8+s24+$0xA0 ss:$0x1], $0xffff;
	(xrf2) =	vadd.scan.msk.f32 $0xffff, v10;
	(v2sf) =	vpush v45, $0xF  }
0x10d: {  	v20 =	vld.idx.msk [tilespmem:v8+s24+$0xB0 ss:$0x1], $0xffff;
	_ =	sdelay $0x3  }
0x10e: {  	v46 =	vadd.f32 v26, v27;
	v47 =	vmul.f32 v19, v19  }
0x10f: {  	v48 =	vmul.f32 v20, v20;
	v50 =	vadd.f32 v20, v19;
	v11 =	vmul.f32 v26, v26  }
0x110: {  	v10 =	vmul.f32 v27, v27  }
0x111: {  	v13 =	vadd.f32 v48, v47;
	v12 =	vadd.f32 v50, v46;
	v49, _, _ =	vpop (xrf2)  }
0x112: {  	v10 =	vadd.f32 v11, v10;
	(v2sf) =	vpush v49, $0xF  }
0x113: {  	(xrf2) =	vadd.scan.msk.f32 $0xffff, v12;
	v11, _, _ =	vpop (xrf2)  }
0x114: {  	v18 =	vld.idx.msk [tilespmem:v8+s24+$0xC0 ss:$0x1], $0xffff;
	v10 =	vadd.f32 v13, v10;
	(v2sf) =	vpush v11, $0xF  }
0x115: {  	v17 =	vld.idx.msk [tilespmem:v8+s24+$0xD0 ss:$0x1], $0xffff  }
0x116: {  	v15 =	vld.idx.msk [tilespmem:v8+s24+$0xE0 ss:$0x1], $0xffff;
	(xrf2) =	vadd.scan.msk.f32 $0xffff, v10  }
0x117: {  	v12 =	vld.idx.msk [tilespmem:v8+s24+$0xF0 ss:$0x1], $0xffff;
	s5 =	spop (v2sf)  }
0x118: {  	s25 =	smul.f32 $1.562500000e-02, s5;
	s9 =	spop (v2sf)  }
0x119: {  	s0 =	smul.f32 $1.562500000e-02, s9  }
0x11a: {  	s11 =	smul.f32 s25, s25  }
0x11b: {  	v51 =	vmul.f32 v15, v15  }
0x11c: {  	v53 =	vadd.f32 v17, v18;
	v10 =	vmul.f32 v18, v18;
	v54 =	vadd.f32 v12, v15;
	s0 =	ssub.f32 s0, s11  }
0x11d: {  	v11 =	vmul.f32 v17, v17;
	v52 =	vmul.f32 v12, v12;
	v55, _, _ =	vpop (xrf2)  }
0x11e: {  	v56 =	vadd.f32 v54, v53;
	(v2sf) =	vpush v55, $0xF;
	s0 =	smax.f32 s0, $0.0e+00  }
0x11f: {  	v10 =	vadd.f32 v11, v10;
	v11 =	vadd.f32 v52, v51;
	s0 =	sadd.f32 $9.999999740e-06, s0  }
0x120: {  	(xrf2) =	vadd.scan.msk.f32 $0xffff, v56;
	v57, _, _ =	vpop (xrf2)  }
0x121: {  	v10 =	vadd.f32 v11, v10;
	(v2sf) =	vpush v57, $0xF;
	s12 =	sshrl.u32 s0, $0x1;
	s3 =	smul.f32 $5.000000000e-01, s0;
	s16 =	spop (v2sf)  }
0x122: {  	s14 =	ssub.s32 $0x5F3759DF, s12;
	s26 =	smul.f32 $1.562500000e-02, s16  }
0x123: {  	(xrf2) =	vadd.scan.msk.f32 $0xffff, v10;
	s2 =	smul.f32 s14, s3;
	s17 =	spop (v2sf)  }
0x124: {  	s4 =	smul.f32 $1.562500000e-02, s17  }
0x125: {  	s20 =	smul.f32 s26, s26  }
0x126: {  	v21 =	vld.idx.msk [tilespmem:v8+s24+$0x100 ss:$0x1], $0xffff  }
0x127: {  	v23 =	vld.idx.msk [tilespmem:v8+s24+$0x110 ss:$0x1], $0xffff;
	s2 =	smul.f32 s14, s2;
	s4 =	ssub.f32 s4, s20  }
0x128: {  	v22 =	vld.idx.msk [tilespmem:v8+s24+$0x120 ss:$0x1], $0xffff  }
0x129: {  	v16 =	vld.idx.msk [tilespmem:v8+s24+$0x130 ss:$0x1], $0xffff;
	s2 =	ssub.f32 $1.500000000e+00, s2;
	s4 =	smax.f32 s4, $0.0e+00  }
0x12a: {  	v10, _, _ =	vpop (xrf2);
	s4 =	sadd.f32 $9.999999740e-06, s4  }
0x12b: {  	(v2sf) =	vpush v10, $0xF;
	s0 =	smul.f32 s14, s2  }
0x12c: {  	v58 =	vmul.f32 v21, v21;
	s2 =	smul.f32 $5.000000000e-01, s4  }
0x12d: {  	v59 =	vmul.f32 v23, v23;
	v60 =	vmul.f32 v22, v22;
	v62 =	vadd.f32 v23, v21;
	v11, _, _ =	vpop (xrf2);
	s28 =	sshrl.u32 s4, $0x1;
	s29 =	smul.f32 s0, s3;
	s31 =	spop (v2sf)  }
0x12e: {  	v14 =	vld.idx.msk [tilespmem:v8+s24+$0x140 ss:$0x1], $0xffff;
	v61 =	vmul.f32 v16, v16;
	v63 =	vadd.f32 v16, v22;
	(v2sf) =	vpush v11, $0xF;
	s9 =	ssub.s32 $0x5F3759DF, s28;
	s28 =	smul.f32 $1.562500000e-02, s31  }
0x12f: {  	v24 =	vadd.f32 v59, v58;
	v13 =	vld.idx.msk [tilespmem:v8+s24+$0x150 ss:$0x1], $0xffff;
	s30 =	smul.f32 s9, s2  }
0x130: {  	v42 =	vadd.f32 v61, v60;
	v43 =	vadd.f32 v63, v62;
	v10 =	vld.idx.msk [tilespmem:v8+s24+$0x170 ss:$0x1], $0xffff;
	s4 =	smul.f32 s29, s0;
	s1 =	spop (v2sf)  }
0x131: {  	v11 =	vld.idx.msk [tilespmem:v8+s24+$0x160 ss:$0x1], $0xffff;
	s12 =	smul.f32 $1.562500000e-02, s1  }
0x132: {  	v24 =	vadd.f32 v42, v24;
	(xrf2) =	vadd.scan.msk.f32 $0xffff, v43;
	s5 =	smul.f32 s28, s28  }
0x133: {  	s11 =	smul.f32 s9, s30;
	s4 =	ssub.f32 $1.500000000e+00, s4  }
0x134: {  	(xrf2) =	vadd.scan.msk.f32 $0xffff, v24;
	s16 =	ssub.f32 s12, s5  }
0x135: {  	v44 =	vmul.f32 v14, v14;
	v45 =	vmul.f32 v13, v13;
	s11 =	ssub.f32 $1.500000000e+00, s11  }
0x136: {  	v47 =	vmul.f32 v10, v10;
	v46 =	vmul.f32 v11, v11;
	s0 =	smul.f32 s4, s0  }
0x137: {  	v48 =	vadd.f32 v13, v14;
	v49 =	vadd.f32 v10, v11;
	s17 =	smax.f32 s16, $0.0e+00;
	s4 =	smul.f32 s9, s11  }
0x138: {  	v25 =	vadd.f32 v45, v44;
	v29 =	vadd.f32 v47, v46;
	s3 =	smul.f32 s0, s3;
	s9 =	sadd.f32 $9.999999740e-06, s17  }
0x139: {  	v24 =	vadd.f32 v49, v48;
	s20 =	smul.f32 s4, s2  }
0x13a: {  	v25 =	vadd.f32 v29, v25;
	s29 =	sshrl.u32 s9, $0x1;
	s9 =	smul.f32 $5.000000000e-01, s9;
	s31 =	spop (v2sf)  }
0x13b: {  	(xrf2) =	vadd.scan.msk.f32 $0xffff, v24;
	s12 =	ssub.s32 $0x5F3759DF, s29;
	s29 =	smul.f32 $1.562500000e-02, s31  }
0x13c: {  	v31 =	vld.idx.msk [tilespmem:v8+s24+$0x180 ss:$0x1], $0xffff;
	v50, _, _ =	vpop (xrf2);
	(xrf2) =	vadd.scan.msk.f32 $0xffff, v25;
	s11 =	smul.f32 s20, s4  }
0x13d: {  	(v2sf) =	vpush v50, $0xF;
	v29 =	vld.idx.msk [tilespmem:v8+s24+$0x190 ss:$0x1], $0xffff;
	s30 =	smul.f32 s12, s9;
	s1 =	spop (v2sf)  }
0x13e: {  	v51, _, _ =	vpop (xrf2);
	v24 =	vld.idx.msk [tilespmem:v8+s24+$0x1B0 ss:$0x1], $0xffff;
	s16 =	smul.f32 $1.562500000e-02, s1  }
0x13f: {  	(v2sf) =	vpush v51, $0xF;
	v25 =	vld.idx.msk [tilespmem:v8+s24+$0x1A0 ss:$0x1], $0xffff;
	s5 =	smul.f32 s29, s29;
	s11 =	ssub.f32 $1.500000000e+00, s11  }
0x140: {  	s14 =	smul.f32 s12, s30  }
0x141: {  	s16 =	ssub.f32 s16, s5;
	s4 =	smul.f32 s11, s4  }
0x142: {  	s3 =	smul.f32 s3, s0;
	s11 =	ssub.f32 $1.500000000e+00, s14  }
0x143: {  	v54 =	vmul.f32 v31, v31;
	v55 =	vmul.f32 v29, v29;
	s14 =	smax.f32 s16, $0.0e+00;
	s2 =	smul.f32 s4, s2  }
0x144: {  	v57 =	vmul.f32 v24, v24;
	v58 =	vadd.f32 v29, v31;
	v56 =	vmul.f32 v25, v25;
	s20 =	sadd.f32 $9.999999740e-06, s14;
	s11 =	smul.f32 s12, s11  }
0x145: {  	v59 =	vadd.f32 v24, v25;
	v33 =	vadd.f32 v55, v54;
	v52, _, _ =	vpop (xrf2);
	s17 =	smul.f32 s2, s4  }
0x146: {  	v34 =	vadd.f32 v57, v56;
	(v2sf) =	vpush v52, $0xF;
	v53, _, _ =	vpop (xrf2);
	s30 =	sshrl.u32 s20, $0x1;
	s2 =	smul.f32 $5.000000000e-01, s20  }
0x147: {  	v32 =	vld.idx.msk [tilespmem:v8+s24+$0x1C0 ss:$0x1], $0xffff;
	v60 =	vadd.f32 v59, v58;
	(v2sf) =	vpush v53, $0xF;
	s31 =	smul.f32 s11, s9;
	s12 =	ssub.s32 $0x5F3759DF, s30  }
0x148: {  	v35 =	vld.idx.msk [tilespmem:v8+s24+$0x1F0 ss:$0x1], $0xffff;
	s3 =	ssub.f32 $1.500000000e+00, s3;
	s1 =	smul.f32 s12, s2  }
0x149: {  	v61 =	vadd.f32 v34, v33;
	v33 =	vld.idx.msk [tilespmem:v8+s24+$0x1D0 ss:$0x1], $0xffff;
	(xrf2) =	vadd.scan.msk.f32 $0xffff, v60;
	s14 =	smul.f32 s31, s11  }
0x14a: {  	s3 =	smul.f32 s3, s0;
	v34 =	vld.idx.msk [tilespmem:v8+s24+$0x1E0 ss:$0x1], $0xffff;
	s16 =	ssub.f32 $1.500000000e+00, s17  }
0x14b: {  	s17 =	smul.f32 s12, s1;
	s14 =	ssub.f32 $1.500000000e+00, s14  }
0x14c: {  	(xrf2) =	vadd.scan.msk.f32 $0xffff, v61;
	s0 =	smul.f32 s16, s4;
	s16 =	spop (v2sf)  }
0x14d: {  	s31 =	smul.f32 $1.562500000e-02, s16;
	s5 =	ssub.f32 $1.500000000e+00, s17  }
0x14e: {  	v62 =	vmul.f32 v32, v32;
	s11 =	smul.f32 s14, s11;
	s17 =	spop (v2sf)  }
0x14f: {  	v49 =	vmul.f32 v35, v35;
	v50 =	vadd.f32 v33, v32;
	v51 =	vadd.f32 v35, v34;
	s14 =	smul.f32 $1.562500000e-02, s17  }
0x150: {  	v63 =	vmul.f32 v33, v33;
	v48 =	vmul.f32 v34, v34;
	s20 =	smul.f32 s31, s31  }
0x151: {  	v54 =	vadd.f32 v51, v50;
	s4 =	smul.f32 s12, s5  }
0x152: {  	v42 =	vadd.f32 v63, v62;
	v52 =	vadd.f32 v49, v48;
	s9 =	smul.f32 s11, s9;
	s14 =	ssub.f32 s14, s20  }
0x153: {  	v53, _, _ =	vpop (xrf2);
	(xrf2) =	vadd.scan.msk.f32 $0xffff, v54;
	s12 =	smul.f32 s4, s2  }
0x154: {  	v42 =	vadd.f32 v52, v42;
	(v2sf) =	vpush v53, $0xF;
	s9 =	smul.f32 s9, s11;
	s14 =	smax.f32 s14, $0.0e+00  }
0x155: {  	s12 =	smul.f32 s12, s4;
	s30 =	spop (v2sf)  }
0x156: {  	v55, _, _ =	vpop (xrf2);
	(xrf2) =	vadd.scan.msk.f32 $0xffff, v42;
	s30 =	smul.f32 $1.562500000e-02, s30;
	s1 =	spop (v2sf)  }
0x157: {  	s12 =	ssub.f32 $1.500000000e+00, s12;
	s16 =	smul.f32 $1.562500000e-02, s1  }
0x158: {  	s14 =	sadd.f32 $9.999999740e-06, s14;
	s5 =	smul.f32 s30, s30  }
0x159: {  	s12 =	smul.f32 s12, s4  }
0x15a: {  	(v2sf) =	vpush v55, $0xF;
	s17 =	smul.f32 $5.000000000e-01, s14;
	s1 =	sshrl.u32 s14, $0x1;
	s20 =	ssub.f32 s16, s5  }
0x15b: {  	s16 =	ssub.s32 $0x5F3759DF, s1;
	s2 =	smul.f32 s12, s2  }
0x15c: {  	s1 =	smul.f32 s16, s17;
	s5 =	smax.f32 s20, $0.0e+00  }
0x15d: {  	v58, _, _ =	vpop (xrf2);
	s14 =	smul.f32 s2, s12;
	s20 =	sadd.f32 $9.999999740e-06, s5  }
0x15e: {  	s9 =	ssub.f32 $1.500000000e+00, s9;
	(v2sf) =	vpush v58, $0xF;
	s1 =	smul.f32 s16, s1  }
0x15f: {  	s5 =	sshrl.u32 s20, $0x1;
	s2 =	smul.f32 $5.000000000e-01, s20  }
0x160: {  	s4 =	smul.f32 s9, s11;
	v59, _, _ =	vpop (xrf2);
	s1 =	ssub.f32 $1.500000000e+00, s1;
	s20 =	ssub.s32 $0x5F3759DF, s5  }
0x161: {  	v56 =	vmov s25;
	(v2sf) =	vpush v59, $0xF;
	s25 =	ssub.f32 $1.500000000e+00, s14;
	s5 =	smul.f32 s20, s2  }
0x162: {  	v60 =	vmov s26;
	s1 =	smul.f32 s16, s1  }
0x163: {  	v57 =	vmov s3;
	v44 =	vadd.f32 $0.0e+00, v60;
	s3 =	smul.f32 s25, s12;
	s12 =	spop (v2sf)  }
0x164: {  	s26 =	smul.f32 $1.562500000e-02, s12  }
0x165: {  	v44 =	vbroadcast v44, $0x0;
	s5 =	smul.f32 s20, s5  }
0x166: {  	v43 =	vadd.f32 $0.0e+00, v57;
	s11 =	smul.f32 s1, s17  }
0x167: {  	v37 =	vsub.f32 v37, v44;
	v42 =	vadd.f32 $0.0e+00, v56;
	s25 =	smul.f32 s26, s26;
	s5 =	ssub.f32 $1.500000000e+00, s5  }
0x168: {  	v43 =	vbroadcast v43, $0x0;
	v36 =	vsub.f32 v36, v44;
	v28 =	vsub.f32 v28, v44;
	s9 =	smul.f32 s11, s1  }
0x169: {  	v30 =	vsub.f32 v30, v44;
	v48 =	vmov s29;
	v42 =	vbroadcast v42, $0x0;
	s16 =	spop (v2sf);
	s5 =	smul.f32 s20, s5  }
0x16a: {  	v62 =	vmov s28;
	v61 =	vmov s0;
	v52 =	vadd.f32 $0.0e+00, v48;
	s9 =	ssub.f32 $1.500000000e+00, s9;
	s20 =	smul.f32 $1.562500000e-02, s16  }
0x16b: {  	v51 =	vmov s31;
	v41 =	vsub.f32 v41, v42;
	v40 =	vsub.f32 v40, v42;
	s14 =	smul.f32 s5, s2  }
0x16c: {  	v53 =	vbroadcast v52, $0x0;
	v38 =	vsub.f32 v38, v42;
	v39 =	vsub.f32 v39, v42;
	s12 =	smul.f32 s9, s1;
	s0 =	ssub.f32 s20, s25  }
0x16d: {  	v42 =	vadd.f32 $0.0e+00, v61;
	v41 =	vmul.f32 v43, v41;
	v40 =	vmul.f32 v43, v40;
	s28 =	spop (v2sf);
	s16 =	smul.f32 s14, s5  }
0x16e: {  	v18 =	vsub.f32 v18, v53;
	v38 =	vmul.f32 v43, v38;
	v39 =	vmul.f32 v43, v39;
	s9 =	smul.f32 s12, s17;
	s0 =	smax.f32 s0, $0.0e+00  }
0x16f: {  	v17 =	vsub.f32 v17, v53;
	v42 =	vbroadcast v42, $0x0;
	v41 =	vmul.f32 v41, v0;
	s25 =	smul.f32 $1.562500000e-02, s28;
	s0 =	sadd.f32 $9.999999740e-06, s0  }
0x170: {  	v43 =	vadd.f32 $0.0e+00, v62;
	v40 =	vmul.f32 v40, v1;
	v38 =	vmul.f32 v38, v2;
	s14 =	spop (v2sf);
	s9 =	smul.f32 s9, s12  }
0x171: {  	v39 =	vmul.f32 v39, v3;
	v37 =	vmul.f32 v42, v37;
	v49 =	vmov s3;
	s1 =	ssub.f32 $1.500000000e+00, s16;
	s3 =	smul.f32 $1.562500000e-02, s14  }
0x172: {  	v15 =	vsub.f32 v15, v53;
	v36 =	vmul.f32 v42, v36;
	v43 =	vbroadcast v43, $0x0;
	s17 =	sshrl.u32 s0, $0x1;
	s0 =	smul.f32 $5.000000000e-01, s0  }
0x173: {  	v12 =	vsub.f32 v12, v53;
	v28 =	vmul.f32 v42, v28;
	v30 =	vmul.f32 v42, v30;
	s1 =	smul.f32 s1, s5  }
0x174: {  	v63 =	vmov s4;
	v41 =	vadd.f32 v41, v4;
	v40 =	vadd.f32 v40, v5;
	s20 =	ssub.s32 $0x5F3759DF, s17;
	s5 =	smul.f32 s25, s25  }
0x175: {  	v38 =	vadd.f32 v38, v6;
	v39 =	vadd.f32 v39, v7;
	v37 =	vmul.f32 v37, v0;
	s29 =	smul.f32 s20, s0  }
0x176: {  	v44 =	vadd.f32 $0.0e+00, v63;
	v36 =	vmul.f32 v36, v1;
	v27 =	vsub.f32 v27, v43;
	s2 =	smul.f32 s1, s2  }
0x177: {  	v28 =	vmul.f32 v28, v2;
	v26 =	vsub.f32 v26, v43;
	v19 =	vsub.f32 v19, v43;
	s3 =	ssub.f32 s3, s5;
	s16 =	smul.f32 s20, s29  }
0x178: {  	v30 =	vmul.f32 v30, v3;
	v20 =	vsub.f32 v20, v43;
	v59 =	vadd.f32 $0.0e+00, v51;
	s9 =	ssub.f32 $1.500000000e+00, s9;
	s2 =	smul.f32 s2, s1  }
0x179: {  	v50 =	vbroadcast v44, $0x0;
	v37 =	vadd.f32 v37, v4;
	v36 =	vadd.f32 v36, v5;
	s3 =	smax.f32 s3, $0.0e+00;
	s5 =	ssub.f32 $1.500000000e+00, s16  }
0x17a: {  	[tilespmem:v9+s24+$0x0 ss:$0x1] =	vst.idx.msk $0xffff, v41;
	v28 =	vadd.f32 v28, v6;
	v30 =	vadd.f32 v30, v7;
	v60 =	vbroadcast v59, $0x0;
	s9 =	smul.f32 s9, s12;
	s17 =	sadd.f32 $9.999999740e-06, s3  }
0x17b: {  	v57 =	vmov s30;
	[tilespmem:v9+s24+$0x10 ss:$0x1] =	vst.idx.msk $0xffff, v40;
	v27 =	vmul.f32 v50, v27;
	v26 =	vmul.f32 v50, v26;
	s2 =	ssub.f32 $1.500000000e+00, s2;
	s4 =	smul.f32 s20, s5  }
0x17c: {  	[tilespmem:v9+s24+$0x20 ss:$0x1] =	vst.idx.msk $0xffff, v38;
	v19 =	vmul.f32 v50, v19;
	v20 =	vmul.f32 v50, v20;
	v38 =	vadd.f32 $0.0e+00, v57;
	s3 =	smul.f32 $5.000000000e-01, s17  }
0x17d: {  	[tilespmem:v9+s24+$0x30 ss:$0x1] =	vst.idx.msk $0xffff, v39;
	v21 =	vsub.f32 v21, v60;
	v23 =	vsub.f32 v23, v60;
	s20 =	sshrl.u32 s17, $0x1;
	s1 =	smul.f32 s2, s1  }
0x17e: {  	v22 =	vsub.f32 v22, v60;
	v27 =	vmul.f32 v27, v0;
	v26 =	vmul.f32 v26, v1;
	s5 =	ssub.s32 $0x5F3759DF, s20;
	s28 =	smul.f32 s4, s0  }
0x17f: {  	v16 =	vsub.f32 v16, v60;
	v19 =	vmul.f32 v19, v2;
	v20 =	vmul.f32 v20, v3;
	s29 =	smul.f32 s5, s3  }
0x180: {  	[tilespmem:v9+s24+$0x40 ss:$0x1] =	vst.idx.msk $0xffff, v37;
	v40 =	vbroadcast v38, $0x0;
	v27 =	vadd.f32 v27, v4;
	v54 =	vadd.f32 $0.0e+00, v49;
	s2 =	smul.f32 s28, s4  }
0x181: {  	[tilespmem:v9+s24+$0x50 ss:$0x1] =	vst.idx.msk $0xffff, v36;
	v26 =	vadd.f32 v26, v5;
	v19 =	vadd.f32 v19, v6;
	v58 =	vmov s1;
	s1 =	smul.f32 s5, s29  }
0x182: {  	[tilespmem:v9+s24+$0x60 ss:$0x1] =	vst.idx.msk $0xffff, v28;
	v20 =	vadd.f32 v20, v7;
	v14 =	vsub.f32 v14, v40;
	v55 =	vbroadcast v54, $0x0;
	s2 =	ssub.f32 $1.500000000e+00, s2  }
0x183: {  	v13 =	vsub.f32 v13, v40;
	v11 =	vsub.f32 v11, v40;
	[tilespmem:v9+s24+$0x70 ss:$0x1] =	vst.idx.msk $0xffff, v30;
	v56 =	vmov s9;
	s1 =	ssub.f32 $1.500000000e+00, s1  }
0x184: {  	[tilespmem:v9+s24+$0x80 ss:$0x1] =	vst.idx.msk $0xffff, v27;
	v18 =	vmul.f32 v55, v18;
	v17 =	vmul.f32 v55, v17;
	v61 =	vadd.f32 $0.0e+00, v56;
	s2 =	smul.f32 s2, s4  }
0x185: {  	v36 =	vmov s26;
	[tilespmem:v9+s24+$0x90 ss:$0x1] =	vst.idx.msk $0xffff, v26;
	v15 =	vmul.f32 v55, v15;
	v12 =	vmul.f32 v55, v12;
	s1 =	smul.f32 s5, s1  }
0x186: {  	v10 =	vsub.f32 v10, v40;
	[tilespmem:v9+s24+$0xA0 ss:$0x1] =	vst.idx.msk $0xffff, v19;
	v18 =	vmul.f32 v18, v0;
	v62 =	vbroadcast v61, $0x0;
	s0 =	smul.f32 s2, s0  }
0x187: {  	v45 =	vadd.f32 $0.0e+00, v36;
	[tilespmem:v9+s24+$0xB0 ss:$0x1] =	vst.idx.msk $0xffff, v20;
	v17 =	vmul.f32 v17, v1;
	v15 =	vmul.f32 v15, v2;
	s30 =	smul.f32 s1, s3  }
0x188: {  	v12 =	vmul.f32 v12, v3;
	v18 =	vadd.f32 v18, v4;
	v63 =	vmul.f32 v62, v21;
	s0 =	smul.f32 s0, s2  }
0x189: {  	v17 =	vadd.f32 v17, v5;
	v27 =	vmul.f32 v62, v23;
	v37 =	vmul.f32 v62, v22;
	s4 =	smul.f32 s30, s1  }
0x18a: {  	v15 =	vadd.f32 v15, v6;
	v16 =	vmul.f32 v62, v16;
	v20 =	vmul.f32 v63, v0;
	s0 =	ssub.f32 $1.500000000e+00, s0  }
0x18b: {  	v21 =	vmul.f32 v27, v1;
	v39 =	vmul.f32 v37, v2;
	v41 =	vadd.f32 $0.0e+00, v58;
	s4 =	ssub.f32 $1.500000000e+00, s4  }
0x18c: {  	v12 =	vadd.f32 v12, v7;
	[tilespmem:v9+s24+$0xC0 ss:$0x1] =	vst.idx.msk $0xffff, v18;
	v44 =	vmul.f32 v16, v3;
	v16 =	vbroadcast v45, $0x0;
	s0 =	smul.f32 s0, s2  }
0x18d: {  	[tilespmem:v9+s24+$0xD0 ss:$0x1] =	vst.idx.msk $0xffff, v17;
	v20 =	vadd.f32 v20, v4;
	v21 =	vadd.f32 v21, v5;
	v43 =	vbroadcast v41, $0x0;
	s1 =	smul.f32 s4, s1  }
0x18e: {  	[tilespmem:v9+s24+$0xE0 ss:$0x1] =	vst.idx.msk $0xffff, v15;
	v42 =	vadd.f32 v39, v6;
	v48 =	vsub.f32 v31, v16  }
0x18f: {  	[tilespmem:v9+s24+$0xF0 ss:$0x1] =	vst.idx.msk $0xffff, v12;
	v12 =	vadd.f32 v44, v7;
	v14 =	vmul.f32 v43, v14;
	v46 =	vmov s0;
	s31 =	smul.f32 s1, s3  }
0x190: {  	[tilespmem:v9+s24+$0x100 ss:$0x1] =	vst.idx.msk $0xffff, v20;
	v13 =	vmul.f32 v43, v13;
	v11 =	vmul.f32 v43, v11;
	v19 =	vadd.f32 $0.0e+00, v46  }
0x191: {  	v10 =	vmul.f32 v43, v10;
	[tilespmem:v9+s24+$0x110 ss:$0x1] =	vst.idx.msk $0xffff, v21;
	v14 =	vmul.f32 v14, v0;
	s0 =	smul.f32 s31, s1  }
0x192: {  	v50 =	vsub.f32 v29, v16;
	[tilespmem:v9+s24+$0x120 ss:$0x1] =	vst.idx.msk $0xffff, v42;
	v13 =	vmul.f32 v13, v1;
	v47 =	vbroadcast v19, $0x0  }
0x193: {  	v11 =	vmul.f32 v11, v2;
	v10 =	vmul.f32 v10, v3;
	v14 =	vadd.f32 v14, v4;
	s0 =	ssub.f32 $1.500000000e+00, s0  }
0x194: {  	[tilespmem:v9+s24+$0x130 ss:$0x1] =	vst.idx.msk $0xffff, v12;
	v13 =	vadd.f32 v13, v5;
	v49 =	vmul.f32 v47, v48  }
0x195: {  	v53 =	vmov s25;
	v11 =	vadd.f32 v11, v6;
	[tilespmem:v9+s24+$0x140 ss:$0x1] =	vst.idx.msk $0xffff, v14;
	v52 =	vmul.f32 v47, v50;
	s0 =	smul.f32 s0, s1  }
0x196: {  	v54 =	vadd.f32 $0.0e+00, v53;
	v10 =	vadd.f32 v10, v7;
	[tilespmem:v9+s24+$0x150 ss:$0x1] =	vst.idx.msk $0xffff, v13;
	v51 =	vmul.f32 v49, v0  }
0x197: {  	[tilespmem:v9+s24+$0x160 ss:$0x1] =	vst.idx.msk $0xffff, v11;
	v11 =	vsub.f32 v25, v16;
	v55 =	vmul.f32 v52, v1;
	v56 =	vmov s0  }
0x198: {  	v14 =	vbroadcast v54, $0x0;
	v12 =	vadd.f32 v51, v4;
	v17 =	vadd.f32 $0.0e+00, v56  }
0x199: {  	v57 =	vsub.f32 v24, v16;
	[tilespmem:v9+s24+$0x170 ss:$0x1] =	vst.idx.msk $0xffff, v10;
	v10 =	vadd.f32 v55, v5  }
0x19a: {  	v59 =	vsub.f32 v32, v14;
	v11 =	vmul.f32 v47, v11;
	[tilespmem:v9+s24+$0x180 ss:$0x1] =	vst.idx.msk $0xffff, v12;
	v58 =	vbroadcast v17, $0x0  }
0x19b: {  	v60 =	vsub.f32 v33, v14;
	[tilespmem:v9+s24+$0x190 ss:$0x1] =	vst.idx.msk $0xffff, v10;
	v10 =	vmul.f32 v47, v57  }
0x19c: {  	v62 =	vsub.f32 v34, v14;
	v11 =	vmul.f32 v11, v2;
	v61 =	vmul.f32 v58, v59  }
0x19d: {  	v14 =	vsub.f32 v35, v14;
	v13 =	vmul.f32 v58, v60;
	v10 =	vmul.f32 v10, v3  }
0x19e: {  	v11 =	vadd.f32 v11, v6;
	v16 =	vmul.f32 v58, v62;
	v15 =	vmul.f32 v61, v0  }
0x19f: {  	v12 =	vmul.f32 v58, v14;
	v13 =	vmul.f32 v13, v1;
	v10 =	vadd.f32 v10, v7  }
0x1a0: {  	p1 =	sne.s32 s23, $0xF000;
	[tilespmem:v9+s24+$0x1A0 ss:$0x1] =	vst.idx.msk $0xffff, v11;
	v63 =	vmul.f32 v16, v2;
	v11 =	vadd.f32 v15, v4  }
.Ltmp3:
0x1a1: {  	v12 =	vmul.f32 v12, v3;
	[tilespmem:v9+s24+$0x1B0 ss:$0x1] =	vst.idx.msk $0xffff, v10;
	v10 =	vadd.f32 v13, v5;
	(pc) =	sbr.rel @p1 .LBB2_7-.Ltmp3, $4  }
0x1a2: {  	[tilespmem:v9+s24+$0x1C0 ss:$0x1] =	vst.idx.msk $0xffff, v11;
	v11 =	vadd.f32 v63, v6  }
0x1a3: {  	[tilespmem:v9+s24+$0x1D0 ss:$0x1] =	vst.idx.msk $0xffff, v10;
	v10 =	vadd.f32 v12, v7  }
0x1a4: {  	[tilespmem:v9+s24+$0x1E0 ss:$0x1] =	vst.idx.msk $0xffff, v11  }
0x1a5: {  	s23 =	sadd.s32 $0x1000, s23;
	[tilespmem:v9+s24+$0x1F0 ss:$0x1] =	vst.idx.msk $0xffff, v10  }
0x1a6: {  	s0 =	sshll.u32 s21, $0xE;
	s21 =	sadd.s32 $0x1, s21  }
0x1a7: {  	p1 =	sne.s32 s21, $0x64  }
.Ltmp4:
0x1a8: {  	_ = 	snop;
	(pc) =	sbr.rel @p1 .LBB2_2-.Ltmp4, $4  }
0x1a9: {  	s0 =	sadd.s32 s10, s0  }
0x1aa: {  	s1 =	sshll.u32 s22, $0xE;
	s2 =	rddreg [dreg:$0x4];
	s0 =	sshrl.u32 s0, $0x3  }
0x1ab: {  	p0 =	por !p0, !p0;
	s1 =	sor.u32 $0x8200, s1;
	s0 =	sadd.s32 s2, s0  }
0x1ac: {  	[hbm4b:s0+s6] =	stream.linear.scatter [tilespmem:s1], [sflag:$0x2], $0x4000, $0x38;
	[tilespmem:$0x10280] =	vst v63  }
0x1ad: {  	_ =	swait.ge [sflag:s19], $0x4000  }
0x1ae: {  	s1 =	rddreg [dreg:$0x8]  }
0x1af: {  	s0 =	rddreg [dreg:$0x7];
	s1 =	sadd.s32 $0x1, s1  }
0x1b0: {  	p0 =	sne.s32 s1, s0  }
.Ltmp5:
0x1b1: {  	_ = 	snop;
	(pc) =	sbr.rel @p0 .LBB2_1-.Ltmp5, $3  }
0x1b2: {  	_ =	sdelay $0x1  }
0x1b3: {  	[sflag:s19] =	ssyncset.done $0x0  }
0x1b4: {  	[sflag:s19] =	ssyncadd.s32 $0xFFFFC000  }
0x1b5: {  	_ =	sfence.sel $0x180000  }
0x1b6: {  	[bflag:$0x0] =	sbarrier.arrive $0xFFFF  }
0x1b7: {  	_ =	strace $0x90000047  }
0x1b8: {  	s0 =	stileid.u32;
	[bflag:$0x2] =	sbarrier.arrive $0xFFFF  }
0x1b9: {  	p0 =	sne.s32 s0, $0x0;
	s0 =	rddreg [dreg:$0x5]  }
0x1ba: {  	s0 =	sadd.s32 @!p0 $0x100000, s0  }
0x1bb: {  	[sflag:s0] =	ssyncadd.tile.s32 @!p0 $0x1;
	_ =	shalt  }
.Lfunc_end2:
_tile_overlayer_lowered:
.L_overlay_start_2:
0x1bc: {  	(tag) =	ssettag $0x2  }
0x1bd: {  	s0 =	rddreg [dreg:$0x0];
	s2 =	stileid.u32  }
0x1be: {  	s1 =	rddreg [dreg:$0x1];
	p0 =	sne.s32 s2, $0x0  }
0x1bf: {  	s3 =	rddreg [dreg:$0x2];
	[bflag:$0x3] =	sbarrier.arrive $0xFFFF;
	s2 =	simm.s32 @!p0 $0x1C03  }
0x1c0: {  	[timem:s3], [sflag:s2] =	dma.local @!p0 [hbm:s0], s1  }
0x1c1: {  	s0 =	simm.s32 @!p0 $0x3  }
0x1c2: {  	_ =	swait.ge @!p0 [sflag:s0], s1  }
0x1c3: {  	s1 =	ssub.s32 @!p0 $0x0, s1;
	[sflag:s0] =	ssyncset.done @!p0 $0x0  }
0x1c4: {  	[sflag:s0] =	ssyncadd.s32 @!p0 s1  }
0x1c5: {  	[bflag:$0x3] =	sbarrier.arrive $0xFFFF  }
0x1c6: {  	_ =	shalt  }

// kernel: sparse-core-data-format-call.cloned.1.call-start
scs
called_computation_lowered:
.L_overlay_start_0:
0x0: {  	s2 =	sld [smem:$0x3FD9]  }
0x1: {  	s3 =	sld [smem:$0x3FFE];
	_ =	sdelay $0x1  }
0x2: {  	s1 =	srdreg.scid  }
0x3: {  	s0 =	sand.u32 $0x1, s1  }
0x4: {  	s18 =	sshll.u32 s0, $0xA;
	s2 =	sadd.s32 s3, s2  }
0x5: {  	s2 =	sadd.s32 s2, s18  }
0x6: {  	[smem:$0x3FC4] =	sst s2  }
0x7: {  	_ = 	snop  }
0x8: {  	s2 =	sld [smem:$0x3FD0];
	(tm) =	ssettm $0x1  }
0x9: {  	s19 =	sld [smem:$0x3FFB];
	_ =	sdelay $0x3  }
0xa: {  	_ =	strace s19  }
0xb: {  	s3 =	sld [smem:$0x3FFC];
	_ =	sdelay $0x3  }
0xc: {  	_ =	strace s3  }
0xd: {  	s3 =	sld [smem:$0x3FFD];
	_ =	sdelay $0x3  }
0xe: {  	_ =	strace s3  }
0xf: {  	_ =	strace $0x8FFFFFFF  }
0x10: {  	s20 =	sld [smem:$0x3FDB];
	_ =	sdelay $0x1  }
0x11: {  	s4 =	simm.s32 $_scs_section_size  }
0x12: {  	s5 =	simm.s32 $_size__tile_overlayer_lowered;
	s6 =	simm.s32 $_tile_overlayer_lowered  }
0x13: {  	s23 =	simm.s32 $0x1BFF;
	s22 =	sshll.u32 s6, $0x1;
	s3 =	sadd.s32 s4, s20  }
0x14: {  	s7 =	simm.s32 $0x0;
	s21 =	sshll.u32 s5, $0x1;
	s5 =	sadd.s32 s22, s3  }
0x15: {  	[timem:s7], [sflag:s23] =	dma.local [hbm:s5], s21  }
0x16: {  	_ =	swait.ge [sflag:s23], s21  }
0x17: {  	s4 =	ssub.s32 $0x0, s21;
	[sflag:s23] =	ssyncset.done $0x0  }
0x18: {  	[sflag:s23] =	ssyncadd.s32 s4;
	_ =	sdelay $0x1  }
0x19: {  	s24 =	simm.s32 $0x1B8B  }
0x1a: {  	_ =	swait.ge [sflag:s24], $0x1  }
0x1b: {  	[sflag:s24] =	ssyncset.done $0x0  }
0x1c: {  	s26 =	simm.s32 $0x1B8E;
	s25 =	sld [smem:$0x3FFE];
	[sflag:s24] =	ssyncadd.s32 $0xFFFFFFFF  }
0x1d: {  	s27 =	simm.s32 $execute0_lowered;
	[smem:$0x3FD2] =	sst s26  }
0x1e: {  	s5 =	sshll.u32 s27, $0x1;
	_ =	strace $0x80000049;
	[dreg:$0x1] =	wrdreg $0xFFFFFFFF  }
0x1f: {  	s28 =	simm.s32 $_size_execute0_lowered;
	s3 =	sadd.s32 s3, s5;
	[dreg:$0x0] =	wrdreg $0x0  }
0x20: {  	s5 =	sshll.u32 s28, $0x1;
	[dreg:$0x2] =	wrdreg s3  }
0x21: {  	[dreg:$0x3] =	wrdreg s5  }
0x22: {  	[dreg:$0x4] =	wrdreg $0xC0  }
0x23: {  	_ =	task [dreg:s7], $0x5FFFF  }
0x24: {  	[dreg:$0x1] =	wrdreg $0xFFFFFFFF  }
0x25: {  	[dreg:$0x0] =	wrdreg $0x60  }
0x26: {  	[dreg:$0x2] =	wrdreg s25  }
0x27: {  	[dreg:$0x3] =	wrdreg s2  }
0x28: {  	[dreg:$0x4] =	wrdreg $0x9  }
0x29: {  	_ =	task.clear_ibuf [dreg:s7], $0x5FFFF;
	_ =	strace $0x90000049  }
0x2a: {  	s29 =	simm.s32 $0x9;
	_ =	strace $0x8000004B  }
0x2b: {  	_ =	swait.ge [sflag:s29], $0x1  }
0x2c: {  	[sflag:s29] =	ssyncadd.s32 $0xFFFFFFFF  }
0x2d: {  	_ =	strace $0x9000004B  }
0x2e: {  	_ =	sfence  }
0x2f: {  	s30 =	sld [smem:$0x0];
	_ =	sdelay $0x2  }
0x30: {  	s31 =	sshll.u32 s1, $0xD;
	s1 =	sshrl.u32 s1, $0x2  }
0x31: {  	s3 =	sand.u32 $0x4000, s31;
	s1 =	sadd.s32 s1, s30  }
0x32: {  	s0 =	sor.u32 s3, s0;
	s1 =	sshll.u32 s1, $0x11  }
0x33: {  	s0 =	sor.u32 s1, s0  }
0x34: {  	s0 =	sadd.s32 $0x8F2B, s0  }
0x35: {  	[sflag:s0] =	ssyncadd.remote.s32 $0x1  }
0x36: {  	_ =	sfence.sel $0xFFFF  }
0x37: {  	[dreg:$0x0] =	wrdreg $0xFFFFFFFF;
	(pc) =	sbr.abs _section_cstart, $3  }
0x38: {  	[dreg:$0x1] =	wrdreg $0xFFFFFFFF  }
0x39: {  	_ =	task.clear_ibuf [dreg:s7], $0x2FFFF;
	_ =	strace $0x9FFFFFFF  }
0x3a: {  	(tm) =	ssettm $0x7FFFFFFF  }
0x3b: {  	_ =	shalt  }
tec
execute0_lowered:
.L_overlay_start_1:
0x0: {  	(tag) =	ssettag $0x1  }
0x1: {  	s0 =	srdreg.scid  }
0x2: {  	s1 =	sshll.u32 s0, $0x4  }
0x3: {  	s4 =	rddreg [dreg:$0x0];
	s0 =	stileid.u32;
	s1 =	sand.u32 $0x10, s1  }
0x4: {  	s2 =	rddreg [dreg:$0x1];
	s7 =	simm.s32 $0x1;
	s1 =	sor.u32 s0, s1  }
0x5: {  	s8 =	simm.s32 $0x2;
	s11 =	simm.s32 $0x0;
	s3 =	sshll.u32 s1, $0x7  }
0x6: {  	s10 =	simm.s32 $0x0;
	s4 =	sadd.s32 $0x800, s4;
	s6 =	ssub.s32 $0xC8000, s3  }
.Ltmp0:
0x7: {  	s1 =	rddreg [dreg:$0x2];
	s5 =	sand.u32 $0xF80, s6;
	(pc) =	sbr.rel .LBB1_1-.Ltmp0, $4  }
0x8: {  	_ =	strace $0x8000004A;
	s9 =	smov.u32 s3;
	p0 =	sne.s32 s5, $0x0  }
0x9: {  	s6 =	sshrl.u32 s6, $0xC;
	s5 =	simm.s32 $0x1;
	s7 =	simm.s32 @!p0 $0x0  }
0xa: {  	[sflag:s5] =	ssyncpa.u1 $0x0;
	p0 =	por $0x0, $0x0;
	s6 =	sadd.s32 s7, s6  }
0xb: {  	[sflag:s8] =	ssyncpa.u1 $0x0;
	s8 =	simm.s32 $0x640000;
	s7 =	sadd.s32 $0x1, s6  }
.LBB1_4:
0xc: {  	s14 =	sshll.u32 s11, $0x3  }
0xd: {  	s30 =	sand.u32 $0x7F, s11;
	s15 =	sand.u32 $0xFFFFFC00, s14  }
0xe: {  	s11 =	sor.u32 s30, s15  }
0xf: {  	s15 =	smulhi.u32 $0x51EB851F, s11  }
0x10: {  	s14 =	smulhi.u32 $0x51EB851F, s14  }
0x11: {  	s15 =	sshrl.u32 s15, $0x12  }
0x12: {  	s14 =	sshrl.u32 s14, $0x12;
	s15 =	smul.u32 $0xC8000, s15  }
0x13: {  	s14 =	sand.u32 $0x3F, s14  }
0x14: {  	s14 =	smul.u32 $0x19000, s14;
	s11 =	ssub.s32 s11, s15  }
0x15: {  	[tilespmem:s13+$0x810 ss:$0x81] =	vst.msk $0xffff, v2;
	s15 =	sand.u32 $0x7, s11  }
0x16: {  	[tilespmem:s13+$0x1020 ss:$0x81] =	vst.msk $0xffff, v0;
	s14 =	sadd.s32 s2, s14;
	s11 =	sshrl.u32 s11, $0x3;
	s15 =	sshll.u32 s15, $0x12  }
0x17: {  	[tilespmem:s13+$0x0 ss:$0x81] =	vst.msk $0xffff, v1;
	s11 =	sadd.s32 s11, s14;
	s31 =	sor.u32 $0x400, s15  }
0x18: {  	[hbm4b:s11+s31] =	stream.strided.scatter [tilespmem:s12], [sflag:$0x2], $0x2000, s8, s31, $0x20;
	[tilespmem:$0x8080] =	vst v63  }
.LBB1_5:
0x19: {  	s13 =	sadd.s32 $0x1000, s9  }
0x1a: {  	p2 =	sgt.s32 s13, $0xC7FFF  }
0x1b: {  	s13 =	smov.u32 @p2 s3;
	p2 =	sne.s32 s10, s7  }
.Ltmp1:
0x1c: {  	p1 =	slt.u32 s10, $0x2;
	(pc) =	sbr.rel @!p2 .LBB1_6-.Ltmp1, $4  }
0x1d: {  	s12 =	simm.s32 @!p1 $0x2  }
0x1e: {  	s14 =	sadd.s32 $0x1, s10;
	_ =	swait.ge @!p1 [sflag:s12], $0x2000  }
0x1f: {  	s11 =	smov.u32 s9;
	p0 =	por !p0, !p0;
	[sflag:s12] =	ssyncset.done @!p1 $0x0  }
0x20: {  	s10 =	smov.u32 s14;
	s9 =	smov.u32 s13;
	[sflag:s12] =	ssyncadd.s32 @!p1 $0xFFFFE000  }
.LBB1_1:
0x21: {  	p1 =	sge.u32 s10, s6  }
0x22: {  	s12 =	sand.u32 @!p1 $0x1FFFFFF, s9  }
0x23: {  	s13 =	smulhi.u32 @!p1 $0x147AE15, s12;
	_ =	sdelay $0x1  }
0x24: {  	s13 =	sshrl.u32 @!p1 s13, $0xC  }
0x25: {  	s13 =	smul.u32 @!p1 $0xC8000, s13;
	_ =	sdelay $0x1  }
0x26: {  	s31 =	sadd.s32 $0xFFFFFFFF, s10;
	s14 =	sxor.u32 @!p1 $0xFFFFFFFF, s10;
	s12 =	ssub.s32 @!p1 s12, s13  }
0x27: {  	s15 =	simm.s32 @!p1 $0x80;
	s14 =	sshll.u32 @!p1 s14, $0xD;
	s12 =	sshll.u32 @!p1 s12, $0x4  }
0x28: {  	s13 =	sand.u32 @!p1 $0x2000, s14;
	s14 =	simm.s32 @!p1 $0x40;
	s12 =	sadd.s32 @!p1 s4, s12  }
0x29: {  	[tilespmem:s13], [sflag:$0x1] =	stream.strided.gather @!p1 [hbm4b:s12+s14], $0x2000, s15, s14, $0x38;
	[tilespmem:$0x8080] =	vst v63  }
0x2a: {  	p1 =	sge.u32 s31, s6  }
.Ltmp2:
0x2b: {  	_ = 	snop;
	(pc) =	sbr.rel @p1 .LBB1_5-.Ltmp2, $1  }
0x2c: {  	_ =	sdelay $0x3  }
0x2d: {  	s12 =	simm.s32 $0x1  }
0x2e: {  	_ =	swait.ge [sflag:s5], $0x2000;
	s12 =	simm.s32 @!p0 $0x0  }
0x2f: {  	[sflag:s5] =	ssyncset.done $0x0;
	s13 =	sshll.u32 s12, $0xD  }
0x30: {  	[sflag:s5] =	ssyncadd.s32 $0xFFFFE000;
	s16 =	sor.u32 $0x20, s13  }
0x31: {  	s12 =	smul.u32 $0x8100, s12;
	v3 =	vld [tilespmem:s16+$0x10]  }
0x32: {  	s30 =	sand.u32 $0x1, s10;
	v2 =	vld [tilespmem:s16+$0xFFFFFFF0]  }
0x33: {  	s13 =	smul.u32 $0x8100, s30;
	s12 =	sshrl.u32 s12, $0x2;
	v0 =	vld [tilespmem:s16+$0x0]  }
0x34: {  	v1 =	vld [tilespmem:s16+$0xFFFFFFE0];
	s14 =	sor.u32 $0x4000, s12  }
0x35: {  	s31 =	sshrl.u32 s13, $0x2;
	s13 =	sadd.s32 $0x0, s14  }
0x36: {  	s15 =	simm.s32 $0x4;
	s16 =	sadd.s32 $0x40, s16;
	s12 =	sor.u32 $0x4000, s31;
	[tilespmem:s13+$0x1830 ss:$0x81] =	vst.msk $0xffff, v3  }
.LBB1_3:
0x37: {  	v3 =	vld [tilespmem:s16+$0x10];
	p1 =	sne.s32 s15, $0x1FC;
	[tilespmem:s13+$0x810 ss:$0x81] =	vst.msk $0xffff, v2;
	s17 =	smov.u32 s15;
	s15 =	sadd.s32 $0x4, s15  }
.Ltmp3:
0x38: {  	v2 =	vld [tilespmem:s16+$0xFFFFFFF0];
	[tilespmem:s13+$0x1020 ss:$0x81] =	vst.msk $0xffff, v0;
	(pc) =	sbr.rel @p1 .LBB1_3-.Ltmp3, $4  }
0x39: {  	v0 =	vld [tilespmem:s16+$0x0];
	[tilespmem:s13+$0x0 ss:$0x81] =	vst.msk $0xffff, v1  }
0x3a: {  	s13 =	sshra.s32 s17, $0x2;
	v1 =	vld [tilespmem:s16+$0xFFFFFFE0]  }
0x3b: {  	s13 =	sadd.s32 s13, s14  }
0x3c: {  	s16 =	sadd.s32 $0x40, s16;
	[tilespmem:s13+$0x1830 ss:$0x81] =	vst.msk $0xffff, v3  }
.Ltmp4:
0x3d: {  	_ = 	snop;
	(pc) =	sbr.rel .LBB1_4-.Ltmp4, $1  }
0x3e: {  	_ =	sdelay $0x3  }
.LBB1_6:
0x3f: {  	_ =	sfence.sel $0x180000  }
0x40: {  	s2 =	simm.s32 $0x1;
	[bflag:$0x0] =	sbarrier.arrive $0xFFFF  }
0x41: {  	s31 =	simm.s32 $0x2;
	[sflag:s2] =	ssyncpa.u1 $0x1  }
0x42: {  	[sflag:s31] =	ssyncpa.u1 $0x1  }
0x43: {  	p0 =	sne.s32 s0, $0x0;
	_ =	strace $0x9000004A  }
0x44: {  	s0 =	sadd.s32 @!p0 $0x100000, s1;
	[bflag:$0x2] =	sbarrier.arrive $0xFFFF  }
0x45: {  	[sflag:s0] =	ssyncadd.tile.s32 @!p0 $0x1;
	_ =	shalt  }
.Lfunc_end1:
_tile_overlayer_lowered:
.L_overlay_start_2:
0x46: {  	(tag) =	ssettag $0x2  }
0x47: {  	s0 =	rddreg [dreg:$0x0];
	s2 =	stileid.u32  }
0x48: {  	s1 =	rddreg [dreg:$0x1];
	p0 =	sne.s32 s2, $0x0  }
0x49: {  	s3 =	rddreg [dreg:$0x2];
	[bflag:$0x3] =	sbarrier.arrive $0xFFFF;
	s2 =	simm.s32 @!p0 $0x1C01  }
0x4a: {  	[timem:s3], [sflag:s2] =	dma.local @!p0 [hbm:s0], s1  }
0x4b: {  	s0 =	simm.s32 @!p0 $0x1  }
0x4c: {  	_ =	swait.ge @!p0 [sflag:s0], s1  }
0x4d: {  	s1 =	ssub.s32 @!p0 $0x0, s1;
	[sflag:s0] =	ssyncset.done @!p0 $0x0  }
0x4e: {  	[sflag:s0] =	ssyncadd.s32 @!p0 s1  }
0x4f: {  	[bflag:$0x3] =	sbarrier.arrive $0xFFFF  }
0x50: {  	_ =	shalt  }

</sc_bundles>
